<compile_context>
chip_gen: v7x
topology: tpu7x:2x2x1
jax: 0.10.2.dev20260603
libtpu: 0.0.44.dev20260713+nightly
codegen_flags: <defaults>
</compile_context>

<pallas_src>
import functools

import jax
import jax.numpy as jnp
import numpy as np
from jax import lax
from jax.experimental import pallas as pl
from jax.experimental.pallas import tpu as pltpu
from jax.experimental.pallas import tpu_sc as plsc

N_WORD = 100000
N_DOC = 10000
N_TOPIC = 512
D = 5
DP = 8
NC, NS = 2, 16
NW = NC * NS
WIN = 1024
PADR = 64

NWP = 100096
NDP = 10112
NTP = 768


def _pad_edges(src, dst, n_src, n_dst):
    e = src.shape[0]
    step = 2 * NW * WIN
    e_pad = ((e + step - 1) // step) * step
    pad = e_pad - e
    if pad:
        r = jnp.arange(pad, dtype=jnp.int32) % PADR
        src = jnp.concatenate([src.astype(jnp.int32), n_src + r])
        dst = jnp.concatenate([dst.astype(jnp.int32), n_dst + r])
    else:
        src = src.astype(jnp.int32)
        dst = dst.astype(jnp.int32)
    return src, dst, e_pad


def _pad_feats(h, n_pad):
    n = h.shape[0]
    hp = jnp.zeros((n_pad, DP), jnp.float32)
    hp = hp.at[:n, :D].set(h)
    hp = hp.at[:n, D].set(1.0)
    return hp


_DEG_ACC = (0, 0, 0, 1, 2)
_DEG_SEQ = (0, 1, 2, 0, 1)


def _deg_body(npads, e_pads, *refs):
    n_rel = len(e_pads)
    srcs = refs[:n_rel]
    zeros_hbm, ones_hbm = refs[n_rel], refs[n_rel + 1]
    outs = refs[n_rel + 2:2 * n_rel + 2]
    idx_a, idx_b, ones_v, sem_ia, sem_ib = refs[2 * n_rel + 2:2 * n_rel + 7]
    accs = refs[2 * n_rel + 7:]

    c = lax.axis_index("c")
    s = lax.axis_index("s")
    wid = s * NC + c

    for acc, npad in zip(accs, (npads[0], npads[3], npads[4])):
        sl = npad // NS
        pltpu.sync_copy(zeros_hbm.at[pl.ds(0, sl)], acc.at[pl.ds(s * sl, sl)])
    pltpu.sync_copy(ones_hbm, ones_v)
    plsc.subcore_barrier()

    n_seq = max(_DEG_SEQ) + 1
    for step in range(n_seq):
        rels = [r for r in range(n_rel) if _DEG_SEQ[r] == step]
        for r in rels:
            src, acc, e_pad = srcs[r], accs[_DEG_ACC[r]], e_pads[r]
            k = e_pad // (NW * WIN)
            kh = k // 2
            base = wid * k * WIN
            pltpu.async_copy(src.at[pl.ds(base, WIN)], idx_a, sem_ia)

            def body(j, _, src=src, acc=acc, base=base, kh=kh):
                oa = base + (2 * j) * WIN
                ob = oa + WIN
                pltpu.make_async_copy(src.at[pl.ds(oa, WIN)], idx_a,
                                      sem_ia).wait()
                pltpu.async_copy(src.at[pl.ds(ob, WIN)], idx_b, sem_ib)
                pltpu.sync_copy(ones_v, acc.at[idx_a], add=True)
                pltpu.make_async_copy(src.at[pl.ds(ob, WIN)], idx_b,
                                      sem_ib).wait()

                @pl.when(j < kh - 1)
                def _():
                    nxt = base + (2 * j + 2) * WIN
                    pltpu.async_copy(src.at[pl.ds(nxt, WIN)], idx_a, sem_ia)

                pltpu.sync_copy(ones_v, acc.at[idx_b], add=True)
                return 0

            lax.fori_loop(0, kh, body, 0)
        plsc.subcore_barrier()
        for r in rels:
            acc, out, npad = accs[_DEG_ACC[r]], outs[r], npads[r]
            sl = npad // NS
            pltpu.sync_copy(acc.at[pl.ds(s * sl, sl)],
                            out.at[c, pl.ds(s * sl, sl)])
            if _DEG_ACC[r] == 0 and step < n_seq - 1:
                pltpu.sync_copy(zeros_hbm.at[pl.ds(0, sl)],
                                acc.at[pl.ds(s * sl, sl)])
        plsc.subcore_barrier()


def _degrees(srcs, npads, e_pads):
    zeros_hbm = jnp.zeros((NWP // NS, DP), jnp.float32)
    ones_hbm = jnp.ones((WIN, DP), jnp.float32)
    mesh = plsc.VectorSubcoreMesh(core_axis_name="c", subcore_axis_name="s")
    body = functools.partial(_deg_body, npads, e_pads)
    return pl.kernel(
        body,
        out_type=tuple(
            jax.ShapeDtypeStruct((NC, npad, DP), jnp.float32)
            for npad in npads
        ),
        mesh=mesh,
        compiler_params=pltpu.CompilerParams(use_tc_tiling_on_sc=False),
        scratch_types=[
            pltpu.VMEM((WIN,), jnp.int32),
            pltpu.VMEM((WIN,), jnp.int32),
            pltpu.VMEM((WIN, DP), jnp.float32),
            pltpu.SemaphoreType.DMA,
            pltpu.SemaphoreType.DMA,
        ] + [pltpu.VMEM_SHARED((npad, DP), jnp.float32)
             for npad in (npads[0], npads[3], npads[4])],
    )(*srcs, zeros_hbm, ones_hbm)


def _tables_body(hp, *refs):
    n_rel = len(refs) // 2
    degs = refs[:n_rel]
    outs = refs[n_rel:]
    h = hp[...]
    lane = lax.broadcasted_iota(jnp.int32, h.shape, 1) % DP
    feat = lane < D
    for d_ref, o_ref in zip(degs, outs):
        deg = d_ref[0] + d_ref[1]
        scale = lax.rsqrt(jnp.maximum(deg, 1.0))
        o_ref[...] = jnp.where(feat, h * scale, h)


def _tables(hp, degs, npad16, bn):
    n_rel = len(degs)
    grid = npad16 // bn
    return pl.pallas_call(
        _tables_body,
        grid=(grid,),
        in_specs=[pl.BlockSpec((bn, 128), lambda i: (i, 0))] + [
            pl.BlockSpec((NC, bn, 128), lambda i: (0, i, 0))
            for _ in range(n_rel)
        ],
        out_specs=[pl.BlockSpec((bn, 128), lambda i: (i, 0))
                   for _ in range(n_rel)],
        out_shape=[jax.ShapeDtypeStruct((npad16, 128), jnp.float32)
                   for _ in range(n_rel)],
    )(hp, *degs)


_MAIN_STAGE = (0, 1, 2, 2, 2)


def _main_body(npads, e_pads, acc_map, *refs):
    n_rel = len(e_pads)
    tabs = refs[:n_rel]
    srcs = refs[n_rel:2 * n_rel]
    dsts = refs[2 * n_rel:3 * n_rel]
    zeros_hbm = refs[3 * n_rel]
    outs = refs[3 * n_rel + 1:4 * n_rel + 1]
    (idx_sa, idx_sb, idx_da, idx_db, rows_a, rows_b,
     sem_ia, sem_ib, sem_ga, sem_gb) = refs[4 * n_rel + 1:4 * n_rel + 11]
    accs = refs[4 * n_rel + 11:]
    big = accs[0]

    c = lax.axis_index("c")
    s = lax.axis_index("s")
    wid = s * NC + c
    slw = NWP // NS

    for acc, npad in zip(accs, npads):
        sl = npad // NS
        pltpu.sync_copy(zeros_hbm.at[pl.ds(0, sl)], acc.at[pl.ds(s * sl, sl)])
    for r in range(n_rel):
        src, dst, e_pad = srcs[r], dsts[r], e_pads[r]
        acc = accs[acc_map[r]]
        if r == 0:
            tab = tabs[0]
        elif r in (1, 2):
            plsc.subcore_barrier()
            pltpu.sync_copy(tabs[r].at[pl.ds(s * slw, slw)],
                            big.at[pl.ds(s * slw, slw)])
            plsc.subcore_barrier()
            tab = big
        else:
            tab = tabs[r]
        k = e_pad // (NW * WIN)
        kh = k // 2
        base = wid * k * WIN

        pltpu.async_copy(src.at[pl.ds(base, WIN)], idx_sa, sem_ia)
        pltpu.async_copy(dst.at[pl.ds(base, WIN)], idx_da, sem_ia)

        def body(j, _, tab=tab, src=src, dst=dst, acc=acc,
                 base=base, kh=kh):
            oa = base + (2 * j) * WIN
            ob = oa + WIN
            pltpu.make_async_copy(src.at[pl.ds(oa, WIN)], idx_sa,
                                  sem_ia).wait()
            pltpu.make_async_copy(dst.at[pl.ds(oa, WIN)], idx_da,
                                  sem_ia).wait()
            pltpu.async_copy(tab.at[idx_sa], rows_a, sem_ga)

            @pl.when(j > 0)
            def _():
                pltpu.make_async_copy(tab.at[idx_sb], rows_b, sem_gb).wait()
                pltpu.sync_copy(rows_b, acc.at[idx_db], add=True)

            pltpu.async_copy(src.at[pl.ds(ob, WIN)], idx_sb, sem_ib)
            pltpu.async_copy(dst.at[pl.ds(ob, WIN)], idx_db, sem_ib)

            pltpu.make_async_copy(src.at[pl.ds(ob, WIN)], idx_sb,
                                  sem_ib).wait()
            pltpu.make_async_copy(dst.at[pl.ds(ob, WIN)], idx_db,
                                  sem_ib).wait()
            pltpu.async_copy(tab.at[idx_sb], rows_b, sem_gb)
            pltpu.make_async_copy(tab.at[idx_sa], rows_a, sem_ga).wait()
            pltpu.sync_copy(rows_a, acc.at[idx_da], add=True)

            @pl.when(j < kh - 1)
            def _():
                nxt = base + (2 * j + 2) * WIN
                pltpu.async_copy(src.at[pl.ds(nxt, WIN)], idx_sa, sem_ia)
                pltpu.async_copy(dst.at[pl.ds(nxt, WIN)], idx_da, sem_ia)
            return 0

        lax.fori_loop(0, kh, body, 0)
        pltpu.make_async_copy(tab.at[idx_sb], rows_b, sem_gb).wait()
        pltpu.sync_copy(rows_b, acc.at[idx_db], add=True)

        if r == 0:
            plsc.subcore_barrier()
            pltpu.sync_copy(big.at[pl.ds(s * slw, slw)],
                            outs[0].at[c, pl.ds(s * slw, slw)])

    plsc.subcore_barrier()
    for j, out in enumerate(outs):
        if j == 0:
            continue
        acc, npad = accs[acc_map[j]], npads[acc_map[j]]
        sl = npad // NS
        pltpu.sync_copy(acc.at[pl.ds(s * sl, sl)], out.at[c, pl.ds(s * sl, sl)])


def _main_pass(tabs, srcs, dsts, npads, e_pads, acc_map):
    zeros_hbm = jnp.zeros((NWP // NS, DP), jnp.float32)
    mesh = plsc.VectorSubcoreMesh(core_axis_name="c", subcore_axis_name="s")
    body = functools.partial(_main_body, npads, e_pads, acc_map)
    return pl.kernel(
        body,
        out_type=tuple(
            jax.ShapeDtypeStruct((NC, npads[acc_map[r]], DP), jnp.float32)
            for r in range(len(tabs))
        ),
        mesh=mesh,
        compiler_params=pltpu.CompilerParams(use_tc_tiling_on_sc=False),
        scratch_types=[
            pltpu.VMEM((WIN,), jnp.int32),
            pltpu.VMEM((WIN,), jnp.int32),
            pltpu.VMEM((WIN,), jnp.int32),
            pltpu.VMEM((WIN,), jnp.int32),
            pltpu.VMEM((WIN, DP), jnp.float32),
            pltpu.VMEM((WIN, DP), jnp.float32),
            pltpu.SemaphoreType.DMA,
            pltpu.SemaphoreType.DMA,
            pltpu.SemaphoreType.DMA,
            pltpu.SemaphoreType.DMA,
        ] + [pltpu.VMEM_SHARED((NWP, DP), jnp.float32),
        ] + [pltpu.VMEM_SHARED((npad, DP), jnp.float32) for npad in npads],
    )(*tabs, *srcs, *dsts, zeros_hbm)


def _post_body(sel, *refs):
    n_rel = (len(refs) - 1) // 3
    accs = refs[:n_rel]
    bws = refs[n_rel:2 * n_rel]
    bias = refs[2 * n_rel:3 * n_rel]
    out = refs[3 * n_rel]

    def conv(a_ref, bw_ref, b_ref):
        sm = a_ref[0] + a_ref[1]
        cnt = lax.dot_general(sm, sel[...], (((1,), (0,)), ((), ())),
                              preferred_element_type=jnp.float32)
        scale = lax.rsqrt(jnp.maximum(cnt, 1.0))
        return lax.dot_general(sm * scale, bw_ref[...],
                               (((1,), (0,)), ((), ())),
                               preferred_element_type=jnp.float32) + b_ref[...]

    acc = conv(accs[0], bws[0], bias[0])
    for r in range(1, n_rel):
        acc = acc + conv(accs[r], bws[r], bias[r])
    out[...] = acc


def _post(accs, bws, bias, sel, npad16, bn):
    n_rel = len(accs)
    grid = npad16 // bn
    return pl.pallas_call(
        functools.partial(_post_body),
        grid=(grid,),
        in_specs=[pl.BlockSpec((128, 128), lambda i: (0, 0))]
        + [pl.BlockSpec((NC, bn, 128), lambda i: (0, i, 0))
           for _ in range(n_rel)]
        + [pl.BlockSpec((128, 128), lambda i: (0, 0)) for _ in range(n_rel)]
        + [pl.BlockSpec((1, 128), lambda i: (0, 0)) for _ in range(n_rel)],
        out_specs=pl.BlockSpec((bn, 128), lambda i: (i, 0)),
        out_shape=jax.ShapeDtypeStruct((npad16, 128), jnp.float32),
    )(sel, *accs, *bws, *bias)


def _pack(x, npad):
    return x.reshape(x.shape[:-2] + (npad // 16, 128))


def _mk_sel():
    s = np.zeros((128, 128), np.float32)
    for r in range(16):
        s[8 * r + D, 8 * r:8 * r + D] = 1.0
    return jnp.asarray(s)


def _mk_bw(w):
    wp = jnp.zeros((DP, DP), jnp.float32).at[:D, :D].set(w)
    return jnp.kron(jnp.eye(16, dtype=jnp.float32), wp)


def _mk_bias(b):
    return jnp.tile(jnp.pad(b, (0, DP - D)), 16)[None, :]


def kernel(h_doc, h_word, h_topic, wt_src, wt_dst, ww_src, ww_dst,
           wd_src, wd_dst, td_src, td_dst, tt_src, tt_dst,
           W_wt, b_wt, W_ww, b_ww, W_wd, b_wd, W_td, b_td, W_tt, b_tt):
    ww_s, ww_d, e_ww = _pad_edges(ww_src, ww_dst, N_WORD, N_WORD)
    wd_s, wd_d, e_wd = _pad_edges(wd_src, wd_dst, N_WORD, N_DOC)
    wt_s, wt_d, e_wt = _pad_edges(wt_src, wt_dst, N_WORD, N_TOPIC)
    td_s, td_d, e_td = _pad_edges(td_src, td_dst, N_TOPIC, N_DOC)
    tt_s, tt_d, e_tt = _pad_edges(tt_src, tt_dst, N_TOPIC, N_TOPIC)

    degs = _degrees(
        (ww_s, wd_s, wt_s, td_s, tt_s),
        (NWP, NWP, NWP, NTP, NTP),
        (e_ww, e_wd, e_wt, e_td, e_tt),
    )
    degs_p = [_pack(d, npad)
              for d, npad in zip(degs, (NWP, NWP, NWP, NTP, NTP))]

    hp_word = _pack(_pad_feats(h_word, NWP), NWP)
    hp_topic = _pack(_pad_feats(h_topic, NTP), NTP)
    tw = _tables(hp_word, degs_p[:3], NWP // 16, NWP // 32)
    tt_tabs = _tables(hp_topic, degs_p[3:], NTP // 16, NTP // 16)
    t_ww, t_wd, t_wt = (t.reshape(NWP, DP) for t in tw)
    t_td, t_tt = (t.reshape(NTP, DP) for t in tt_tabs)

    a_ww, a_wd, a_wt, a_td, a_tt = _main_pass(
        (t_ww, t_wd, t_wt, t_td, t_tt),
        (ww_s, wd_s, wt_s, td_s, tt_s),
        (ww_d, wd_d, wt_d, td_d, tt_d),
        (NWP, NDP, NDP, NTP, NTP),
        (e_ww, e_wd, e_wt, e_td, e_tt),
        (0, 1, 3, 2, 4),
    )

    sel = _mk_sel()
    r_word = _post((_pack(a_ww, NWP),), (_mk_bw(W_ww),), (_mk_bias(b_ww),),
                   sel, NWP // 16, NWP // 32)
    r_doc = _post((_pack(a_wd, NDP), _pack(a_td, NDP)),
                  (_mk_bw(W_wd), _mk_bw(W_td)),
                  (_mk_bias(b_wd), _mk_bias(b_td)),
                  sel, NDP // 16, NDP // 16)
    r_topic = _post((_pack(a_wt, NTP), _pack(a_tt, NTP)),
                    (_mk_bw(W_wt), _mk_bw(W_tt)),
                    (_mk_bias(b_wt), _mk_bias(b_tt)),
                    sel, NTP // 16, NTP // 16)
    r_word = r_word.reshape(NWP, DP)[:N_WORD, :D]
    r_doc = r_doc.reshape(NDP, DP)[:N_DOC, :D]
    r_topic = r_topic.reshape(NTP, DP)[:N_TOPIC, :D]
    return (r_doc, r_word, r_topic)

# --- scband reference (transcript-rebuilt; emitter-appended) ---
"""Pipeline reference for scband-static-heto-graph-41558103556308 (READ-ONLY COPY).

The authoritative reference and input builder live on the scoring server;
editing this copy changes nothing except your own understanding.
"""

import jax, jax.numpy as jnp
import numpy as np

N_WORD = 100000
N_DOC = 10000
N_TOPIC = 512
D = 5


def _graph_conv(h_src, n_dst, src, dst, W, b):
    # DGL GraphConv with norm='both': D_dst^{-1/2} A D_src^{-1/2} X W + b
    n_src = h_src.shape[0]
    ones_e = jnp.ones(src.shape[0], dtype=h_src.dtype)
    out_deg = jnp.zeros((n_src,), h_src.dtype).at[src].add(ones_e)
    out_deg = jnp.clip(out_deg, 1.0)
    feat = h_src * (out_deg ** -0.5)[:, None]
    msg = jnp.take(feat, src, axis=0)
    agg = jnp.zeros((n_dst, h_src.shape[1]), h_src.dtype).at[dst].add(msg)
    in_deg = jnp.zeros((n_dst,), h_src.dtype).at[dst].add(ones_e)
    in_deg = jnp.clip(in_deg, 1.0)
    agg = agg * (in_deg ** -0.5)[:, None]
    return agg @ W + b


def setup_inputs(seed: int = 0) -> dict:
    key = jax.random.key(seed)
    ks = jax.random.split(key, 24)
    inp = {}
    inp['h_doc'] = jax.random.normal(ks[0], (N_DOC, D), jnp.float32)
    inp['h_word'] = jax.random.normal(ks[1], (N_WORD, D), jnp.float32)
    inp['h_topic'] = jax.random.normal(ks[2], (N_TOPIC, D), jnp.float32)
    inp['wt_src'] = jax.random.randint(ks[3], (1000000,), 0, N_WORD)
    inp['wt_dst'] = jax.random.randint(ks[4], (1000000,), 0, N_TOPIC)
    inp['ww_src'] = jax.random.randint(ks[5], (3200000,), 0, N_WORD)
    inp['ww_dst'] = jax.random.randint(ks[6], (3200000,), 0, N_WORD)
    inp['wd_src'] = jax.random.randint(ks[7], (1600000,), 0, N_WORD)
    inp['wd_dst'] = jax.random.randint(ks[8], (1600000,), 0, N_DOC)
    inp['td_src'] = jax.random.randint(ks[9], (100000,), 0, N_TOPIC)
    inp['td_dst'] = jax.random.randint(ks[10], (100000,), 0, N_DOC)
    inp['tt_src'] = jax.random.randint(ks[11], (16384,), 0, N_TOPIC)
    inp['tt_dst'] = jax.random.randint(ks[12], (16384,), 0, N_TOPIC)
    # per-etype GraphConv(5,5) weights + biases (HeteroGraphConv modules)
    for i, name in enumerate(['wt', 'ww', 'wd', 'td', 'tt']):
        inp['W_' + name] = jax.random.normal(ks[13 + i], (D, D), jnp.float32) * (1.0 / np.sqrt(D))
        inp['b_' + name] = jnp.zeros((D,), jnp.float32)
    return inp


def reference(h_doc, h_word, h_topic, wt_src, wt_dst, ww_src, ww_dst, wd_src, wd_dst, td_src, td_dst, tt_src, tt_dst, W_wt, b_wt, W_ww, b_ww, W_wd, b_wd, W_td, b_td, W_tt, b_tt):
    # HeteroGraphConv with aggregate='sum' over relations sharing a dst type
    r_word = _graph_conv(h_word, N_WORD, ww_src, ww_dst, W_ww, b_ww)
    r_doc = _graph_conv(h_word, N_DOC, wd_src, wd_dst, W_wd, b_wd) + _graph_conv(h_topic, N_DOC, td_src, td_dst, W_td, b_td)
    r_topic = _graph_conv(h_word, N_TOPIC, wt_src, wt_dst, W_wt, b_wt) + _graph_conv(h_topic, N_TOPIC, tt_src, tt_dst, W_tt, b_tt)
    return (r_doc, r_word, r_topic)

if __name__ == "__main__":
    import jax
    _d = setup_inputs()
    print(jax.jit(kernel)(*tuple(_d.values())))

</pallas_src>

<mosaic_0001>
#map = affine_map<(d0, d1) -> (0)>
#map1 = affine_map<(d0, d1) -> (0, 0)>
#map2 = affine_map<(d0, d1) -> (0, 0, 0)>
module attributes {stable_mosaic.version = 14 : i64} {
  func.func @_deg_body(%arg0: i32, %arg1: i32, %arg2: memref<3211264xi32, #tpu.memory_space<hbm>>, %arg3: memref<1638400xi32, #tpu.memory_space<hbm>>, %arg4: memref<1048576xi32, #tpu.memory_space<hbm>>, %arg5: memref<131072xi32, #tpu.memory_space<hbm>>, %arg6: memref<65536xi32, #tpu.memory_space<hbm>>, %arg7: memref<6256x8xf32, #tpu.memory_space<hbm>>, %arg8: memref<1024x8xf32, #tpu.memory_space<hbm>>, %arg9: memref<2x100096x8xf32, #tpu.memory_space<hbm>>, %arg10: memref<2x100096x8xf32, #tpu.memory_space<hbm>>, %arg11: memref<2x100096x8xf32, #tpu.memory_space<hbm>>, %arg12: memref<2x768x8xf32, #tpu.memory_space<hbm>>, %arg13: memref<2x768x8xf32, #tpu.memory_space<hbm>>, %arg14: memref<1024xi32, #tpu.memory_space<vmem>>, %arg15: memref<1024xi32, #tpu.memory_space<vmem>>, %arg16: memref<1024x8xf32, #tpu.memory_space<vmem>>, %arg17: memref<!tpu.dma_semaphore, #tpu.memory_space<semaphore_mem>>, %arg18: memref<!tpu.dma_semaphore, #tpu.memory_space<semaphore_mem>>, %arg19: memref<100096x8xf32, #tpu.memory_space<vmem_shared>>, %arg20: memref<768x8xf32, #tpu.memory_space<vmem_shared>>, %arg21: memref<768x8xf32, #tpu.memory_space<vmem_shared>>) attributes {dimension_semantics = [#tpu.dimension_semantics<core_parallel>, #tpu.dimension_semantics<subcore_parallel>], iteration_bounds = array<i64: 2, 16>, scalar_prefetch = 0 : i64, scratch_operands = 8 : i64, tpu.core_type = #tpu.core_type<sc_vector_subcore>, window_params = [{transform_indices = #map}, {transform_indices = #map}, {transform_indices = #map}, {transform_indices = #map}, {transform_indices = #map}, {transform_indices = #map1}, {transform_indices = #map1}, {transform_indices = #map2}, {transform_indices = #map2}, {transform_indices = #map2}, {transform_indices = #map2}, {transform_indices = #map2}]} {
    %mul3A = arith.constant 2 : i32
    %mul3A_0 = arith.muli %arg1, %mul3A : i32
    %add3A = arith.addi %mul3A_0, %arg0 : i32
    %mul3A_1 = arith.constant 6256 : i32
    %mul3A_2 = arith.muli %arg1, %mul3A_1 : i32
    "tpu.region"() ({
      %run_scoped3A = tpu.sem_alloc : memref<!tpu.dma_semaphore, #tpu.memory_space<semaphore_mem>>
      %dma_start3A_111 = arith.constant 0 : i32
      %dma_start3A_112 = tpu.memref_slice %arg19[%mul3A_2, %dma_start3A_111] : memref<100096x8xf32, #tpu.memory_space<vmem_shared>> -> memref<6256x8xf32, #tpu.memory_space<vmem_shared>>
      %dma_start3A_113 = arith.constant 0 : i32
      %dma_start3A_114 = arith.constant 0 : i32
      %dma_start3A_115 = tpu.memref_slice %arg7[%dma_start3A_113, %dma_start3A_114] : memref<6256x8xf32, #tpu.memory_space<hbm>> -> memref<6256x8xf32, #tpu.memory_space<hbm>>
      tpu.enqueue_dma source(%dma_start3A_115 : memref<6256x8xf32, #tpu.memory_space<hbm>>) target(%dma_start3A_112 : memref<6256x8xf32, #tpu.memory_space<vmem_shared>>) target_semaphore(%run_scoped3A : memref<!tpu.dma_semaphore, #tpu.memory_space<semaphore_mem>>)
      %dma_wait3A_116 = arith.constant 0 : i32
      %dma_wait3A_117 = tpu.memref_slice %arg19[%mul3A_2, %dma_wait3A_116] : memref<100096x8xf32, #tpu.memory_space<vmem_shared>> -> memref<6256x8xf32, #tpu.memory_space<vmem_shared>>
      %dma_wait3A_118 = arith.constant 0 : i32
      %dma_wait3A_119 = arith.constant 0 : i32
      %dma_wait3A_120 = tpu.memref_slice %arg7[%dma_wait3A_118, %dma_wait3A_119] : memref<6256x8xf32, #tpu.memory_space<hbm>> -> memref<6256x8xf32, #tpu.memory_space<hbm>>
      tpu.wait_dma2 semaphore(%run_scoped3A : memref<!tpu.dma_semaphore, #tpu.memory_space<semaphore_mem>>) src(%dma_wait3A_120 : memref<6256x8xf32, #tpu.memory_space<hbm>>) dst(%dma_wait3A_117 : memref<6256x8xf32, #tpu.memory_space<vmem_shared>>)
      tpu.yield
    }) : () -> ()
    %mul3A_3 = arith.constant 48 : i32
    %mul3A_4 = arith.muli %arg1, %mul3A_3 : i32
    "tpu.region"() ({
      %run_scoped3A = tpu.sem_alloc : memref<!tpu.dma_semaphore, #tpu.memory_space<semaphore_mem>>
      %dma_start3A_111 = arith.constant 0 : i32
      %dma_start3A_112 = tpu.memref_slice %arg20[%mul3A_4, %dma_start3A_111] : memref<768x8xf32, #tpu.memory_space<vmem_shared>> -> memref<48x8xf32, #tpu.memory_space<vmem_shared>>
      %dma_start3A_113 = arith.constant 0 : i32
      %dma_start3A_114 = arith.constant 0 : i32
      %dma_start3A_115 = tpu.memref_slice %arg7[%dma_start3A_113, %dma_start3A_114] : memref<6256x8xf32, #tpu.memory_space<hbm>> -> memref<48x8xf32, #tpu.memory_space<hbm>>
      tpu.enqueue_dma source(%dma_start3A_115 : memref<48x8xf32, #tpu.memory_space<hbm>>) target(%dma_start3A_112 : memref<48x8xf32, #tpu.memory_space<vmem_shared>>) target_semaphore(%run_scoped3A : memref<!tpu.dma_semaphore, #tpu.memory_space<semaphore_mem>>)
      %dma_wait3A_116 = arith.constant 0 : i32
      %dma_wait3A_117 = tpu.memref_slice %arg20[%mul3A_4, %dma_wait3A_116] : memref<768x8xf32, #tpu.memory_space<vmem_shared>> -> memref<48x8xf32, #tpu.memory_space<vmem_shared>>
      %dma_wait3A_118 = arith.constant 0 : i32
      %dma_wait3A_119 = arith.constant 0 : i32
      %dma_wait3A_120 = tpu.memref_slice %arg7[%dma_wait3A_118, %dma_wait3A_119] : memref<6256x8xf32, #tpu.memory_space<hbm>> -> memref<48x8xf32, #tpu.memory_space<hbm>>
      tpu.wait_dma2 semaphore(%run_scoped3A : memref<!tpu.dma_semaphore, #tpu.memory_space<semaphore_mem>>) src(%dma_wait3A_120 : memref<48x8xf32, #tpu.memory_space<hbm>>) dst(%dma_wait3A_117 : memref<48x8xf32, #tpu.memory_space<vmem_shared>>)
      tpu.yield
    }) : () -> ()
    %mul3A_5 = arith.constant 48 : i32
    %mul3A_6 = arith.muli %arg1, %mul3A_5 : i32
    "tpu.region"() ({
      %run_scoped3A = tpu.sem_alloc : memref<!tpu.dma_semaphore, #tpu.memory_space<semaphore_mem>>
      %dma_start3A_111 = arith.constant 0 : i32
      %dma_start3A_112 = tpu.memref_slice %arg21[%mul3A_6, %dma_start3A_111] : memref<768x8xf32, #tpu.memory_space<vmem_shared>> -> memref<48x8xf32, #tpu.memory_space<vmem_shared>>
      %dma_start3A_113 = arith.constant 0 : i32
      %dma_start3A_114 = arith.constant 0 : i32
      %dma_start3A_115 = tpu.memref_slice %arg7[%dma_start3A_113, %dma_start3A_114] : memref<6256x8xf32, #tpu.memory_space<hbm>> -> memref<48x8xf32, #tpu.memory_space<hbm>>
      tpu.enqueue_dma source(%dma_start3A_115 : memref<48x8xf32, #tpu.memory_space<hbm>>) target(%dma_start3A_112 : memref<48x8xf32, #tpu.memory_space<vmem_shared>>) target_semaphore(%run_scoped3A : memref<!tpu.dma_semaphore, #tpu.memory_space<semaphore_mem>>)
      %dma_wait3A_116 = arith.constant 0 : i32
      %dma_wait3A_117 = tpu.memref_slice %arg21[%mul3A_6, %dma_wait3A_116] : memref<768x8xf32, #tpu.memory_space<vmem_shared>> -> memref<48x8xf32, #tpu.memory_space<vmem_shared>>
      %dma_wait3A_118 = arith.constant 0 : i32
      %dma_wait3A_119 = arith.constant 0 : i32
      %dma_wait3A_120 = tpu.memref_slice %arg7[%dma_wait3A_118, %dma_wait3A_119] : memref<6256x8xf32, #tpu.memory_space<hbm>> -> memref<48x8xf32, #tpu.memory_space<hbm>>
      tpu.wait_dma2 semaphore(%run_scoped3A : memref<!tpu.dma_semaphore, #tpu.memory_space<semaphore_mem>>) src(%dma_wait3A_120 : memref<48x8xf32, #tpu.memory_space<hbm>>) dst(%dma_wait3A_117 : memref<48x8xf32, #tpu.memory_space<vmem_shared>>)
      tpu.yield
    }) : () -> ()
    "tpu.region"() ({
      %run_scoped3A = tpu.sem_alloc : memref<!tpu.dma_semaphore, #tpu.memory_space<semaphore_mem>>
      tpu.enqueue_dma source(%arg8 : memref<1024x8xf32, #tpu.memory_space<hbm>>) target(%arg16 : memref<1024x8xf32, #tpu.memory_space<vmem>>) target_semaphore(%run_scoped3A : memref<!tpu.dma_semaphore, #tpu.memory_space<semaphore_mem>>)
      tpu.wait_dma2 semaphore(%run_scoped3A : memref<!tpu.dma_semaphore, #tpu.memory_space<semaphore_mem>>) src(%arg8 : memref<1024x8xf32, #tpu.memory_space<hbm>>) dst(%arg16 : memref<1024x8xf32, #tpu.memory_space<vmem>>)
      tpu.yield
    }) : () -> ()
    %barrier3A = arith.constant 0 : index
    tpu.barrier barrier_id(%barrier3A)
    %mul3A_7 = arith.constant 98 : i32
    %mul3A_8 = arith.muli %add3A, %mul3A_7 : i32
    %mul3A_9 = arith.constant 1024 : i32
    %mul3A_10 = arith.muli %mul3A_8, %mul3A_9 : i32
    %dma_start3A = tpu.memref_slice %arg2[%mul3A_10] : memref<3211264xi32, #tpu.memory_space<hbm>> -> memref<1024xi32, #tpu.memory_space<hbm>>
    %dma_start3A_11 = tpu.memref_slice %arg2[%mul3A_10] : memref<3211264xi32, #tpu.memory_space<hbm>> -> memref<1024xi32, #tpu.memory_space<hbm>>
    tpu.enqueue_dma source(%dma_start3A_11 : memref<1024xi32, #tpu.memory_space<hbm>>) target(%arg14 : memref<1024xi32, #tpu.memory_space<vmem>>) target_semaphore(%arg17 : memref<!tpu.dma_semaphore, #tpu.memory_space<semaphore_mem>>)
    %scan3A = arith.constant 0 : i32
    %scan3A_12 = arith.constant 0 : i32
    %scan3A_13 = arith.constant 49 : i32
    %scan3A_14 = arith.addi %scan3A_12, %scan3A_13 : i32
    %scan3A_15 = arith.constant 1 : i32
    %scan3A_16 = scf.for %scan3A_111 = %scan3A_12 to %scan3A_14 step %scan3A_15 iter_args(%scan3A_112 = %scan3A) -> (i32)  : i32 {
      %mul3A_113 = arith.constant 2 : i32
      %mul3A_114 = arith.muli %mul3A_113, %scan3A_111 : i32
      %mul3A_115 = arith.constant 1024 : i32
      %mul3A_116 = arith.muli %mul3A_114, %mul3A_115 : i32
      %add3A_117 = arith.addi %mul3A_10, %mul3A_116 : i32
      %add3A_118 = arith.constant 1024 : i32
      %add3A_119 = arith.addi %add3A_117, %add3A_118 : i32
      %dma_wait3A_120 = tpu.memref_slice %arg2[%add3A_117] : memref<3211264xi32, #tpu.memory_space<hbm>> -> memref<1024xi32, #tpu.memory_space<hbm>>
      %dma_wait3A_121 = tpu.memref_slice %arg2[%add3A_117] : memref<3211264xi32, #tpu.memory_space<hbm>> -> memref<1024xi32, #tpu.memory_space<hbm>>
      tpu.wait_dma2 semaphore(%arg17 : memref<!tpu.dma_semaphore, #tpu.memory_space<semaphore_mem>>) src(%dma_wait3A_121 : memref<1024xi32, #tpu.memory_space<hbm>>) dst(%arg14 : memref<1024xi32, #tpu.memory_space<vmem>>)
      %dma_start3A_122 = tpu.memref_slice %arg2[%add3A_119] : memref<3211264xi32, #tpu.memory_space<hbm>> -> memref<1024xi32, #tpu.memory_space<hbm>>
      %dma_start3A_123 = tpu.memref_slice %arg2[%add3A_119] : memref<3211264xi32, #tpu.memory_space<hbm>> -> memref<1024xi32, #tpu.memory_space<hbm>>
      tpu.enqueue_dma source(%dma_start3A_123 : memref<1024xi32, #tpu.memory_space<hbm>>) target(%arg15 : memref<1024xi32, #tpu.memory_space<vmem>>) target_semaphore(%arg18 : memref<!tpu.dma_semaphore, #tpu.memory_space<semaphore_mem>>)
      "tpu.region"() ({
        %run_scoped3A = tpu.sem_alloc : memref<!tpu.dma_semaphore, #tpu.memory_space<semaphore_mem>>
        %dma_start3A_132 = arith.constant 0 : i32
        %dma_start3A_133 = arith.constant 0 : i32
        %dma_start3A_134 = tpu.memref_slice %arg19[%dma_start3A_132, %dma_start3A_133] : memref<100096x8xf32, #tpu.memory_space<vmem_shared>> -> memref<100096x8xf32, #tpu.memory_space<vmem_shared>>
        tpu.enqueue_indirect_dma source(%arg16 : memref<1024x8xf32, #tpu.memory_space<vmem>>) target(%dma_start3A_134 : memref<100096x8xf32, #tpu.memory_space<vmem_shared>>) offsets(%arg14 : memref<1024xi32, #tpu.memory_space<vmem>>) semaphore(%run_scoped3A : memref<!tpu.dma_semaphore, #tpu.memory_space<semaphore_mem>>) {add = true}
        %dma_wait3A_135 = arith.constant 0 : i32
        %dma_wait3A_136 = arith.constant 0 : i32
        %dma_wait3A_137 = tpu.memref_slice %arg19[%dma_wait3A_135, %dma_wait3A_136] : memref<100096x8xf32, #tpu.memory_space<vmem_shared>> -> memref<100096x8xf32, #tpu.memory_space<vmem_shared>>
        tpu.wait_indirect_dma semaphore(%run_scoped3A : memref<!tpu.dma_semaphore, #tpu.memory_space<semaphore_mem>>) src(%arg16 : memref<1024x8xf32, #tpu.memory_space<vmem>>) dst(%dma_wait3A_137 : memref<100096x8xf32, #tpu.memory_space<vmem_shared>>)
        tpu.yield
      }) : () -> ()
      %dma_wait3A_124 = tpu.memref_slice %arg2[%add3A_119] : memref<3211264xi32, #tpu.memory_space<hbm>> -> memref<1024xi32, #tpu.memory_space<hbm>>
      %dma_wait3A_125 = tpu.memref_slice %arg2[%add3A_119] : memref<3211264xi32, #tpu.memory_space<hbm>> -> memref<1024xi32, #tpu.memory_space<hbm>>
      tpu.wait_dma2 semaphore(%arg18 : memref<!tpu.dma_semaphore, #tpu.memory_space<semaphore_mem>>) src(%dma_wait3A_125 : memref<1024xi32, #tpu.memory_space<hbm>>) dst(%arg15 : memref<1024xi32, #tpu.memory_space<vmem>>)
      %lt3A_126 = arith.constant 48 : i32
      %lt3A_127 = arith.cmpi slt, %scan3A_111, %lt3A_126 : i32
      %convert_element_type3A_128 = arith.extui %lt3A_127 : i1 to i32
      %cond3A_129 = arith.constant 0 : i32
      %cond3A_130 = arith.cmpi ne, %convert_element_type3A_128, %cond3A_129 : i32
      scf.if %cond3A_130 {
        %mul3A_132 = arith.constant 2 : i32
        %mul3A_133 = arith.muli %mul3A_132, %scan3A_111 : i32
        %add3A_134 = arith.constant 2 : i32
        %add3A_135 = arith.addi %mul3A_133, %add3A_134 : i32
        %mul3A_136 = arith.constant 1024 : i32
        %mul3A_137 = arith.muli %add3A_135, %mul3A_136 : i32
        %add3A_138 = arith.addi %mul3A_10, %mul3A_137 : i32
        %dma_start3A_139 = tpu.memref_slice %arg2[%add3A_138] : memref<3211264xi32, #tpu.memory_space<hbm>> -> memref<1024xi32, #tpu.memory_space<hbm>>
        %dma_start3A_140 = tpu.memref_slice %arg2[%add3A_138] : memref<3211264xi32, #tpu.memory_space<hbm>> -> memref<1024xi32, #tpu.memory_space<hbm>>
        tpu.enqueue_dma source(%dma_start3A_140 : memref<1024xi32, #tpu.memory_space<hbm>>) target(%arg14 : memref<1024xi32, #tpu.memory_space<vmem>>) target_semaphore(%arg17 : memref<!tpu.dma_semaphore, #tpu.memory_space<semaphore_mem>>)
      } else {
      }
      "tpu.region"() ({
        %run_scoped3A = tpu.sem_alloc : memref<!tpu.dma_semaphore, #tpu.memory_space<semaphore_mem>>
        %dma_start3A_132 = arith.constant 0 : i32
        %dma_start3A_133 = arith.constant 0 : i32
        %dma_start3A_134 = tpu.memref_slice %arg19[%dma_start3A_132, %dma_start3A_133] : memref<100096x8xf32, #tpu.memory_space<vmem_shared>> -> memref<100096x8xf32, #tpu.memory_space<vmem_shared>>
        tpu.enqueue_indirect_dma source(%arg16 : memref<1024x8xf32, #tpu.memory_space<vmem>>) target(%dma_start3A_134 : memref<100096x8xf32, #tpu.memory_space<vmem_shared>>) offsets(%arg15 : memref<1024xi32, #tpu.memory_space<vmem>>) semaphore(%run_scoped3A : memref<!tpu.dma_semaphore, #tpu.memory_space<semaphore_mem>>) {add = true}
        %dma_wait3A_135 = arith.constant 0 : i32
        %dma_wait3A_136 = arith.constant 0 : i32
        %dma_wait3A_137 = tpu.memref_slice %arg19[%dma_wait3A_135, %dma_wait3A_136] : memref<100096x8xf32, #tpu.memory_space<vmem_shared>> -> memref<100096x8xf32, #tpu.memory_space<vmem_shared>>
        tpu.wait_indirect_dma semaphore(%run_scoped3A : memref<!tpu.dma_semaphore, #tpu.memory_space<semaphore_mem>>) src(%arg16 : memref<1024x8xf32, #tpu.memory_space<vmem>>) dst(%dma_wait3A_137 : memref<100096x8xf32, #tpu.memory_space<vmem_shared>>)
        tpu.yield
      }) : () -> ()
      %scan3A_131 = arith.constant 0 : i32
      scf.yield %scan3A_131 : i32
    }
    %scan3A_17 = arith.constant 49 : i32
    %mul3A_18 = arith.constant 4 : i32
    %mul3A_19 = arith.muli %add3A, %mul3A_18 : i32
    %mul3A_20 = arith.constant 1024 : i32
    %mul3A_21 = arith.muli %mul3A_19, %mul3A_20 : i32
    %dma_start3A_22 = tpu.memref_slice %arg5[%mul3A_21] : memref<131072xi32, #tpu.memory_space<hbm>> -> memref<1024xi32, #tpu.memory_space<hbm>>
    %dma_start3A_23 = tpu.memref_slice %arg5[%mul3A_21] : memref<131072xi32, #tpu.memory_space<hbm>> -> memref<1024xi32, #tpu.memory_space<hbm>>
    tpu.enqueue_dma source(%dma_start3A_23 : memref<1024xi32, #tpu.memory_space<hbm>>) target(%arg14 : memref<1024xi32, #tpu.memory_space<vmem>>) target_semaphore(%arg17 : memref<!tpu.dma_semaphore, #tpu.memory_space<semaphore_mem>>)
    %scan3A_24 = arith.constant 0 : i32
    %scan3A_25 = arith.constant 0 : i32
    %scan3A_26 = arith.constant 2 : i32
    %scan3A_27 = arith.addi %scan3A_25, %scan3A_26 : i32
    %scan3A_28 = arith.constant 1 : i32
    %scan3A_29 = scf.for %scan3A_111 = %scan3A_25 to %scan3A_27 step %scan3A_28 iter_args(%scan3A_112 = %scan3A_24) -> (i32)  : i32 {
      %mul3A_113 = arith.constant 2 : i32
      %mul3A_114 = arith.muli %mul3A_113, %scan3A_111 : i32
      %mul3A_115 = arith.constant 1024 : i32
      %mul3A_116 = arith.muli %mul3A_114, %mul3A_115 : i32
      %add3A_117 = arith.addi %mul3A_21, %mul3A_116 : i32
      %add3A_118 = arith.constant 1024 : i32
      %add3A_119 = arith.addi %add3A_117, %add3A_118 : i32
      %dma_wait3A_120 = tpu.memref_slice %arg5[%add3A_117] : memref<131072xi32, #tpu.memory_space<hbm>> -> memref<1024xi32, #tpu.memory_space<hbm>>
      %dma_wait3A_121 = tpu.memref_slice %arg5[%add3A_117] : memref<131072xi32, #tpu.memory_space<hbm>> -> memref<1024xi32, #tpu.memory_space<hbm>>
      tpu.wait_dma2 semaphore(%arg17 : memref<!tpu.dma_semaphore, #tpu.memory_space<semaphore_mem>>) src(%dma_wait3A_121 : memref<1024xi32, #tpu.memory_space<hbm>>) dst(%arg14 : memref<1024xi32, #tpu.memory_space<vmem>>)
      %dma_start3A_122 = tpu.memref_slice %arg5[%add3A_119] : memref<131072xi32, #tpu.memory_space<hbm>> -> memref<1024xi32, #tpu.memory_space<hbm>>
      %dma_start3A_123 = tpu.memref_slice %arg5[%add3A_119] : memref<131072xi32, #tpu.memory_space<hbm>> -> memref<1024xi32, #tpu.memory_space<hbm>>
      tpu.enqueue_dma source(%dma_start3A_123 : memref<1024xi32, #tpu.memory_space<hbm>>) target(%arg15 : memref<1024xi32, #tpu.memory_space<vmem>>) target_semaphore(%arg18 : memref<!tpu.dma_semaphore, #tpu.memory_space<semaphore_mem>>)
      "tpu.region"() ({
        %run_scoped3A = tpu.sem_alloc : memref<!tpu.dma_semaphore, #tpu.memory_space<semaphore_mem>>
        %dma_start3A_132 = arith.constant 0 : i32
        %dma_start3A_133 = arith.constant 0 : i32
        %dma_start3A_134 = tpu.memref_slice %arg20[%dma_start3A_132, %dma_start3A_133] : memref<768x8xf32, #tpu.memory_space<vmem_shared>> -> memref<768x8xf32, #tpu.memory_space<vmem_shared>>
        tpu.enqueue_indirect_dma source(%arg16 : memref<1024x8xf32, #tpu.memory_space<vmem>>) target(%dma_start3A_134 : memref<768x8xf32, #tpu.memory_space<vmem_shared>>) offsets(%arg14 : memref<1024xi32, #tpu.memory_space<vmem>>) semaphore(%run_scoped3A : memref<!tpu.dma_semaphore, #tpu.memory_space<semaphore_mem>>) {add = true}
        %dma_wait3A_135 = arith.constant 0 : i32
        %dma_wait3A_136 = arith.constant 0 : i32
        %dma_wait3A_137 = tpu.memref_slice %arg20[%dma_wait3A_135, %dma_wait3A_136] : memref<768x8xf32, #tpu.memory_space<vmem_shared>> -> memref<768x8xf32, #tpu.memory_space<vmem_shared>>
        tpu.wait_indirect_dma semaphore(%run_scoped3A : memref<!tpu.dma_semaphore, #tpu.memory_space<semaphore_mem>>) src(%arg16 : memref<1024x8xf32, #tpu.memory_space<vmem>>) dst(%dma_wait3A_137 : memref<768x8xf32, #tpu.memory_space<vmem_shared>>)
        tpu.yield
      }) : () -> ()
      %dma_wait3A_124 = tpu.memref_slice %arg5[%add3A_119] : memref<131072xi32, #tpu.memory_space<hbm>> -> memref<1024xi32, #tpu.memory_space<hbm>>
      %dma_wait3A_125 = tpu.memref_slice %arg5[%add3A_119] : memref<131072xi32, #tpu.memory_space<hbm>> -> memref<1024xi32, #tpu.memory_space<hbm>>
      tpu.wait_dma2 semaphore(%arg18 : memref<!tpu.dma_semaphore, #tpu.memory_space<semaphore_mem>>) src(%dma_wait3A_125 : memref<1024xi32, #tpu.memory_space<hbm>>) dst(%arg15 : memref<1024xi32, #tpu.memory_space<vmem>>)
      %lt3A_126 = arith.constant 1 : i32
      %lt3A_127 = arith.cmpi slt, %scan3A_111, %lt3A_126 : i32
      %convert_element_type3A_128 = arith.extui %lt3A_127 : i1 to i32
      %cond3A_129 = arith.constant 0 : i32
      %cond3A_130 = arith.cmpi ne, %convert_element_type3A_128, %cond3A_129 : i32
      scf.if %cond3A_130 {
        %mul3A_132 = arith.constant 2 : i32
        %mul3A_133 = arith.muli %mul3A_132, %scan3A_111 : i32
        %add3A_134 = arith.constant 2 : i32
        %add3A_135 = arith.addi %mul3A_133, %add3A_134 : i32
        %mul3A_136 = arith.constant 1024 : i32
        %mul3A_137 = arith.muli %add3A_135, %mul3A_136 : i32
        %add3A_138 = arith.addi %mul3A_21, %mul3A_137 : i32
        %dma_start3A_139 = tpu.memref_slice %arg5[%add3A_138] : memref<131072xi32, #tpu.memory_space<hbm>> -> memref<1024xi32, #tpu.memory_space<hbm>>
        %dma_start3A_140 = tpu.memref_slice %arg5[%add3A_138] : memref<131072xi32, #tpu.memory_space<hbm>> -> memref<1024xi32, #tpu.memory_space<hbm>>
        tpu.enqueue_dma source(%dma_start3A_140 : memref<1024xi32, #tpu.memory_space<hbm>>) target(%arg14 : memref<1024xi32, #tpu.memory_space<vmem>>) target_semaphore(%arg17 : memref<!tpu.dma_semaphore, #tpu.memory_space<semaphore_mem>>)
      } else {
      }
      "tpu.region"() ({
        %run_scoped3A = tpu.sem_alloc : memref<!tpu.dma_semaphore, #tpu.memory_space<semaphore_mem>>
        %dma_start3A_132 = arith.constant 0 : i32
        %dma_start3A_133 = arith.constant 0 : i32
        %dma_start3A_134 = tpu.memref_slice %arg20[%dma_start3A_132, %dma_start3A_133] : memref<768x8xf32, #tpu.memory_space<vmem_shared>> -> memref<768x8xf32, #tpu.memory_space<vmem_shared>>
        tpu.enqueue_indirect_dma source(%arg16 : memref<1024x8xf32, #tpu.memory_space<vmem>>) target(%dma_start3A_134 : memref<768x8xf32, #tpu.memory_space<vmem_shared>>) offsets(%arg15 : memref<1024xi32, #tpu.memory_space<vmem>>) semaphore(%run_scoped3A : memref<!tpu.dma_semaphore, #tpu.memory_space<semaphore_mem>>) {add = true}
        %dma_wait3A_135 = arith.constant 0 : i32
        %dma_wait3A_136 = arith.constant 0 : i32
        %dma_wait3A_137 = tpu.memref_slice %arg20[%dma_wait3A_135, %dma_wait3A_136] : memref<768x8xf32, #tpu.memory_space<vmem_shared>> -> memref<768x8xf32, #tpu.memory_space<vmem_shared>>
        tpu.wait_indirect_dma semaphore(%run_scoped3A : memref<!tpu.dma_semaphore, #tpu.memory_space<semaphore_mem>>) src(%arg16 : memref<1024x8xf32, #tpu.memory_space<vmem>>) dst(%dma_wait3A_137 : memref<768x8xf32, #tpu.memory_space<vmem_shared>>)
        tpu.yield
      }) : () -> ()
      %scan3A_131 = arith.constant 0 : i32
      scf.yield %scan3A_131 : i32
    }
    %scan3A_30 = arith.constant 2 : i32
    %barrier3A_31 = arith.constant 0 : index
    tpu.barrier barrier_id(%barrier3A_31)
    %mul3A_32 = arith.constant 6256 : i32
    %mul3A_33 = arith.muli %arg1, %mul3A_32 : i32
    %mul3A_34 = arith.constant 6256 : i32
    %mul3A_35 = arith.muli %arg1, %mul3A_34 : i32
    "tpu.region"() ({
      %run_scoped3A = tpu.sem_alloc : memref<!tpu.dma_semaphore, #tpu.memory_space<semaphore_mem>>
      %dma_start3A_111 = arith.constant 0 : i32
      %dma_start3A_112 = tpu.memref_slice %arg9[%arg0, %mul3A_35, %dma_start3A_111] : memref<2x100096x8xf32, #tpu.memory_space<hbm>> -> memref<1x6256x8xf32, #tpu.memory_space<hbm>>
      %dma_start3A_113 = tpu.memref_squeeze %dma_start3A_112 : memref<1x6256x8xf32, #tpu.memory_space<hbm>> -> memref<6256x8xf32, #tpu.memory_space<hbm>>
      %dma_start3A_114 = arith.constant 0 : i32
      %dma_start3A_115 = tpu.memref_slice %arg19[%mul3A_33, %dma_start3A_114] : memref<100096x8xf32, #tpu.memory_space<vmem_shared>> -> memref<6256x8xf32, #tpu.memory_space<vmem_shared>>
      tpu.enqueue_dma source(%dma_start3A_115 : memref<6256x8xf32, #tpu.memory_space<vmem_shared>>) target(%dma_start3A_113 : memref<6256x8xf32, #tpu.memory_space<hbm>>) target_semaphore(%run_scoped3A : memref<!tpu.dma_semaphore, #tpu.memory_space<semaphore_mem>>)
      %dma_wait3A_116 = arith.constant 0 : i32
      %dma_wait3A_117 = tpu.memref_slice %arg9[%arg0, %mul3A_35, %dma_wait3A_116] : memref<2x100096x8xf32, #tpu.memory_space<hbm>> -> memref<1x6256x8xf32, #tpu.memory_space<hbm>>
      %dma_wait3A_118 = tpu.memref_squeeze %dma_wait3A_117 : memref<1x6256x8xf32, #tpu.memory_space<hbm>> -> memref<6256x8xf32, #tpu.memory_space<hbm>>
      %dma_wait3A_119 = arith.constant 0 : i32
      %dma_wait3A_120 = tpu.memref_slice %arg19[%mul3A_33, %dma_wait3A_119] : memref<100096x8xf32, #tpu.memory_space<vmem_shared>> -> memref<6256x8xf32, #tpu.memory_space<vmem_shared>>
      tpu.wait_dma2 semaphore(%run_scoped3A : memref<!tpu.dma_semaphore, #tpu.memory_space<semaphore_mem>>) src(%dma_wait3A_120 : memref<6256x8xf32, #tpu.memory_space<vmem_shared>>) dst(%dma_wait3A_118 : memref<6256x8xf32, #tpu.memory_space<hbm>>)
      tpu.yield
    }) : () -> ()
    %mul3A_36 = arith.constant 6256 : i32
    %mul3A_37 = arith.muli %arg1, %mul3A_36 : i32
    "tpu.region"() ({
      %run_scoped3A = tpu.sem_alloc : memref<!tpu.dma_semaphore, #tpu.memory_space<semaphore_mem>>
      %dma_start3A_111 = arith.constant 0 : i32
      %dma_start3A_112 = tpu.memref_slice %arg19[%mul3A_37, %dma_start3A_111] : memref<100096x8xf32, #tpu.memory_space<vmem_shared>> -> memref<6256x8xf32, #tpu.memory_space<vmem_shared>>
      %dma_start3A_113 = arith.constant 0 : i32
      %dma_start3A_114 = arith.constant 0 : i32
      %dma_start3A_115 = tpu.memref_slice %arg7[%dma_start3A_113, %dma_start3A_114] : memref<6256x8xf32, #tpu.memory_space<hbm>> -> memref<6256x8xf32, #tpu.memory_space<hbm>>
      tpu.enqueue_dma source(%dma_start3A_115 : memref<6256x8xf32, #tpu.memory_space<hbm>>) target(%dma_start3A_112 : memref<6256x8xf32, #tpu.memory_space<vmem_shared>>) target_semaphore(%run_scoped3A : memref<!tpu.dma_semaphore, #tpu.memory_space<semaphore_mem>>)
      %dma_wait3A_116 = arith.constant 0 : i32
      %dma_wait3A_117 = tpu.memref_slice %arg19[%mul3A_37, %dma_wait3A_116] : memref<100096x8xf32, #tpu.memory_space<vmem_shared>> -> memref<6256x8xf32, #tpu.memory_space<vmem_shared>>
      %dma_wait3A_118 = arith.constant 0 : i32
      %dma_wait3A_119 = arith.constant 0 : i32
      %dma_wait3A_120 = tpu.memref_slice %arg7[%dma_wait3A_118, %dma_wait3A_119] : memref<6256x8xf32, #tpu.memory_space<hbm>> -> memref<6256x8xf32, #tpu.memory_space<hbm>>
      tpu.wait_dma2 semaphore(%run_scoped3A : memref<!tpu.dma_semaphore, #tpu.memory_space<semaphore_mem>>) src(%dma_wait3A_120 : memref<6256x8xf32, #tpu.memory_space<hbm>>) dst(%dma_wait3A_117 : memref<6256x8xf32, #tpu.memory_space<vmem_shared>>)
      tpu.yield
    }) : () -> ()
    %mul3A_38 = arith.constant 48 : i32
    %mul3A_39 = arith.muli %arg1, %mul3A_38 : i32
    %mul3A_40 = arith.constant 48 : i32
    %mul3A_41 = arith.muli %arg1, %mul3A_40 : i32
    "tpu.region"() ({
      %run_scoped3A = tpu.sem_alloc : memref<!tpu.dma_semaphore, #tpu.memory_space<semaphore_mem>>
      %dma_start3A_111 = arith.constant 0 : i32
      %dma_start3A_112 = tpu.memref_slice %arg12[%arg0, %mul3A_41, %dma_start3A_111] : memref<2x768x8xf32, #tpu.memory_space<hbm>> -> memref<1x48x8xf32, #tpu.memory_space<hbm>>
      %dma_start3A_113 = tpu.memref_squeeze %dma_start3A_112 : memref<1x48x8xf32, #tpu.memory_space<hbm>> -> memref<48x8xf32, #tpu.memory_space<hbm>>
      %dma_start3A_114 = arith.constant 0 : i32
      %dma_start3A_115 = tpu.memref_slice %arg20[%mul3A_39, %dma_start3A_114] : memref<768x8xf32, #tpu.memory_space<vmem_shared>> -> memref<48x8xf32, #tpu.memory_space<vmem_shared>>
      tpu.enqueue_dma source(%dma_start3A_115 : memref<48x8xf32, #tpu.memory_space<vmem_shared>>) target(%dma_start3A_113 : memref<48x8xf32, #tpu.memory_space<hbm>>) target_semaphore(%run_scoped3A : memref<!tpu.dma_semaphore, #tpu.memory_space<semaphore_mem>>)
      %dma_wait3A_116 = arith.constant 0 : i32
      %dma_wait3A_117 = tpu.memref_slice %arg12[%arg0, %mul3A_41, %dma_wait3A_116] : memref<2x768x8xf32, #tpu.memory_space<hbm>> -> memref<1x48x8xf32, #tpu.memory_space<hbm>>
      %dma_wait3A_118 = tpu.memref_squeeze %dma_wait3A_117 : memref<1x48x8xf32, #tpu.memory_space<hbm>> -> memref<48x8xf32, #tpu.memory_space<hbm>>
      %dma_wait3A_119 = arith.constant 0 : i32
      %dma_wait3A_120 = tpu.memref_slice %arg20[%mul3A_39, %dma_wait3A_119] : memref<768x8xf32, #tpu.memory_space<vmem_shared>> -> memref<48x8xf32, #tpu.memory_space<vmem_shared>>
      tpu.wait_dma2 semaphore(%run_scoped3A : memref<!tpu.dma_semaphore, #tpu.memory_space<semaphore_mem>>) src(%dma_wait3A_120 : memref<48x8xf32, #tpu.memory_space<vmem_shared>>) dst(%dma_wait3A_118 : memref<48x8xf32, #tpu.memory_space<hbm>>)
      tpu.yield
    }) : () -> ()
    %barrier3A_42 = arith.constant 0 : index
    tpu.barrier barrier_id(%barrier3A_42)
    %mul3A_43 = arith.constant 50 : i32
    %mul3A_44 = arith.muli %add3A, %mul3A_43 : i32
    %mul3A_45 = arith.constant 1024 : i32
    %mul3A_46 = arith.muli %mul3A_44, %mul3A_45 : i32
    %dma_start3A_47 = tpu.memref_slice %arg3[%mul3A_46] : memref<1638400xi32, #tpu.memory_space<hbm>> -> memref<1024xi32, #tpu.memory_space<hbm>>
    %dma_start3A_48 = tpu.memref_slice %arg3[%mul3A_46] : memref<1638400xi32, #tpu.memory_space<hbm>> -> memref<1024xi32, #tpu.memory_space<hbm>>
    tpu.enqueue_dma source(%dma_start3A_48 : memref<1024xi32, #tpu.memory_space<hbm>>) target(%arg14 : memref<1024xi32, #tpu.memory_space<vmem>>) target_semaphore(%arg17 : memref<!tpu.dma_semaphore, #tpu.memory_space<semaphore_mem>>)
    %scan3A_49 = arith.constant 0 : i32
    %scan3A_50 = arith.constant 0 : i32
    %scan3A_51 = arith.constant 25 : i32
    %scan3A_52 = arith.addi %scan3A_50, %scan3A_51 : i32
    %scan3A_53 = arith.constant 1 : i32
    %scan3A_54 = scf.for %scan3A_111 = %scan3A_50 to %scan3A_52 step %scan3A_53 iter_args(%scan3A_112 = %scan3A_49) -> (i32)  : i32 {
      %mul3A_113 = arith.constant 2 : i32
      %mul3A_114 = arith.muli %mul3A_113, %scan3A_111 : i32
      %mul3A_115 = arith.constant 1024 : i32
      %mul3A_116 = arith.muli %mul3A_114, %mul3A_115 : i32
      %add3A_117 = arith.addi %mul3A_46, %mul3A_116 : i32
      %add3A_118 = arith.constant 1024 : i32
      %add3A_119 = arith.addi %add3A_117, %add3A_118 : i32
      %dma_wait3A_120 = tpu.memref_slice %arg3[%add3A_117] : memref<1638400xi32, #tpu.memory_space<hbm>> -> memref<1024xi32, #tpu.memory_space<hbm>>
      %dma_wait3A_121 = tpu.memref_slice %arg3[%add3A_117] : memref<1638400xi32, #tpu.memory_space<hbm>> -> memref<1024xi32, #tpu.memory_space<hbm>>
      tpu.wait_dma2 semaphore(%arg17 : memref<!tpu.dma_semaphore, #tpu.memory_space<semaphore_mem>>) src(%dma_wait3A_121 : memref<1024xi32, #tpu.memory_space<hbm>>) dst(%arg14 : memref<1024xi32, #tpu.memory_space<vmem>>)
      %dma_start3A_122 = tpu.memref_slice %arg3[%add3A_119] : memref<1638400xi32, #tpu.memory_space<hbm>> -> memref<1024xi32, #tpu.memory_space<hbm>>
      %dma_start3A_123 = tpu.memref_slice %arg3[%add3A_119] : memref<1638400xi32, #tpu.memory_space<hbm>> -> memref<1024xi32, #tpu.memory_space<hbm>>
      tpu.enqueue_dma source(%dma_start3A_123 : memref<1024xi32, #tpu.memory_space<hbm>>) target(%arg15 : memref<1024xi32, #tpu.memory_space<vmem>>) target_semaphore(%arg18 : memref<!tpu.dma_semaphore, #tpu.memory_space<semaphore_mem>>)
      "tpu.region"() ({
        %run_scoped3A = tpu.sem_alloc : memref<!tpu.dma_semaphore, #tpu.memory_space<semaphore_mem>>
        %dma_start3A_132 = arith.constant 0 : i32
        %dma_start3A_133 = arith.constant 0 : i32
        %dma_start3A_134 = tpu.memref_slice %arg19[%dma_start3A_132, %dma_start3A_133] : memref<100096x8xf32, #tpu.memory_space<vmem_shared>> -> memref<100096x8xf32, #tpu.memory_space<vmem_shared>>
        tpu.enqueue_indirect_dma source(%arg16 : memref<1024x8xf32, #tpu.memory_space<vmem>>) target(%dma_start3A_134 : memref<100096x8xf32, #tpu.memory_space<vmem_shared>>) offsets(%arg14 : memref<1024xi32, #tpu.memory_space<vmem>>) semaphore(%run_scoped3A : memref<!tpu.dma_semaphore, #tpu.memory_space<semaphore_mem>>) {add = true}
        %dma_wait3A_135 = arith.constant 0 : i32
        %dma_wait3A_136 = arith.constant 0 : i32
        %dma_wait3A_137 = tpu.memref_slice %arg19[%dma_wait3A_135, %dma_wait3A_136] : memref<100096x8xf32, #tpu.memory_space<vmem_shared>> -> memref<100096x8xf32, #tpu.memory_space<vmem_shared>>
        tpu.wait_indirect_dma semaphore(%run_scoped3A : memref<!tpu.dma_semaphore, #tpu.memory_space<semaphore_mem>>) src(%arg16 : memref<1024x8xf32, #tpu.memory_space<vmem>>) dst(%dma_wait3A_137 : memref<100096x8xf32, #tpu.memory_space<vmem_shared>>)
        tpu.yield
      }) : () -> ()
      %dma_wait3A_124 = tpu.memref_slice %arg3[%add3A_119] : memref<1638400xi32, #tpu.memory_space<hbm>> -> memref<1024xi32, #tpu.memory_space<hbm>>
      %dma_wait3A_125 = tpu.memref_slice %arg3[%add3A_119] : memref<1638400xi32, #tpu.memory_space<hbm>> -> memref<1024xi32, #tpu.memory_space<hbm>>
      tpu.wait_dma2 semaphore(%arg18 : memref<!tpu.dma_semaphore, #tpu.memory_space<semaphore_mem>>) src(%dma_wait3A_125 : memref<1024xi32, #tpu.memory_space<hbm>>) dst(%arg15 : memref<1024xi32, #tpu.memory_space<vmem>>)
      %lt3A_126 = arith.constant 24 : i32
      %lt3A_127 = arith.cmpi slt, %scan3A_111, %lt3A_126 : i32
      %convert_element_type3A_128 = arith.extui %lt3A_127 : i1 to i32
      %cond3A_129 = arith.constant 0 : i32
      %cond3A_130 = arith.cmpi ne, %convert_element_type3A_128, %cond3A_129 : i32
      scf.if %cond3A_130 {
        %mul3A_132 = arith.constant 2 : i32
        %mul3A_133 = arith.muli %mul3A_132, %scan3A_111 : i32
        %add3A_134 = arith.constant 2 : i32
        %add3A_135 = arith.addi %mul3A_133, %add3A_134 : i32
        %mul3A_136 = arith.constant 1024 : i32
        %mul3A_137 = arith.muli %add3A_135, %mul3A_136 : i32
        %add3A_138 = arith.addi %mul3A_46, %mul3A_137 : i32
        %dma_start3A_139 = tpu.memref_slice %arg3[%add3A_138] : memref<1638400xi32, #tpu.memory_space<hbm>> -> memref<1024xi32, #tpu.memory_space<hbm>>
        %dma_start3A_140 = tpu.memref_slice %arg3[%add3A_138] : memref<1638400xi32, #tpu.memory_space<hbm>> -> memref<1024xi32, #tpu.memory_space<hbm>>
        tpu.enqueue_dma source(%dma_start3A_140 : memref<1024xi32, #tpu.memory_space<hbm>>) target(%arg14 : memref<1024xi32, #tpu.memory_space<vmem>>) target_semaphore(%arg17 : memref<!tpu.dma_semaphore, #tpu.memory_space<semaphore_mem>>)
      } else {
      }
      "tpu.region"() ({
        %run_scoped3A = tpu.sem_alloc : memref<!tpu.dma_semaphore, #tpu.memory_space<semaphore_mem>>
        %dma_start3A_132 = arith.constant 0 : i32
        %dma_start3A_133 = arith.constant 0 : i32
        %dma_start3A_134 = tpu.memref_slice %arg19[%dma_start3A_132, %dma_start3A_133] : memref<100096x8xf32, #tpu.memory_space<vmem_shared>> -> memref<100096x8xf32, #tpu.memory_space<vmem_shared>>
        tpu.enqueue_indirect_dma source(%arg16 : memref<1024x8xf32, #tpu.memory_space<vmem>>) target(%dma_start3A_134 : memref<100096x8xf32, #tpu.memory_space<vmem_shared>>) offsets(%arg15 : memref<1024xi32, #tpu.memory_space<vmem>>) semaphore(%run_scoped3A : memref<!tpu.dma_semaphore, #tpu.memory_space<semaphore_mem>>) {add = true}
        %dma_wait3A_135 = arith.constant 0 : i32
        %dma_wait3A_136 = arith.constant 0 : i32
        %dma_wait3A_137 = tpu.memref_slice %arg19[%dma_wait3A_135, %dma_wait3A_136] : memref<100096x8xf32, #tpu.memory_space<vmem_shared>> -> memref<100096x8xf32, #tpu.memory_space<vmem_shared>>
        tpu.wait_indirect_dma semaphore(%run_scoped3A : memref<!tpu.dma_semaphore, #tpu.memory_space<semaphore_mem>>) src(%arg16 : memref<1024x8xf32, #tpu.memory_space<vmem>>) dst(%dma_wait3A_137 : memref<100096x8xf32, #tpu.memory_space<vmem_shared>>)
        tpu.yield
      }) : () -> ()
      %scan3A_131 = arith.constant 0 : i32
      scf.yield %scan3A_131 : i32
    }
    %scan3A_55 = arith.constant 25 : i32
    %mul3A_56 = arith.constant 2 : i32
    %mul3A_57 = arith.muli %add3A, %mul3A_56 : i32
    %mul3A_58 = arith.constant 1024 : i32
    %mul3A_59 = arith.muli %mul3A_57, %mul3A_58 : i32
    %dma_start3A_60 = tpu.memref_slice %arg6[%mul3A_59] : memref<65536xi32, #tpu.memory_space<hbm>> -> memref<1024xi32, #tpu.memory_space<hbm>>
    %dma_start3A_61 = tpu.memref_slice %arg6[%mul3A_59] : memref<65536xi32, #tpu.memory_space<hbm>> -> memref<1024xi32, #tpu.memory_space<hbm>>
    tpu.enqueue_dma source(%dma_start3A_61 : memref<1024xi32, #tpu.memory_space<hbm>>) target(%arg14 : memref<1024xi32, #tpu.memory_space<vmem>>) target_semaphore(%arg17 : memref<!tpu.dma_semaphore, #tpu.memory_space<semaphore_mem>>)
    %scan3A_62 = arith.constant 0 : i32
    %scan3A_63 = arith.constant 0 : i32
    %mul3A_64 = arith.constant 2 : i32
    %mul3A_65 = arith.muli %mul3A_64, %scan3A_63 : i32
    %mul3A_66 = arith.constant 1024 : i32
    %mul3A_67 = arith.muli %mul3A_65, %mul3A_66 : i32
    %add3A_68 = arith.addi %mul3A_59, %mul3A_67 : i32
    %add3A_69 = arith.constant 1024 : i32
    %add3A_70 = arith.addi %add3A_68, %add3A_69 : i32
    %dma_wait3A = tpu.memref_slice %arg6[%add3A_68] : memref<65536xi32, #tpu.memory_space<hbm>> -> memref<1024xi32, #tpu.memory_space<hbm>>
    %dma_wait3A_71 = tpu.memref_slice %arg6[%add3A_68] : memref<65536xi32, #tpu.memory_space<hbm>> -> memref<1024xi32, #tpu.memory_space<hbm>>
    tpu.wait_dma2 semaphore(%arg17 : memref<!tpu.dma_semaphore, #tpu.memory_space<semaphore_mem>>) src(%dma_wait3A_71 : memref<1024xi32, #tpu.memory_space<hbm>>) dst(%arg14 : memref<1024xi32, #tpu.memory_space<vmem>>)
    %dma_start3A_72 = tpu.memref_slice %arg6[%add3A_70] : memref<65536xi32, #tpu.memory_space<hbm>> -> memref<1024xi32, #tpu.memory_space<hbm>>
    %dma_start3A_73 = tpu.memref_slice %arg6[%add3A_70] : memref<65536xi32, #tpu.memory_space<hbm>> -> memref<1024xi32, #tpu.memory_space<hbm>>
    tpu.enqueue_dma source(%dma_start3A_73 : memref<1024xi32, #tpu.memory_space<hbm>>) target(%arg15 : memref<1024xi32, #tpu.memory_space<vmem>>) target_semaphore(%arg18 : memref<!tpu.dma_semaphore, #tpu.memory_space<semaphore_mem>>)
    "tpu.region"() ({
      %run_scoped3A = tpu.sem_alloc : memref<!tpu.dma_semaphore, #tpu.memory_space<semaphore_mem>>
      %dma_start3A_111 = arith.constant 0 : i32
      %dma_start3A_112 = arith.constant 0 : i32
      %dma_start3A_113 = tpu.memref_slice %arg21[%dma_start3A_111, %dma_start3A_112] : memref<768x8xf32, #tpu.memory_space<vmem_shared>> -> memref<768x8xf32, #tpu.memory_space<vmem_shared>>
      tpu.enqueue_indirect_dma source(%arg16 : memref<1024x8xf32, #tpu.memory_space<vmem>>) target(%dma_start3A_113 : memref<768x8xf32, #tpu.memory_space<vmem_shared>>) offsets(%arg14 : memref<1024xi32, #tpu.memory_space<vmem>>) semaphore(%run_scoped3A : memref<!tpu.dma_semaphore, #tpu.memory_space<semaphore_mem>>) {add = true}
      %dma_wait3A_114 = arith.constant 0 : i32
      %dma_wait3A_115 = arith.constant 0 : i32
      %dma_wait3A_116 = tpu.memref_slice %arg21[%dma_wait3A_114, %dma_wait3A_115] : memref<768x8xf32, #tpu.memory_space<vmem_shared>> -> memref<768x8xf32, #tpu.memory_space<vmem_shared>>
      tpu.wait_indirect_dma semaphore(%run_scoped3A : memref<!tpu.dma_semaphore, #tpu.memory_space<semaphore_mem>>) src(%arg16 : memref<1024x8xf32, #tpu.memory_space<vmem>>) dst(%dma_wait3A_116 : memref<768x8xf32, #tpu.memory_space<vmem_shared>>)
      tpu.yield
    }) : () -> ()
    %dma_wait3A_74 = tpu.memref_slice %arg6[%add3A_70] : memref<65536xi32, #tpu.memory_space<hbm>> -> memref<1024xi32, #tpu.memory_space<hbm>>
    %dma_wait3A_75 = tpu.memref_slice %arg6[%add3A_70] : memref<65536xi32, #tpu.memory_space<hbm>> -> memref<1024xi32, #tpu.memory_space<hbm>>
    tpu.wait_dma2 semaphore(%arg18 : memref<!tpu.dma_semaphore, #tpu.memory_space<semaphore_mem>>) src(%dma_wait3A_75 : memref<1024xi32, #tpu.memory_space<hbm>>) dst(%arg15 : memref<1024xi32, #tpu.memory_space<vmem>>)
    %lt3A = arith.constant 0 : i32
    %lt3A_76 = arith.cmpi slt, %scan3A_63, %lt3A : i32
    %convert_element_type3A = arith.extui %lt3A_76 : i1 to i32
    %cond3A = arith.constant 0 : i32
    %cond3A_77 = arith.cmpi ne, %convert_element_type3A, %cond3A : i32
    scf.if %cond3A_77 {
      %mul3A_111 = arith.constant 2 : i32
      %mul3A_112 = arith.muli %mul3A_111, %scan3A_63 : i32
      %add3A_113 = arith.constant 2 : i32
      %add3A_114 = arith.addi %mul3A_112, %add3A_113 : i32
      %mul3A_115 = arith.constant 1024 : i32
      %mul3A_116 = arith.muli %add3A_114, %mul3A_115 : i32
      %add3A_117 = arith.addi %mul3A_59, %mul3A_116 : i32
      %dma_start3A_118 = tpu.memref_slice %arg6[%add3A_117] : memref<65536xi32, #tpu.memory_space<hbm>> -> memref<1024xi32, #tpu.memory_space<hbm>>
      %dma_start3A_119 = tpu.memref_slice %arg6[%add3A_117] : memref<65536xi32, #tpu.memory_space<hbm>> -> memref<1024xi32, #tpu.memory_space<hbm>>
      tpu.enqueue_dma source(%dma_start3A_119 : memref<1024xi32, #tpu.memory_space<hbm>>) target(%arg14 : memref<1024xi32, #tpu.memory_space<vmem>>) target_semaphore(%arg17 : memref<!tpu.dma_semaphore, #tpu.memory_space<semaphore_mem>>)
    } else {
    }
    "tpu.region"() ({
      %run_scoped3A = tpu.sem_alloc : memref<!tpu.dma_semaphore, #tpu.memory_space<semaphore_mem>>
      %dma_start3A_111 = arith.constant 0 : i32
      %dma_start3A_112 = arith.constant 0 : i32
      %dma_start3A_113 = tpu.memref_slice %arg21[%dma_start3A_111, %dma_start3A_112] : memref<768x8xf32, #tpu.memory_space<vmem_shared>> -> memref<768x8xf32, #tpu.memory_space<vmem_shared>>
      tpu.enqueue_indirect_dma source(%arg16 : memref<1024x8xf32, #tpu.memory_space<vmem>>) target(%dma_start3A_113 : memref<768x8xf32, #tpu.memory_space<vmem_shared>>) offsets(%arg15 : memref<1024xi32, #tpu.memory_space<vmem>>) semaphore(%run_scoped3A : memref<!tpu.dma_semaphore, #tpu.memory_space<semaphore_mem>>) {add = true}
      %dma_wait3A_114 = arith.constant 0 : i32
      %dma_wait3A_115 = arith.constant 0 : i32
      %dma_wait3A_116 = tpu.memref_slice %arg21[%dma_wait3A_114, %dma_wait3A_115] : memref<768x8xf32, #tpu.memory_space<vmem_shared>> -> memref<768x8xf32, #tpu.memory_space<vmem_shared>>
      tpu.wait_indirect_dma semaphore(%run_scoped3A : memref<!tpu.dma_semaphore, #tpu.memory_space<semaphore_mem>>) src(%arg16 : memref<1024x8xf32, #tpu.memory_space<vmem>>) dst(%dma_wait3A_116 : memref<768x8xf32, #tpu.memory_space<vmem_shared>>)
      tpu.yield
    }) : () -> ()
    %scan3A_78 = arith.constant 0 : i32
    %scan3A_79 = arith.constant 1 : i32
    %barrier3A_80 = arith.constant 0 : index
    tpu.barrier barrier_id(%barrier3A_80)
    %mul3A_81 = arith.constant 6256 : i32
    %mul3A_82 = arith.muli %arg1, %mul3A_81 : i32
    %mul3A_83 = arith.constant 6256 : i32
    %mul3A_84 = arith.muli %arg1, %mul3A_83 : i32
    "tpu.region"() ({
      %run_scoped3A = tpu.sem_alloc : memref<!tpu.dma_semaphore, #tpu.memory_space<semaphore_mem>>
      %dma_start3A_111 = arith.constant 0 : i32
      %dma_start3A_112 = tpu.memref_slice %arg10[%arg0, %mul3A_84, %dma_start3A_111] : memref<2x100096x8xf32, #tpu.memory_space<hbm>> -> memref<1x6256x8xf32, #tpu.memory_space<hbm>>
      %dma_start3A_113 = tpu.memref_squeeze %dma_start3A_112 : memref<1x6256x8xf32, #tpu.memory_space<hbm>> -> memref<6256x8xf32, #tpu.memory_space<hbm>>
      %dma_start3A_114 = arith.constant 0 : i32
      %dma_start3A_115 = tpu.memref_slice %arg19[%mul3A_82, %dma_start3A_114] : memref<100096x8xf32, #tpu.memory_space<vmem_shared>> -> memref<6256x8xf32, #tpu.memory_space<vmem_shared>>
      tpu.enqueue_dma source(%dma_start3A_115 : memref<6256x8xf32, #tpu.memory_space<vmem_shared>>) target(%dma_start3A_113 : memref<6256x8xf32, #tpu.memory_space<hbm>>) target_semaphore(%run_scoped3A : memref<!tpu.dma_semaphore, #tpu.memory_space<semaphore_mem>>)
      %dma_wait3A_116 = arith.constant 0 : i32
      %dma_wait3A_117 = tpu.memref_slice %arg10[%arg0, %mul3A_84, %dma_wait3A_116] : memref<2x100096x8xf32, #tpu.memory_space<hbm>> -> memref<1x6256x8xf32, #tpu.memory_space<hbm>>
      %dma_wait3A_118 = tpu.memref_squeeze %dma_wait3A_117 : memref<1x6256x8xf32, #tpu.memory_space<hbm>> -> memref<6256x8xf32, #tpu.memory_space<hbm>>
      %dma_wait3A_119 = arith.constant 0 : i32
      %dma_wait3A_120 = tpu.memref_slice %arg19[%mul3A_82, %dma_wait3A_119] : memref<100096x8xf32, #tpu.memory_space<vmem_shared>> -> memref<6256x8xf32, #tpu.memory_space<vmem_shared>>
      tpu.wait_dma2 semaphore(%run_scoped3A : memref<!tpu.dma_semaphore, #tpu.memory_space<semaphore_mem>>) src(%dma_wait3A_120 : memref<6256x8xf32, #tpu.memory_space<vmem_shared>>) dst(%dma_wait3A_118 : memref<6256x8xf32, #tpu.memory_space<hbm>>)
      tpu.yield
    }) : () -> ()
    %mul3A_85 = arith.constant 6256 : i32
    %mul3A_86 = arith.muli %arg1, %mul3A_85 : i32
    "tpu.region"() ({
      %run_scoped3A = tpu.sem_alloc : memref<!tpu.dma_semaphore, #tpu.memory_space<semaphore_mem>>
      %dma_start3A_111 = arith.constant 0 : i32
      %dma_start3A_112 = tpu.memref_slice %arg19[%mul3A_86, %dma_start3A_111] : memref<100096x8xf32, #tpu.memory_space<vmem_shared>> -> memref<6256x8xf32, #tpu.memory_space<vmem_shared>>
      %dma_start3A_113 = arith.constant 0 : i32
      %dma_start3A_114 = arith.constant 0 : i32
      %dma_start3A_115 = tpu.memref_slice %arg7[%dma_start3A_113, %dma_start3A_114] : memref<6256x8xf32, #tpu.memory_space<hbm>> -> memref<6256x8xf32, #tpu.memory_space<hbm>>
      tpu.enqueue_dma source(%dma_start3A_115 : memref<6256x8xf32, #tpu.memory_space<hbm>>) target(%dma_start3A_112 : memref<6256x8xf32, #tpu.memory_space<vmem_shared>>) target_semaphore(%run_scoped3A : memref<!tpu.dma_semaphore, #tpu.memory_space<semaphore_mem>>)
      %dma_wait3A_116 = arith.constant 0 : i32
      %dma_wait3A_117 = tpu.memref_slice %arg19[%mul3A_86, %dma_wait3A_116] : memref<100096x8xf32, #tpu.memory_space<vmem_shared>> -> memref<6256x8xf32, #tpu.memory_space<vmem_shared>>
      %dma_wait3A_118 = arith.constant 0 : i32
      %dma_wait3A_119 = arith.constant 0 : i32
      %dma_wait3A_120 = tpu.memref_slice %arg7[%dma_wait3A_118, %dma_wait3A_119] : memref<6256x8xf32, #tpu.memory_space<hbm>> -> memref<6256x8xf32, #tpu.memory_space<hbm>>
      tpu.wait_dma2 semaphore(%run_scoped3A : memref<!tpu.dma_semaphore, #tpu.memory_space<semaphore_mem>>) src(%dma_wait3A_120 : memref<6256x8xf32, #tpu.memory_space<hbm>>) dst(%dma_wait3A_117 : memref<6256x8xf32, #tpu.memory_space<vmem_shared>>)
      tpu.yield
    }) : () -> ()
    %mul3A_87 = arith.constant 48 : i32
    %mul3A_88 = arith.muli %arg1, %mul3A_87 : i32
    %mul3A_89 = arith.constant 48 : i32
    %mul3A_90 = arith.muli %arg1, %mul3A_89 : i32
    "tpu.region"() ({
      %run_scoped3A = tpu.sem_alloc : memref<!tpu.dma_semaphore, #tpu.memory_space<semaphore_mem>>
      %dma_start3A_111 = arith.constant 0 : i32
      %dma_start3A_112 = tpu.memref_slice %arg13[%arg0, %mul3A_90, %dma_start3A_111] : memref<2x768x8xf32, #tpu.memory_space<hbm>> -> memref<1x48x8xf32, #tpu.memory_space<hbm>>
      %dma_start3A_113 = tpu.memref_squeeze %dma_start3A_112 : memref<1x48x8xf32, #tpu.memory_space<hbm>> -> memref<48x8xf32, #tpu.memory_space<hbm>>
      %dma_start3A_114 = arith.constant 0 : i32
      %dma_start3A_115 = tpu.memref_slice %arg21[%mul3A_88, %dma_start3A_114] : memref<768x8xf32, #tpu.memory_space<vmem_shared>> -> memref<48x8xf32, #tpu.memory_space<vmem_shared>>
      tpu.enqueue_dma source(%dma_start3A_115 : memref<48x8xf32, #tpu.memory_space<vmem_shared>>) target(%dma_start3A_113 : memref<48x8xf32, #tpu.memory_space<hbm>>) target_semaphore(%run_scoped3A : memref<!tpu.dma_semaphore, #tpu.memory_space<semaphore_mem>>)
      %dma_wait3A_116 = arith.constant 0 : i32
      %dma_wait3A_117 = tpu.memref_slice %arg13[%arg0, %mul3A_90, %dma_wait3A_116] : memref<2x768x8xf32, #tpu.memory_space<hbm>> -> memref<1x48x8xf32, #tpu.memory_space<hbm>>
      %dma_wait3A_118 = tpu.memref_squeeze %dma_wait3A_117 : memref<1x48x8xf32, #tpu.memory_space<hbm>> -> memref<48x8xf32, #tpu.memory_space<hbm>>
      %dma_wait3A_119 = arith.constant 0 : i32
      %dma_wait3A_120 = tpu.memref_slice %arg21[%mul3A_88, %dma_wait3A_119] : memref<768x8xf32, #tpu.memory_space<vmem_shared>> -> memref<48x8xf32, #tpu.memory_space<vmem_shared>>
      tpu.wait_dma2 semaphore(%run_scoped3A : memref<!tpu.dma_semaphore, #tpu.memory_space<semaphore_mem>>) src(%dma_wait3A_120 : memref<48x8xf32, #tpu.memory_space<vmem_shared>>) dst(%dma_wait3A_118 : memref<48x8xf32, #tpu.memory_space<hbm>>)
      tpu.yield
    }) : () -> ()
    %barrier3A_91 = arith.constant 0 : index
    tpu.barrier barrier_id(%barrier3A_91)
    %mul3A_92 = arith.constant 32 : i32
    %mul3A_93 = arith.muli %add3A, %mul3A_92 : i32
    %mul3A_94 = arith.constant 1024 : i32
    %mul3A_95 = arith.muli %mul3A_93, %mul3A_94 : i32
    %dma_start3A_96 = tpu.memref_slice %arg4[%mul3A_95] : memref<1048576xi32, #tpu.memory_space<hbm>> -> memref<1024xi32, #tpu.memory_space<hbm>>
    %dma_start3A_97 = tpu.memref_slice %arg4[%mul3A_95] : memref<1048576xi32, #tpu.memory_space<hbm>> -> memref<1024xi32, #tpu.memory_space<hbm>>
    tpu.enqueue_dma source(%dma_start3A_97 : memref<1024xi32, #tpu.memory_space<hbm>>) target(%arg14 : memref<1024xi32, #tpu.memory_space<vmem>>) target_semaphore(%arg17 : memref<!tpu.dma_semaphore, #tpu.memory_space<semaphore_mem>>)
    %scan3A_98 = arith.constant 0 : i32
    %scan3A_99 = arith.constant 0 : i32
    %scan3A_100 = arith.constant 16 : i32
    %scan3A_101 = arith.addi %scan3A_99, %scan3A_100 : i32
    %scan3A_102 = arith.constant 1 : i32
    %scan3A_103 = scf.for %scan3A_111 = %scan3A_99 to %scan3A_101 step %scan3A_102 iter_args(%scan3A_112 = %scan3A_98) -> (i32)  : i32 {
      %mul3A_113 = arith.constant 2 : i32
      %mul3A_114 = arith.muli %mul3A_113, %scan3A_111 : i32
      %mul3A_115 = arith.constant 1024 : i32
      %mul3A_116 = arith.muli %mul3A_114, %mul3A_115 : i32
      %add3A_117 = arith.addi %mul3A_95, %mul3A_116 : i32
      %add3A_118 = arith.constant 1024 : i32
      %add3A_119 = arith.addi %add3A_117, %add3A_118 : i32
      %dma_wait3A_120 = tpu.memref_slice %arg4[%add3A_117] : memref<1048576xi32, #tpu.memory_space<hbm>> -> memref<1024xi32, #tpu.memory_space<hbm>>
      %dma_wait3A_121 = tpu.memref_slice %arg4[%add3A_117] : memref<1048576xi32, #tpu.memory_space<hbm>> -> memref<1024xi32, #tpu.memory_space<hbm>>
      tpu.wait_dma2 semaphore(%arg17 : memref<!tpu.dma_semaphore, #tpu.memory_space<semaphore_mem>>) src(%dma_wait3A_121 : memref<1024xi32, #tpu.memory_space<hbm>>) dst(%arg14 : memref<1024xi32, #tpu.memory_space<vmem>>)
      %dma_start3A_122 = tpu.memref_slice %arg4[%add3A_119] : memref<1048576xi32, #tpu.memory_space<hbm>> -> memref<1024xi32, #tpu.memory_space<hbm>>
      %dma_start3A_123 = tpu.memref_slice %arg4[%add3A_119] : memref<1048576xi32, #tpu.memory_space<hbm>> -> memref<1024xi32, #tpu.memory_space<hbm>>
      tpu.enqueue_dma source(%dma_start3A_123 : memref<1024xi32, #tpu.memory_space<hbm>>) target(%arg15 : memref<1024xi32, #tpu.memory_space<vmem>>) target_semaphore(%arg18 : memref<!tpu.dma_semaphore, #tpu.memory_space<semaphore_mem>>)
      "tpu.region"() ({
        %run_scoped3A = tpu.sem_alloc : memref<!tpu.dma_semaphore, #tpu.memory_space<semaphore_mem>>
        %dma_start3A_132 = arith.constant 0 : i32
        %dma_start3A_133 = arith.constant 0 : i32
        %dma_start3A_134 = tpu.memref_slice %arg19[%dma_start3A_132, %dma_start3A_133] : memref<100096x8xf32, #tpu.memory_space<vmem_shared>> -> memref<100096x8xf32, #tpu.memory_space<vmem_shared>>
        tpu.enqueue_indirect_dma source(%arg16 : memref<1024x8xf32, #tpu.memory_space<vmem>>) target(%dma_start3A_134 : memref<100096x8xf32, #tpu.memory_space<vmem_shared>>) offsets(%arg14 : memref<1024xi32, #tpu.memory_space<vmem>>) semaphore(%run_scoped3A : memref<!tpu.dma_semaphore, #tpu.memory_space<semaphore_mem>>) {add = true}
        %dma_wait3A_135 = arith.constant 0 : i32
        %dma_wait3A_136 = arith.constant 0 : i32
        %dma_wait3A_137 = tpu.memref_slice %arg19[%dma_wait3A_135, %dma_wait3A_136] : memref<100096x8xf32, #tpu.memory_space<vmem_shared>> -> memref<100096x8xf32, #tpu.memory_space<vmem_shared>>
        tpu.wait_indirect_dma semaphore(%run_scoped3A : memref<!tpu.dma_semaphore, #tpu.memory_space<semaphore_mem>>) src(%arg16 : memref<1024x8xf32, #tpu.memory_space<vmem>>) dst(%dma_wait3A_137 : memref<100096x8xf32, #tpu.memory_space<vmem_shared>>)
        tpu.yield
      }) : () -> ()
      %dma_wait3A_124 = tpu.memref_slice %arg4[%add3A_119] : memref<1048576xi32, #tpu.memory_space<hbm>> -> memref<1024xi32, #tpu.memory_space<hbm>>
      %dma_wait3A_125 = tpu.memref_slice %arg4[%add3A_119] : memref<1048576xi32, #tpu.memory_space<hbm>> -> memref<1024xi32, #tpu.memory_space<hbm>>
      tpu.wait_dma2 semaphore(%arg18 : memref<!tpu.dma_semaphore, #tpu.memory_space<semaphore_mem>>) src(%dma_wait3A_125 : memref<1024xi32, #tpu.memory_space<hbm>>) dst(%arg15 : memref<1024xi32, #tpu.memory_space<vmem>>)
      %lt3A_126 = arith.constant 15 : i32
      %lt3A_127 = arith.cmpi slt, %scan3A_111, %lt3A_126 : i32
      %convert_element_type3A_128 = arith.extui %lt3A_127 : i1 to i32
      %cond3A_129 = arith.constant 0 : i32
      %cond3A_130 = arith.cmpi ne, %convert_element_type3A_128, %cond3A_129 : i32
      scf.if %cond3A_130 {
        %mul3A_132 = arith.constant 2 : i32
        %mul3A_133 = arith.muli %mul3A_132, %scan3A_111 : i32
        %add3A_134 = arith.constant 2 : i32
        %add3A_135 = arith.addi %mul3A_133, %add3A_134 : i32
        %mul3A_136 = arith.constant 1024 : i32
        %mul3A_137 = arith.muli %add3A_135, %mul3A_136 : i32
        %add3A_138 = arith.addi %mul3A_95, %mul3A_137 : i32
        %dma_start3A_139 = tpu.memref_slice %arg4[%add3A_138] : memref<1048576xi32, #tpu.memory_space<hbm>> -> memref<1024xi32, #tpu.memory_space<hbm>>
        %dma_start3A_140 = tpu.memref_slice %arg4[%add3A_138] : memref<1048576xi32, #tpu.memory_space<hbm>> -> memref<1024xi32, #tpu.memory_space<hbm>>
        tpu.enqueue_dma source(%dma_start3A_140 : memref<1024xi32, #tpu.memory_space<hbm>>) target(%arg14 : memref<1024xi32, #tpu.memory_space<vmem>>) target_semaphore(%arg17 : memref<!tpu.dma_semaphore, #tpu.memory_space<semaphore_mem>>)
      } else {
      }
      "tpu.region"() ({
        %run_scoped3A = tpu.sem_alloc : memref<!tpu.dma_semaphore, #tpu.memory_space<semaphore_mem>>
        %dma_start3A_132 = arith.constant 0 : i32
        %dma_start3A_133 = arith.constant 0 : i32
        %dma_start3A_134 = tpu.memref_slice %arg19[%dma_start3A_132, %dma_start3A_133] : memref<100096x8xf32, #tpu.memory_space<vmem_shared>> -> memref<100096x8xf32, #tpu.memory_space<vmem_shared>>
        tpu.enqueue_indirect_dma source(%arg16 : memref<1024x8xf32, #tpu.memory_space<vmem>>) target(%dma_start3A_134 : memref<100096x8xf32, #tpu.memory_space<vmem_shared>>) offsets(%arg15 : memref<1024xi32, #tpu.memory_space<vmem>>) semaphore(%run_scoped3A : memref<!tpu.dma_semaphore, #tpu.memory_space<semaphore_mem>>) {add = true}
        %dma_wait3A_135 = arith.constant 0 : i32
        %dma_wait3A_136 = arith.constant 0 : i32
        %dma_wait3A_137 = tpu.memref_slice %arg19[%dma_wait3A_135, %dma_wait3A_136] : memref<100096x8xf32, #tpu.memory_space<vmem_shared>> -> memref<100096x8xf32, #tpu.memory_space<vmem_shared>>
        tpu.wait_indirect_dma semaphore(%run_scoped3A : memref<!tpu.dma_semaphore, #tpu.memory_space<semaphore_mem>>) src(%arg16 : memref<1024x8xf32, #tpu.memory_space<vmem>>) dst(%dma_wait3A_137 : memref<100096x8xf32, #tpu.memory_space<vmem_shared>>)
        tpu.yield
      }) : () -> ()
      %scan3A_131 = arith.constant 0 : i32
      scf.yield %scan3A_131 : i32
    }
    %scan3A_104 = arith.constant 16 : i32
    %barrier3A_105 = arith.constant 0 : index
    tpu.barrier barrier_id(%barrier3A_105)
    %mul3A_106 = arith.constant 6256 : i32
    %mul3A_107 = arith.muli %arg1, %mul3A_106 : i32
    %mul3A_108 = arith.constant 6256 : i32
    %mul3A_109 = arith.muli %arg1, %mul3A_108 : i32
    "tpu.region"() ({
      %run_scoped3A = tpu.sem_alloc : memref<!tpu.dma_semaphore, #tpu.memory_space<semaphore_mem>>
      %dma_start3A_111 = arith.constant 0 : i32
      %dma_start3A_112 = tpu.memref_slice %arg11[%arg0, %mul3A_109, %dma_start3A_111] : memref<2x100096x8xf32, #tpu.memory_space<hbm>> -> memref<1x6256x8xf32, #tpu.memory_space<hbm>>
      %dma_start3A_113 = tpu.memref_squeeze %dma_start3A_112 : memref<1x6256x8xf32, #tpu.memory_space<hbm>> -> memref<6256x8xf32, #tpu.memory_space<hbm>>
      %dma_start3A_114 = arith.constant 0 : i32
      %dma_start3A_115 = tpu.memref_slice %arg19[%mul3A_107, %dma_start3A_114] : memref<100096x8xf32, #tpu.memory_space<vmem_shared>> -> memref<6256x8xf32, #tpu.memory_space<vmem_shared>>
      tpu.enqueue_dma source(%dma_start3A_115 : memref<6256x8xf32, #tpu.memory_space<vmem_shared>>) target(%dma_start3A_113 : memref<6256x8xf32, #tpu.memory_space<hbm>>) target_semaphore(%run_scoped3A : memref<!tpu.dma_semaphore, #tpu.memory_space<semaphore_mem>>)
      %dma_wait3A_116 = arith.constant 0 : i32
      %dma_wait3A_117 = tpu.memref_slice %arg11[%arg0, %mul3A_109, %dma_wait3A_116] : memref<2x100096x8xf32, #tpu.memory_space<hbm>> -> memref<1x6256x8xf32, #tpu.memory_space<hbm>>
      %dma_wait3A_118 = tpu.memref_squeeze %dma_wait3A_117 : memref<1x6256x8xf32, #tpu.memory_space<hbm>> -> memref<6256x8xf32, #tpu.memory_space<hbm>>
      %dma_wait3A_119 = arith.constant 0 : i32
      %dma_wait3A_120 = tpu.memref_slice %arg19[%mul3A_107, %dma_wait3A_119] : memref<100096x8xf32, #tpu.memory_space<vmem_shared>> -> memref<6256x8xf32, #tpu.memory_space<vmem_shared>>
      tpu.wait_dma2 semaphore(%run_scoped3A : memref<!tpu.dma_semaphore, #tpu.memory_space<semaphore_mem>>) src(%dma_wait3A_120 : memref<6256x8xf32, #tpu.memory_space<vmem_shared>>) dst(%dma_wait3A_118 : memref<6256x8xf32, #tpu.memory_space<hbm>>)
      tpu.yield
    }) : () -> ()
    %barrier3A_110 = arith.constant 0 : index
    tpu.barrier barrier_id(%barrier3A_110)
    return
  }
}

#map = affine_map<(d0, d1) -> (0, 0)>
#map1 = affine_map<(d0, d1) -> (0)>
#map2 = affine_map<(d0, d1) -> (0, 0, 0)>
module attributes {stable_mosaic.version = 14 : i64} {
  func.func @_main_body(%arg0: i32, %arg1: i32, %arg2: memref<100096x8xf32, #tpu.memory_space<hbm>>, %arg3: memref<100096x8xf32, #tpu.memory_space<hbm>>, %arg4: memref<100096x8xf32, #tpu.memory_space<hbm>>, %arg5: memref<768x8xf32, #tpu.memory_space<hbm>>, %arg6: memref<768x8xf32, #tpu.memory_space<hbm>>, %arg7: memref<3211264xi32, #tpu.memory_space<hbm>>, %arg8: memref<1638400xi32, #tpu.memory_space<hbm>>, %arg9: memref<1048576xi32, #tpu.memory_space<hbm>>, %arg10: memref<131072xi32, #tpu.memory_space<hbm>>, %arg11: memref<65536xi32, #tpu.memory_space<hbm>>, %arg12: memref<3211264xi32, #tpu.memory_space<hbm>>, %arg13: memref<1638400xi32, #tpu.memory_space<hbm>>, %arg14: memref<1048576xi32, #tpu.memory_space<hbm>>, %arg15: memref<131072xi32, #tpu.memory_space<hbm>>, %arg16: memref<65536xi32, #tpu.memory_space<hbm>>, %arg17: memref<6256x8xf32, #tpu.memory_space<hbm>>, %arg18: memref<2x100096x8xf32, #tpu.memory_space<hbm>>, %arg19: memref<2x10112x8xf32, #tpu.memory_space<hbm>>, %arg20: memref<2x768x8xf32, #tpu.memory_space<hbm>>, %arg21: memref<2x10112x8xf32, #tpu.memory_space<hbm>>, %arg22: memref<2x768x8xf32, #tpu.memory_space<hbm>>, %arg23: memref<1024xi32, #tpu.memory_space<vmem>>, %arg24: memref<1024xi32, #tpu.memory_space<vmem>>, %arg25: memref<1024xi32, #tpu.memory_space<vmem>>, %arg26: memref<1024xi32, #tpu.memory_space<vmem>>, %arg27: memref<1024x8xf32, #tpu.memory_space<vmem>>, %arg28: memref<1024x8xf32, #tpu.memory_space<vmem>>, %arg29: memref<!tpu.dma_semaphore, #tpu.memory_space<semaphore_mem>>, %arg30: memref<!tpu.dma_semaphore, #tpu.memory_space<semaphore_mem>>, %arg31: memref<!tpu.dma_semaphore, #tpu.memory_space<semaphore_mem>>, %arg32: memref<!tpu.dma_semaphore, #tpu.memory_space<semaphore_mem>>, %arg33: memref<100096x8xf32, #tpu.memory_space<vmem_shared>>, %arg34: memref<100096x8xf32, #tpu.memory_space<vmem_shared>>, %arg35: memref<10112x8xf32, #tpu.memory_space<vmem_shared>>, %arg36: memref<10112x8xf32, #tpu.memory_space<vmem_shared>>, %arg37: memref<768x8xf32, #tpu.memory_space<vmem_shared>>, %arg38: memref<768x8xf32, #tpu.memory_space<vmem_shared>>) attributes {dimension_semantics = [#tpu.dimension_semantics<core_parallel>, #tpu.dimension_semantics<subcore_parallel>], iteration_bounds = array<i64: 2, 16>, scalar_prefetch = 0 : i64, scratch_operands = 16 : i64, tpu.core_type = #tpu.core_type<sc_vector_subcore>, window_params = [{transform_indices = #map}, {transform_indices = #map}, {transform_indices = #map}, {transform_indices = #map}, {transform_indices = #map}, {transform_indices = #map1}, {transform_indices = #map1}, {transform_indices = #map1}, {transform_indices = #map1}, {transform_indices = #map1}, {transform_indices = #map1}, {transform_indices = #map1}, {transform_indices = #map1}, {transform_indices = #map1}, {transform_indices = #map1}, {transform_indices = #map}, {transform_indices = #map2}, {transform_indices = #map2}, {transform_indices = #map2}, {transform_indices = #map2}, {transform_indices = #map2}]} {
    %mul3A = arith.constant 2 : i32
    %mul3A_0 = arith.muli %arg1, %mul3A : i32
    %add3A = arith.addi %mul3A_0, %arg0 : i32
    %mul3A_1 = arith.constant 6256 : i32
    %mul3A_2 = arith.muli %arg1, %mul3A_1 : i32
    "tpu.region"() ({
      %run_scoped3A = tpu.sem_alloc : memref<!tpu.dma_semaphore, #tpu.memory_space<semaphore_mem>>
      %dma_start3A_162 = arith.constant 0 : i32
      %dma_start3A_163 = tpu.memref_slice %arg33[%mul3A_2, %dma_start3A_162] : memref<100096x8xf32, #tpu.memory_space<vmem_shared>> -> memref<6256x8xf32, #tpu.memory_space<vmem_shared>>
      %dma_start3A_164 = arith.constant 0 : i32
      %dma_start3A_165 = arith.constant 0 : i32
      %dma_start3A_166 = tpu.memref_slice %arg17[%dma_start3A_164, %dma_start3A_165] : memref<6256x8xf32, #tpu.memory_space<hbm>> -> memref<6256x8xf32, #tpu.memory_space<hbm>>
      tpu.enqueue_dma source(%dma_start3A_166 : memref<6256x8xf32, #tpu.memory_space<hbm>>) target(%dma_start3A_163 : memref<6256x8xf32, #tpu.memory_space<vmem_shared>>) target_semaphore(%run_scoped3A : memref<!tpu.dma_semaphore, #tpu.memory_space<semaphore_mem>>)
      %dma_wait3A_167 = arith.constant 0 : i32
      %dma_wait3A_168 = tpu.memref_slice %arg33[%mul3A_2, %dma_wait3A_167] : memref<100096x8xf32, #tpu.memory_space<vmem_shared>> -> memref<6256x8xf32, #tpu.memory_space<vmem_shared>>
      %dma_wait3A_169 = arith.constant 0 : i32
      %dma_wait3A_170 = arith.constant 0 : i32
      %dma_wait3A_171 = tpu.memref_slice %arg17[%dma_wait3A_169, %dma_wait3A_170] : memref<6256x8xf32, #tpu.memory_space<hbm>> -> memref<6256x8xf32, #tpu.memory_space<hbm>>
      tpu.wait_dma2 semaphore(%run_scoped3A : memref<!tpu.dma_semaphore, #tpu.memory_space<semaphore_mem>>) src(%dma_wait3A_171 : memref<6256x8xf32, #tpu.memory_space<hbm>>) dst(%dma_wait3A_168 : memref<6256x8xf32, #tpu.memory_space<vmem_shared>>)
      tpu.yield
    }) : () -> ()
    %mul3A_3 = arith.constant 632 : i32
    %mul3A_4 = arith.muli %arg1, %mul3A_3 : i32
    "tpu.region"() ({
      %run_scoped3A = tpu.sem_alloc : memref<!tpu.dma_semaphore, #tpu.memory_space<semaphore_mem>>
      %dma_start3A_162 = arith.constant 0 : i32
      %dma_start3A_163 = tpu.memref_slice %arg34[%mul3A_4, %dma_start3A_162] : memref<100096x8xf32, #tpu.memory_space<vmem_shared>> -> memref<632x8xf32, #tpu.memory_space<vmem_shared>>
      %dma_start3A_164 = arith.constant 0 : i32
      %dma_start3A_165 = arith.constant 0 : i32
      %dma_start3A_166 = tpu.memref_slice %arg17[%dma_start3A_164, %dma_start3A_165] : memref<6256x8xf32, #tpu.memory_space<hbm>> -> memref<632x8xf32, #tpu.memory_space<hbm>>
      tpu.enqueue_dma source(%dma_start3A_166 : memref<632x8xf32, #tpu.memory_space<hbm>>) target(%dma_start3A_163 : memref<632x8xf32, #tpu.memory_space<vmem_shared>>) target_semaphore(%run_scoped3A : memref<!tpu.dma_semaphore, #tpu.memory_space<semaphore_mem>>)
      %dma_wait3A_167 = arith.constant 0 : i32
      %dma_wait3A_168 = tpu.memref_slice %arg34[%mul3A_4, %dma_wait3A_167] : memref<100096x8xf32, #tpu.memory_space<vmem_shared>> -> memref<632x8xf32, #tpu.memory_space<vmem_shared>>
      %dma_wait3A_169 = arith.constant 0 : i32
      %dma_wait3A_170 = arith.constant 0 : i32
      %dma_wait3A_171 = tpu.memref_slice %arg17[%dma_wait3A_169, %dma_wait3A_170] : memref<6256x8xf32, #tpu.memory_space<hbm>> -> memref<632x8xf32, #tpu.memory_space<hbm>>
      tpu.wait_dma2 semaphore(%run_scoped3A : memref<!tpu.dma_semaphore, #tpu.memory_space<semaphore_mem>>) src(%dma_wait3A_171 : memref<632x8xf32, #tpu.memory_space<hbm>>) dst(%dma_wait3A_168 : memref<632x8xf32, #tpu.memory_space<vmem_shared>>)
      tpu.yield
    }) : () -> ()
    %mul3A_5 = arith.constant 632 : i32
    %mul3A_6 = arith.muli %arg1, %mul3A_5 : i32
    "tpu.region"() ({
      %run_scoped3A = tpu.sem_alloc : memref<!tpu.dma_semaphore, #tpu.memory_space<semaphore_mem>>
      %dma_start3A_162 = arith.constant 0 : i32
      %dma_start3A_163 = tpu.memref_slice %arg35[%mul3A_6, %dma_start3A_162] : memref<10112x8xf32, #tpu.memory_space<vmem_shared>> -> memref<632x8xf32, #tpu.memory_space<vmem_shared>>
      %dma_start3A_164 = arith.constant 0 : i32
      %dma_start3A_165 = arith.constant 0 : i32
      %dma_start3A_166 = tpu.memref_slice %arg17[%dma_start3A_164, %dma_start3A_165] : memref<6256x8xf32, #tpu.memory_space<hbm>> -> memref<632x8xf32, #tpu.memory_space<hbm>>
      tpu.enqueue_dma source(%dma_start3A_166 : memref<632x8xf32, #tpu.memory_space<hbm>>) target(%dma_start3A_163 : memref<632x8xf32, #tpu.memory_space<vmem_shared>>) target_semaphore(%run_scoped3A : memref<!tpu.dma_semaphore, #tpu.memory_space<semaphore_mem>>)
      %dma_wait3A_167 = arith.constant 0 : i32
      %dma_wait3A_168 = tpu.memref_slice %arg35[%mul3A_6, %dma_wait3A_167] : memref<10112x8xf32, #tpu.memory_space<vmem_shared>> -> memref<632x8xf32, #tpu.memory_space<vmem_shared>>
      %dma_wait3A_169 = arith.constant 0 : i32
      %dma_wait3A_170 = arith.constant 0 : i32
      %dma_wait3A_171 = tpu.memref_slice %arg17[%dma_wait3A_169, %dma_wait3A_170] : memref<6256x8xf32, #tpu.memory_space<hbm>> -> memref<632x8xf32, #tpu.memory_space<hbm>>
      tpu.wait_dma2 semaphore(%run_scoped3A : memref<!tpu.dma_semaphore, #tpu.memory_space<semaphore_mem>>) src(%dma_wait3A_171 : memref<632x8xf32, #tpu.memory_space<hbm>>) dst(%dma_wait3A_168 : memref<632x8xf32, #tpu.memory_space<vmem_shared>>)
      tpu.yield
    }) : () -> ()
    %mul3A_7 = arith.constant 48 : i32
    %mul3A_8 = arith.muli %arg1, %mul3A_7 : i32
    "tpu.region"() ({
      %run_scoped3A = tpu.sem_alloc : memref<!tpu.dma_semaphore, #tpu.memory_space<semaphore_mem>>
      %dma_start3A_162 = arith.constant 0 : i32
      %dma_start3A_163 = tpu.memref_slice %arg36[%mul3A_8, %dma_start3A_162] : memref<10112x8xf32, #tpu.memory_space<vmem_shared>> -> memref<48x8xf32, #tpu.memory_space<vmem_shared>>
      %dma_start3A_164 = arith.constant 0 : i32
      %dma_start3A_165 = arith.constant 0 : i32
      %dma_start3A_166 = tpu.memref_slice %arg17[%dma_start3A_164, %dma_start3A_165] : memref<6256x8xf32, #tpu.memory_space<hbm>> -> memref<48x8xf32, #tpu.memory_space<hbm>>
      tpu.enqueue_dma source(%dma_start3A_166 : memref<48x8xf32, #tpu.memory_space<hbm>>) target(%dma_start3A_163 : memref<48x8xf32, #tpu.memory_space<vmem_shared>>) target_semaphore(%run_scoped3A : memref<!tpu.dma_semaphore, #tpu.memory_space<semaphore_mem>>)
      %dma_wait3A_167 = arith.constant 0 : i32
      %dma_wait3A_168 = tpu.memref_slice %arg36[%mul3A_8, %dma_wait3A_167] : memref<10112x8xf32, #tpu.memory_space<vmem_shared>> -> memref<48x8xf32, #tpu.memory_space<vmem_shared>>
      %dma_wait3A_169 = arith.constant 0 : i32
      %dma_wait3A_170 = arith.constant 0 : i32
      %dma_wait3A_171 = tpu.memref_slice %arg17[%dma_wait3A_169, %dma_wait3A_170] : memref<6256x8xf32, #tpu.memory_space<hbm>> -> memref<48x8xf32, #tpu.memory_space<hbm>>
      tpu.wait_dma2 semaphore(%run_scoped3A : memref<!tpu.dma_semaphore, #tpu.memory_space<semaphore_mem>>) src(%dma_wait3A_171 : memref<48x8xf32, #tpu.memory_space<hbm>>) dst(%dma_wait3A_168 : memref<48x8xf32, #tpu.memory_space<vmem_shared>>)
      tpu.yield
    }) : () -> ()
    %mul3A_9 = arith.constant 48 : i32
    %mul3A_10 = arith.muli %arg1, %mul3A_9 : i32
    "tpu.region"() ({
      %run_scoped3A = tpu.sem_alloc : memref<!tpu.dma_semaphore, #tpu.memory_space<semaphore_mem>>
      %dma_start3A_162 = arith.constant 0 : i32
      %dma_start3A_163 = tpu.memref_slice %arg37[%mul3A_10, %dma_start3A_162] : memref<768x8xf32, #tpu.memory_space<vmem_shared>> -> memref<48x8xf32, #tpu.memory_space<vmem_shared>>
      %dma_start3A_164 = arith.constant 0 : i32
      %dma_start3A_165 = arith.constant 0 : i32
      %dma_start3A_166 = tpu.memref_slice %arg17[%dma_start3A_164, %dma_start3A_165] : memref<6256x8xf32, #tpu.memory_space<hbm>> -> memref<48x8xf32, #tpu.memory_space<hbm>>
      tpu.enqueue_dma source(%dma_start3A_166 : memref<48x8xf32, #tpu.memory_space<hbm>>) target(%dma_start3A_163 : memref<48x8xf32, #tpu.memory_space<vmem_shared>>) target_semaphore(%run_scoped3A : memref<!tpu.dma_semaphore, #tpu.memory_space<semaphore_mem>>)
      %dma_wait3A_167 = arith.constant 0 : i32
      %dma_wait3A_168 = tpu.memref_slice %arg37[%mul3A_10, %dma_wait3A_167] : memref<768x8xf32, #tpu.memory_space<vmem_shared>> -> memref<48x8xf32, #tpu.memory_space<vmem_shared>>
      %dma_wait3A_169 = arith.constant 0 : i32
      %dma_wait3A_170 = arith.constant 0 : i32
      %dma_wait3A_171 = tpu.memref_slice %arg17[%dma_wait3A_169, %dma_wait3A_170] : memref<6256x8xf32, #tpu.memory_space<hbm>> -> memref<48x8xf32, #tpu.memory_space<hbm>>
      tpu.wait_dma2 semaphore(%run_scoped3A : memref<!tpu.dma_semaphore, #tpu.memory_space<semaphore_mem>>) src(%dma_wait3A_171 : memref<48x8xf32, #tpu.memory_space<hbm>>) dst(%dma_wait3A_168 : memref<48x8xf32, #tpu.memory_space<vmem_shared>>)
      tpu.yield
    }) : () -> ()
    %mul3A_11 = arith.constant 98 : i32
    %mul3A_12 = arith.muli %add3A, %mul3A_11 : i32
    %mul3A_13 = arith.constant 1024 : i32
    %mul3A_14 = arith.muli %mul3A_12, %mul3A_13 : i32
    %dma_start3A = tpu.memref_slice %arg7[%mul3A_14] : memref<3211264xi32, #tpu.memory_space<hbm>> -> memref<1024xi32, #tpu.memory_space<hbm>>
    %dma_start3A_15 = tpu.memref_slice %arg7[%mul3A_14] : memref<3211264xi32, #tpu.memory_space<hbm>> -> memref<1024xi32, #tpu.memory_space<hbm>>
    tpu.enqueue_dma source(%dma_start3A_15 : memref<1024xi32, #tpu.memory_space<hbm>>) target(%arg23 : memref<1024xi32, #tpu.memory_space<vmem>>) target_semaphore(%arg29 : memref<!tpu.dma_semaphore, #tpu.memory_space<semaphore_mem>>)
    %dma_start3A_16 = tpu.memref_slice %arg12[%mul3A_14] : memref<3211264xi32, #tpu.memory_space<hbm>> -> memref<1024xi32, #tpu.memory_space<hbm>>
    %dma_start3A_17 = tpu.memref_slice %arg12[%mul3A_14] : memref<3211264xi32, #tpu.memory_space<hbm>> -> memref<1024xi32, #tpu.memory_space<hbm>>
    tpu.enqueue_dma source(%dma_start3A_17 : memref<1024xi32, #tpu.memory_space<hbm>>) target(%arg25 : memref<1024xi32, #tpu.memory_space<vmem>>) target_semaphore(%arg29 : memref<!tpu.dma_semaphore, #tpu.memory_space<semaphore_mem>>)
    %scan3A = arith.constant 0 : i32
    %scan3A_18 = arith.constant 0 : i32
    %scan3A_19 = arith.constant 49 : i32
    %scan3A_20 = arith.addi %scan3A_18, %scan3A_19 : i32
    %scan3A_21 = arith.constant 1 : i32
    %scan3A_22 = scf.for %scan3A_162 = %scan3A_18 to %scan3A_20 step %scan3A_21 iter_args(%scan3A_163 = %scan3A) -> (i32)  : i32 {
      %mul3A_164 = arith.constant 2 : i32
      %mul3A_165 = arith.muli %mul3A_164, %scan3A_162 : i32
      %mul3A_166 = arith.constant 1024 : i32
      %mul3A_167 = arith.muli %mul3A_165, %mul3A_166 : i32
      %add3A_168 = arith.addi %mul3A_14, %mul3A_167 : i32
      %add3A_169 = arith.constant 1024 : i32
      %add3A_170 = arith.addi %add3A_168, %add3A_169 : i32
      %dma_wait3A_171 = tpu.memref_slice %arg7[%add3A_168] : memref<3211264xi32, #tpu.memory_space<hbm>> -> memref<1024xi32, #tpu.memory_space<hbm>>
      %dma_wait3A_172 = tpu.memref_slice %arg7[%add3A_168] : memref<3211264xi32, #tpu.memory_space<hbm>> -> memref<1024xi32, #tpu.memory_space<hbm>>
      tpu.wait_dma2 semaphore(%arg29 : memref<!tpu.dma_semaphore, #tpu.memory_space<semaphore_mem>>) src(%dma_wait3A_172 : memref<1024xi32, #tpu.memory_space<hbm>>) dst(%arg23 : memref<1024xi32, #tpu.memory_space<vmem>>)
      %dma_wait3A_173 = tpu.memref_slice %arg12[%add3A_168] : memref<3211264xi32, #tpu.memory_space<hbm>> -> memref<1024xi32, #tpu.memory_space<hbm>>
      %dma_wait3A_174 = tpu.memref_slice %arg12[%add3A_168] : memref<3211264xi32, #tpu.memory_space<hbm>> -> memref<1024xi32, #tpu.memory_space<hbm>>
      tpu.wait_dma2 semaphore(%arg29 : memref<!tpu.dma_semaphore, #tpu.memory_space<semaphore_mem>>) src(%dma_wait3A_174 : memref<1024xi32, #tpu.memory_space<hbm>>) dst(%arg25 : memref<1024xi32, #tpu.memory_space<vmem>>)
      %dma_start3A_175 = arith.constant 0 : i32
      %dma_start3A_176 = arith.constant 0 : i32
      %dma_start3A_177 = tpu.memref_slice %arg2[%dma_start3A_175, %dma_start3A_176] : memref<100096x8xf32, #tpu.memory_space<hbm>> -> memref<100096x8xf32, #tpu.memory_space<hbm>>
      tpu.enqueue_indirect_dma source(%dma_start3A_177 : memref<100096x8xf32, #tpu.memory_space<hbm>>) target(%arg27 : memref<1024x8xf32, #tpu.memory_space<vmem>>) offsets(%arg23 : memref<1024xi32, #tpu.memory_space<vmem>>) semaphore(%arg31 : memref<!tpu.dma_semaphore, #tpu.memory_space<semaphore_mem>>)
      %gt3A_178 = arith.constant 0 : i32
      %gt3A_179 = arith.cmpi sgt, %scan3A_162, %gt3A_178 : i32
      %convert_element_type3A_180 = arith.extui %gt3A_179 : i1 to i32
      %cond3A_181 = arith.constant 0 : i32
      %cond3A_182 = arith.cmpi ne, %convert_element_type3A_180, %cond3A_181 : i32
      scf.if %cond3A_182 {
        %dma_wait3A_203 = arith.constant 0 : i32
        %dma_wait3A_204 = arith.constant 0 : i32
        %dma_wait3A_205 = tpu.memref_slice %arg2[%dma_wait3A_203, %dma_wait3A_204] : memref<100096x8xf32, #tpu.memory_space<hbm>> -> memref<100096x8xf32, #tpu.memory_space<hbm>>
        tpu.wait_indirect_dma semaphore(%arg32 : memref<!tpu.dma_semaphore, #tpu.memory_space<semaphore_mem>>) src(%dma_wait3A_205 : memref<100096x8xf32, #tpu.memory_space<hbm>>) dst(%arg28 : memref<1024x8xf32, #tpu.memory_space<vmem>>)
        "tpu.region"() ({
          %run_scoped3A = tpu.sem_alloc : memref<!tpu.dma_semaphore, #tpu.memory_space<semaphore_mem>>
          %dma_start3A_206 = arith.constant 0 : i32
          %dma_start3A_207 = arith.constant 0 : i32
          %dma_start3A_208 = tpu.memref_slice %arg33[%dma_start3A_206, %dma_start3A_207] : memref<100096x8xf32, #tpu.memory_space<vmem_shared>> -> memref<100096x8xf32, #tpu.memory_space<vmem_shared>>
          tpu.enqueue_indirect_dma source(%arg28 : memref<1024x8xf32, #tpu.memory_space<vmem>>) target(%dma_start3A_208 : memref<100096x8xf32, #tpu.memory_space<vmem_shared>>) offsets(%arg26 : memref<1024xi32, #tpu.memory_space<vmem>>) semaphore(%run_scoped3A : memref<!tpu.dma_semaphore, #tpu.memory_space<semaphore_mem>>) {add = true}
          %dma_wait3A_209 = arith.constant 0 : i32
          %dma_wait3A_210 = arith.constant 0 : i32
          %dma_wait3A_211 = tpu.memref_slice %arg33[%dma_wait3A_209, %dma_wait3A_210] : memref<100096x8xf32, #tpu.memory_space<vmem_shared>> -> memref<100096x8xf32, #tpu.memory_space<vmem_shared>>
          tpu.wait_indirect_dma semaphore(%run_scoped3A : memref<!tpu.dma_semaphore, #tpu.memory_space<semaphore_mem>>) src(%arg28 : memref<1024x8xf32, #tpu.memory_space<vmem>>) dst(%dma_wait3A_211 : memref<100096x8xf32, #tpu.memory_space<vmem_shared>>)
          tpu.yield
        }) : () -> ()
      } else {
      }
      %dma_start3A_183 = tpu.memref_slice %arg7[%add3A_170] : memref<3211264xi32, #tpu.memory_space<hbm>> -> memref<1024xi32, #tpu.memory_space<hbm>>
      %dma_start3A_184 = tpu.memref_slice %arg7[%add3A_170] : memref<3211264xi32, #tpu.memory_space<hbm>> -> memref<1024xi32, #tpu.memory_space<hbm>>
      tpu.enqueue_dma source(%dma_start3A_184 : memref<1024xi32, #tpu.memory_space<hbm>>) target(%arg24 : memref<1024xi32, #tpu.memory_space<vmem>>) target_semaphore(%arg30 : memref<!tpu.dma_semaphore, #tpu.memory_space<semaphore_mem>>)
      %dma_start3A_185 = tpu.memref_slice %arg12[%add3A_170] : memref<3211264xi32, #tpu.memory_space<hbm>> -> memref<1024xi32, #tpu.memory_space<hbm>>
      %dma_start3A_186 = tpu.memref_slice %arg12[%add3A_170] : memref<3211264xi32, #tpu.memory_space<hbm>> -> memref<1024xi32, #tpu.memory_space<hbm>>
      tpu.enqueue_dma source(%dma_start3A_186 : memref<1024xi32, #tpu.memory_space<hbm>>) target(%arg26 : memref<1024xi32, #tpu.memory_space<vmem>>) target_semaphore(%arg30 : memref<!tpu.dma_semaphore, #tpu.memory_space<semaphore_mem>>)
      %dma_wait3A_187 = tpu.memref_slice %arg7[%add3A_170] : memref<3211264xi32, #tpu.memory_space<hbm>> -> memref<1024xi32, #tpu.memory_space<hbm>>
      %dma_wait3A_188 = tpu.memref_slice %arg7[%add3A_170] : memref<3211264xi32, #tpu.memory_space<hbm>> -> memref<1024xi32, #tpu.memory_space<hbm>>
      tpu.wait_dma2 semaphore(%arg30 : memref<!tpu.dma_semaphore, #tpu.memory_space<semaphore_mem>>) src(%dma_wait3A_188 : memref<1024xi32, #tpu.memory_space<hbm>>) dst(%arg24 : memref<1024xi32, #tpu.memory_space<vmem>>)
      %dma_wait3A_189 = tpu.memref_slice %arg12[%add3A_170] : memref<3211264xi32, #tpu.memory_space<hbm>> -> memref<1024xi32, #tpu.memory_space<hbm>>
      %dma_wait3A_190 = tpu.memref_slice %arg12[%add3A_170] : memref<3211264xi32, #tpu.memory_space<hbm>> -> memref<1024xi32, #tpu.memory_space<hbm>>
      tpu.wait_dma2 semaphore(%arg30 : memref<!tpu.dma_semaphore, #tpu.memory_space<semaphore_mem>>) src(%dma_wait3A_190 : memref<1024xi32, #tpu.memory_space<hbm>>) dst(%arg26 : memref<1024xi32, #tpu.memory_space<vmem>>)
      %dma_start3A_191 = arith.constant 0 : i32
      %dma_start3A_192 = arith.constant 0 : i32
      %dma_start3A_193 = tpu.memref_slice %arg2[%dma_start3A_191, %dma_start3A_192] : memref<100096x8xf32, #tpu.memory_space<hbm>> -> memref<100096x8xf32, #tpu.memory_space<hbm>>
      tpu.enqueue_indirect_dma source(%dma_start3A_193 : memref<100096x8xf32, #tpu.memory_space<hbm>>) target(%arg28 : memref<1024x8xf32, #tpu.memory_space<vmem>>) offsets(%arg24 : memref<1024xi32, #tpu.memory_space<vmem>>) semaphore(%arg32 : memref<!tpu.dma_semaphore, #tpu.memory_space<semaphore_mem>>)
      %dma_wait3A_194 = arith.constant 0 : i32
      %dma_wait3A_195 = arith.constant 0 : i32
      %dma_wait3A_196 = tpu.memref_slice %arg2[%dma_wait3A_194, %dma_wait3A_195] : memref<100096x8xf32, #tpu.memory_space<hbm>> -> memref<100096x8xf32, #tpu.memory_space<hbm>>
      tpu.wait_indirect_dma semaphore(%arg31 : memref<!tpu.dma_semaphore, #tpu.memory_space<semaphore_mem>>) src(%dma_wait3A_196 : memref<100096x8xf32, #tpu.memory_space<hbm>>) dst(%arg27 : memref<1024x8xf32, #tpu.memory_space<vmem>>)
      "tpu.region"() ({
        %run_scoped3A = tpu.sem_alloc : memref<!tpu.dma_semaphore, #tpu.memory_space<semaphore_mem>>
        %dma_start3A_203 = arith.constant 0 : i32
        %dma_start3A_204 = arith.constant 0 : i32
        %dma_start3A_205 = tpu.memref_slice %arg33[%dma_start3A_203, %dma_start3A_204] : memref<100096x8xf32, #tpu.memory_space<vmem_shared>> -> memref<100096x8xf32, #tpu.memory_space<vmem_shared>>
        tpu.enqueue_indirect_dma source(%arg27 : memref<1024x8xf32, #tpu.memory_space<vmem>>) target(%dma_start3A_205 : memref<100096x8xf32, #tpu.memory_space<vmem_shared>>) offsets(%arg25 : memref<1024xi32, #tpu.memory_space<vmem>>) semaphore(%run_scoped3A : memref<!tpu.dma_semaphore, #tpu.memory_space<semaphore_mem>>) {add = true}
        %dma_wait3A_206 = arith.constant 0 : i32
        %dma_wait3A_207 = arith.constant 0 : i32
        %dma_wait3A_208 = tpu.memref_slice %arg33[%dma_wait3A_206, %dma_wait3A_207] : memref<100096x8xf32, #tpu.memory_space<vmem_shared>> -> memref<100096x8xf32, #tpu.memory_space<vmem_shared>>
        tpu.wait_indirect_dma semaphore(%run_scoped3A : memref<!tpu.dma_semaphore, #tpu.memory_space<semaphore_mem>>) src(%arg27 : memref<1024x8xf32, #tpu.memory_space<vmem>>) dst(%dma_wait3A_208 : memref<100096x8xf32, #tpu.memory_space<vmem_shared>>)
        tpu.yield
      }) : () -> ()
      %lt3A_197 = arith.constant 48 : i32
      %lt3A_198 = arith.cmpi slt, %scan3A_162, %lt3A_197 : i32
      %convert_element_type3A_199 = arith.extui %lt3A_198 : i1 to i32
      %cond3A_200 = arith.constant 0 : i32
      %cond3A_201 = arith.cmpi ne, %convert_element_type3A_199, %cond3A_200 : i32
      scf.if %cond3A_201 {
        %mul3A_203 = arith.constant 2 : i32
        %mul3A_204 = arith.muli %mul3A_203, %scan3A_162 : i32
        %add3A_205 = arith.constant 2 : i32
        %add3A_206 = arith.addi %mul3A_204, %add3A_205 : i32
        %mul3A_207 = arith.constant 1024 : i32
        %mul3A_208 = arith.muli %add3A_206, %mul3A_207 : i32
        %add3A_209 = arith.addi %mul3A_14, %mul3A_208 : i32
        %dma_start3A_210 = tpu.memref_slice %arg7[%add3A_209] : memref<3211264xi32, #tpu.memory_space<hbm>> -> memref<1024xi32, #tpu.memory_space<hbm>>
        %dma_start3A_211 = tpu.memref_slice %arg7[%add3A_209] : memref<3211264xi32, #tpu.memory_space<hbm>> -> memref<1024xi32, #tpu.memory_space<hbm>>
        tpu.enqueue_dma source(%dma_start3A_211 : memref<1024xi32, #tpu.memory_space<hbm>>) target(%arg23 : memref<1024xi32, #tpu.memory_space<vmem>>) target_semaphore(%arg29 : memref<!tpu.dma_semaphore, #tpu.memory_space<semaphore_mem>>)
        %dma_start3A_212 = tpu.memref_slice %arg12[%add3A_209] : memref<3211264xi32, #tpu.memory_space<hbm>> -> memref<1024xi32, #tpu.memory_space<hbm>>
        %dma_start3A_213 = tpu.memref_slice %arg12[%add3A_209] : memref<3211264xi32, #tpu.memory_space<hbm>> -> memref<1024xi32, #tpu.memory_space<hbm>>
        tpu.enqueue_dma source(%dma_start3A_213 : memref<1024xi32, #tpu.memory_space<hbm>>) target(%arg25 : memref<1024xi32, #tpu.memory_space<vmem>>) target_semaphore(%arg29 : memref<!tpu.dma_semaphore, #tpu.memory_space<semaphore_mem>>)
      } else {
      }
      %scan3A_202 = arith.constant 0 : i32
      scf.yield %scan3A_202 : i32
    }
    %scan3A_23 = arith.constant 49 : i32
    %dma_wait3A = arith.constant 0 : i32
    %dma_wait3A_24 = arith.constant 0 : i32
    %dma_wait3A_25 = tpu.memref_slice %arg2[%dma_wait3A, %dma_wait3A_24] : memref<100096x8xf32, #tpu.memory_space<hbm>> -> memref<100096x8xf32, #tpu.memory_space<hbm>>
    tpu.wait_indirect_dma semaphore(%arg32 : memref<!tpu.dma_semaphore, #tpu.memory_space<semaphore_mem>>) src(%dma_wait3A_25 : memref<100096x8xf32, #tpu.memory_space<hbm>>) dst(%arg28 : memref<1024x8xf32, #tpu.memory_space<vmem>>)
    "tpu.region"() ({
      %run_scoped3A = tpu.sem_alloc : memref<!tpu.dma_semaphore, #tpu.memory_space<semaphore_mem>>
      %dma_start3A_162 = arith.constant 0 : i32
      %dma_start3A_163 = arith.constant 0 : i32
      %dma_start3A_164 = tpu.memref_slice %arg33[%dma_start3A_162, %dma_start3A_163] : memref<100096x8xf32, #tpu.memory_space<vmem_shared>> -> memref<100096x8xf32, #tpu.memory_space<vmem_shared>>
      tpu.enqueue_indirect_dma source(%arg28 : memref<1024x8xf32, #tpu.memory_space<vmem>>) target(%dma_start3A_164 : memref<100096x8xf32, #tpu.memory_space<vmem_shared>>) offsets(%arg26 : memref<1024xi32, #tpu.memory_space<vmem>>) semaphore(%run_scoped3A : memref<!tpu.dma_semaphore, #tpu.memory_space<semaphore_mem>>) {add = true}
      %dma_wait3A_165 = arith.constant 0 : i32
      %dma_wait3A_166 = arith.constant 0 : i32
      %dma_wait3A_167 = tpu.memref_slice %arg33[%dma_wait3A_165, %dma_wait3A_166] : memref<100096x8xf32, #tpu.memory_space<vmem_shared>> -> memref<100096x8xf32, #tpu.memory_space<vmem_shared>>
      tpu.wait_indirect_dma semaphore(%run_scoped3A : memref<!tpu.dma_semaphore, #tpu.memory_space<semaphore_mem>>) src(%arg28 : memref<1024x8xf32, #tpu.memory_space<vmem>>) dst(%dma_wait3A_167 : memref<100096x8xf32, #tpu.memory_space<vmem_shared>>)
      tpu.yield
    }) : () -> ()
    %barrier3A = arith.constant 0 : index
    tpu.barrier barrier_id(%barrier3A)
    %mul3A_26 = arith.constant 6256 : i32
    %mul3A_27 = arith.muli %arg1, %mul3A_26 : i32
    %mul3A_28 = arith.constant 6256 : i32
    %mul3A_29 = arith.muli %arg1, %mul3A_28 : i32
    "tpu.region"() ({
      %run_scoped3A = tpu.sem_alloc : memref<!tpu.dma_semaphore, #tpu.memory_space<semaphore_mem>>
      %dma_start3A_162 = arith.constant 0 : i32
      %dma_start3A_163 = tpu.memref_slice %arg18[%arg0, %mul3A_29, %dma_start3A_162] : memref<2x100096x8xf32, #tpu.memory_space<hbm>> -> memref<1x6256x8xf32, #tpu.memory_space<hbm>>
      %dma_start3A_164 = tpu.memref_squeeze %dma_start3A_163 : memref<1x6256x8xf32, #tpu.memory_space<hbm>> -> memref<6256x8xf32, #tpu.memory_space<hbm>>
      %dma_start3A_165 = arith.constant 0 : i32
      %dma_start3A_166 = tpu.memref_slice %arg33[%mul3A_27, %dma_start3A_165] : memref<100096x8xf32, #tpu.memory_space<vmem_shared>> -> memref<6256x8xf32, #tpu.memory_space<vmem_shared>>
      tpu.enqueue_dma source(%dma_start3A_166 : memref<6256x8xf32, #tpu.memory_space<vmem_shared>>) target(%dma_start3A_164 : memref<6256x8xf32, #tpu.memory_space<hbm>>) target_semaphore(%run_scoped3A : memref<!tpu.dma_semaphore, #tpu.memory_space<semaphore_mem>>)
      %dma_wait3A_167 = arith.constant 0 : i32
      %dma_wait3A_168 = tpu.memref_slice %arg18[%arg0, %mul3A_29, %dma_wait3A_167] : memref<2x100096x8xf32, #tpu.memory_space<hbm>> -> memref<1x6256x8xf32, #tpu.memory_space<hbm>>
      %dma_wait3A_169 = tpu.memref_squeeze %dma_wait3A_168 : memref<1x6256x8xf32, #tpu.memory_space<hbm>> -> memref<6256x8xf32, #tpu.memory_space<hbm>>
      %dma_wait3A_170 = arith.constant 0 : i32
      %dma_wait3A_171 = tpu.memref_slice %arg33[%mul3A_27, %dma_wait3A_170] : memref<100096x8xf32, #tpu.memory_space<vmem_shared>> -> memref<6256x8xf32, #tpu.memory_space<vmem_shared>>
      tpu.wait_dma2 semaphore(%run_scoped3A : memref<!tpu.dma_semaphore, #tpu.memory_space<semaphore_mem>>) src(%dma_wait3A_171 : memref<6256x8xf32, #tpu.memory_space<vmem_shared>>) dst(%dma_wait3A_169 : memref<6256x8xf32, #tpu.memory_space<hbm>>)
      tpu.yield
    }) : () -> ()
    %barrier3A_30 = arith.constant 0 : index
    tpu.barrier barrier_id(%barrier3A_30)
    %mul3A_31 = arith.constant 6256 : i32
    %mul3A_32 = arith.muli %arg1, %mul3A_31 : i32
    %mul3A_33 = arith.constant 6256 : i32
    %mul3A_34 = arith.muli %arg1, %mul3A_33 : i32
    "tpu.region"() ({
      %run_scoped3A = tpu.sem_alloc : memref<!tpu.dma_semaphore, #tpu.memory_space<semaphore_mem>>
      %dma_start3A_162 = arith.constant 0 : i32
      %dma_start3A_163 = tpu.memref_slice %arg33[%mul3A_34, %dma_start3A_162] : memref<100096x8xf32, #tpu.memory_space<vmem_shared>> -> memref<6256x8xf32, #tpu.memory_space<vmem_shared>>
      %dma_start3A_164 = arith.constant 0 : i32
      %dma_start3A_165 = tpu.memref_slice %arg3[%mul3A_32, %dma_start3A_164] : memref<100096x8xf32, #tpu.memory_space<hbm>> -> memref<6256x8xf32, #tpu.memory_space<hbm>>
      tpu.enqueue_dma source(%dma_start3A_165 : memref<6256x8xf32, #tpu.memory_space<hbm>>) target(%dma_start3A_163 : memref<6256x8xf32, #tpu.memory_space<vmem_shared>>) target_semaphore(%run_scoped3A : memref<!tpu.dma_semaphore, #tpu.memory_space<semaphore_mem>>)
      %dma_wait3A_166 = arith.constant 0 : i32
      %dma_wait3A_167 = tpu.memref_slice %arg33[%mul3A_34, %dma_wait3A_166] : memref<100096x8xf32, #tpu.memory_space<vmem_shared>> -> memref<6256x8xf32, #tpu.memory_space<vmem_shared>>
      %dma_wait3A_168 = arith.constant 0 : i32
      %dma_wait3A_169 = tpu.memref_slice %arg3[%mul3A_32, %dma_wait3A_168] : memref<100096x8xf32, #tpu.memory_space<hbm>> -> memref<6256x8xf32, #tpu.memory_space<hbm>>
      tpu.wait_dma2 semaphore(%run_scoped3A : memref<!tpu.dma_semaphore, #tpu.memory_space<semaphore_mem>>) src(%dma_wait3A_169 : memref<6256x8xf32, #tpu.memory_space<hbm>>) dst(%dma_wait3A_167 : memref<6256x8xf32, #tpu.memory_space<vmem_shared>>)
      tpu.yield
    }) : () -> ()
    %barrier3A_35 = arith.constant 0 : index
    tpu.barrier barrier_id(%barrier3A_35)
    %mul3A_36 = arith.constant 50 : i32
    %mul3A_37 = arith.muli %add3A, %mul3A_36 : i32
    %mul3A_38 = arith.constant 1024 : i32
    %mul3A_39 = arith.muli %mul3A_37, %mul3A_38 : i32
    %dma_start3A_40 = tpu.memref_slice %arg8[%mul3A_39] : memref<1638400xi32, #tpu.memory_space<hbm>> -> memref<1024xi32, #tpu.memory_space<hbm>>
    %dma_start3A_41 = tpu.memref_slice %arg8[%mul3A_39] : memref<1638400xi32, #tpu.memory_space<hbm>> -> memref<1024xi32, #tpu.memory_space<hbm>>
    tpu.enqueue_dma source(%dma_start3A_41 : memref<1024xi32, #tpu.memory_space<hbm>>) target(%arg23 : memref<1024xi32, #tpu.memory_space<vmem>>) target_semaphore(%arg29 : memref<!tpu.dma_semaphore, #tpu.memory_space<semaphore_mem>>)
    %dma_start3A_42 = tpu.memref_slice %arg13[%mul3A_39] : memref<1638400xi32, #tpu.memory_space<hbm>> -> memref<1024xi32, #tpu.memory_space<hbm>>
    %dma_start3A_43 = tpu.memref_slice %arg13[%mul3A_39] : memref<1638400xi32, #tpu.memory_space<hbm>> -> memref<1024xi32, #tpu.memory_space<hbm>>
    tpu.enqueue_dma source(%dma_start3A_43 : memref<1024xi32, #tpu.memory_space<hbm>>) target(%arg25 : memref<1024xi32, #tpu.memory_space<vmem>>) target_semaphore(%arg29 : memref<!tpu.dma_semaphore, #tpu.memory_space<semaphore_mem>>)
    %scan3A_44 = arith.constant 0 : i32
    %scan3A_45 = arith.constant 0 : i32
    %scan3A_46 = arith.constant 25 : i32
    %scan3A_47 = arith.addi %scan3A_45, %scan3A_46 : i32
    %scan3A_48 = arith.constant 1 : i32
    %scan3A_49 = scf.for %scan3A_162 = %scan3A_45 to %scan3A_47 step %scan3A_48 iter_args(%scan3A_163 = %scan3A_44) -> (i32)  : i32 {
      %mul3A_164 = arith.constant 2 : i32
      %mul3A_165 = arith.muli %mul3A_164, %scan3A_162 : i32
      %mul3A_166 = arith.constant 1024 : i32
      %mul3A_167 = arith.muli %mul3A_165, %mul3A_166 : i32
      %add3A_168 = arith.addi %mul3A_39, %mul3A_167 : i32
      %add3A_169 = arith.constant 1024 : i32
      %add3A_170 = arith.addi %add3A_168, %add3A_169 : i32
      %dma_wait3A_171 = tpu.memref_slice %arg8[%add3A_168] : memref<1638400xi32, #tpu.memory_space<hbm>> -> memref<1024xi32, #tpu.memory_space<hbm>>
      %dma_wait3A_172 = tpu.memref_slice %arg8[%add3A_168] : memref<1638400xi32, #tpu.memory_space<hbm>> -> memref<1024xi32, #tpu.memory_space<hbm>>
      tpu.wait_dma2 semaphore(%arg29 : memref<!tpu.dma_semaphore, #tpu.memory_space<semaphore_mem>>) src(%dma_wait3A_172 : memref<1024xi32, #tpu.memory_space<hbm>>) dst(%arg23 : memref<1024xi32, #tpu.memory_space<vmem>>)
      %dma_wait3A_173 = tpu.memref_slice %arg13[%add3A_168] : memref<1638400xi32, #tpu.memory_space<hbm>> -> memref<1024xi32, #tpu.memory_space<hbm>>
      %dma_wait3A_174 = tpu.memref_slice %arg13[%add3A_168] : memref<1638400xi32, #tpu.memory_space<hbm>> -> memref<1024xi32, #tpu.memory_space<hbm>>
      tpu.wait_dma2 semaphore(%arg29 : memref<!tpu.dma_semaphore, #tpu.memory_space<semaphore_mem>>) src(%dma_wait3A_174 : memref<1024xi32, #tpu.memory_space<hbm>>) dst(%arg25 : memref<1024xi32, #tpu.memory_space<vmem>>)
      %dma_start3A_175 = arith.constant 0 : i32
      %dma_start3A_176 = arith.constant 0 : i32
      %dma_start3A_177 = tpu.memref_slice %arg33[%dma_start3A_175, %dma_start3A_176] : memref<100096x8xf32, #tpu.memory_space<vmem_shared>> -> memref<100096x8xf32, #tpu.memory_space<vmem_shared>>
      tpu.enqueue_indirect_dma source(%dma_start3A_177 : memref<100096x8xf32, #tpu.memory_space<vmem_shared>>) target(%arg27 : memref<1024x8xf32, #tpu.memory_space<vmem>>) offsets(%arg23 : memref<1024xi32, #tpu.memory_space<vmem>>) semaphore(%arg31 : memref<!tpu.dma_semaphore, #tpu.memory_space<semaphore_mem>>)
      %gt3A_178 = arith.constant 0 : i32
      %gt3A_179 = arith.cmpi sgt, %scan3A_162, %gt3A_178 : i32
      %convert_element_type3A_180 = arith.extui %gt3A_179 : i1 to i32
      %cond3A_181 = arith.constant 0 : i32
      %cond3A_182 = arith.cmpi ne, %convert_element_type3A_180, %cond3A_181 : i32
      scf.if %cond3A_182 {
        %dma_wait3A_203 = arith.constant 0 : i32
        %dma_wait3A_204 = arith.constant 0 : i32
        %dma_wait3A_205 = tpu.memref_slice %arg33[%dma_wait3A_203, %dma_wait3A_204] : memref<100096x8xf32, #tpu.memory_space<vmem_shared>> -> memref<100096x8xf32, #tpu.memory_space<vmem_shared>>
        tpu.wait_indirect_dma semaphore(%arg32 : memref<!tpu.dma_semaphore, #tpu.memory_space<semaphore_mem>>) src(%dma_wait3A_205 : memref<100096x8xf32, #tpu.memory_space<vmem_shared>>) dst(%arg28 : memref<1024x8xf32, #tpu.memory_space<vmem>>)
        "tpu.region"() ({
          %run_scoped3A = tpu.sem_alloc : memref<!tpu.dma_semaphore, #tpu.memory_space<semaphore_mem>>
          %dma_start3A_206 = arith.constant 0 : i32
          %dma_start3A_207 = arith.constant 0 : i32
          %dma_start3A_208 = tpu.memref_slice %arg34[%dma_start3A_206, %dma_start3A_207] : memref<100096x8xf32, #tpu.memory_space<vmem_shared>> -> memref<100096x8xf32, #tpu.memory_space<vmem_shared>>
          tpu.enqueue_indirect_dma source(%arg28 : memref<1024x8xf32, #tpu.memory_space<vmem>>) target(%dma_start3A_208 : memref<100096x8xf32, #tpu.memory_space<vmem_shared>>) offsets(%arg26 : memref<1024xi32, #tpu.memory_space<vmem>>) semaphore(%run_scoped3A : memref<!tpu.dma_semaphore, #tpu.memory_space<semaphore_mem>>) {add = true}
          %dma_wait3A_209 = arith.constant 0 : i32
          %dma_wait3A_210 = arith.constant 0 : i32
          %dma_wait3A_211 = tpu.memref_slice %arg34[%dma_wait3A_209, %dma_wait3A_210] : memref<100096x8xf32, #tpu.memory_space<vmem_shared>> -> memref<100096x8xf32, #tpu.memory_space<vmem_shared>>
          tpu.wait_indirect_dma semaphore(%run_scoped3A : memref<!tpu.dma_semaphore, #tpu.memory_space<semaphore_mem>>) src(%arg28 : memref<1024x8xf32, #tpu.memory_space<vmem>>) dst(%dma_wait3A_211 : memref<100096x8xf32, #tpu.memory_space<vmem_shared>>)
          tpu.yield
        }) : () -> ()
      } else {
      }
      %dma_start3A_183 = tpu.memref_slice %arg8[%add3A_170] : memref<1638400xi32, #tpu.memory_space<hbm>> -> memref<1024xi32, #tpu.memory_space<hbm>>
      %dma_start3A_184 = tpu.memref_slice %arg8[%add3A_170] : memref<1638400xi32, #tpu.memory_space<hbm>> -> memref<1024xi32, #tpu.memory_space<hbm>>
      tpu.enqueue_dma source(%dma_start3A_184 : memref<1024xi32, #tpu.memory_space<hbm>>) target(%arg24 : memref<1024xi32, #tpu.memory_space<vmem>>) target_semaphore(%arg30 : memref<!tpu.dma_semaphore, #tpu.memory_space<semaphore_mem>>)
      %dma_start3A_185 = tpu.memref_slice %arg13[%add3A_170] : memref<1638400xi32, #tpu.memory_space<hbm>> -> memref<1024xi32, #tpu.memory_space<hbm>>
      %dma_start3A_186 = tpu.memref_slice %arg13[%add3A_170] : memref<1638400xi32, #tpu.memory_space<hbm>> -> memref<1024xi32, #tpu.memory_space<hbm>>
      tpu.enqueue_dma source(%dma_start3A_186 : memref<1024xi32, #tpu.memory_space<hbm>>) target(%arg26 : memref<1024xi32, #tpu.memory_space<vmem>>) target_semaphore(%arg30 : memref<!tpu.dma_semaphore, #tpu.memory_space<semaphore_mem>>)
      %dma_wait3A_187 = tpu.memref_slice %arg8[%add3A_170] : memref<1638400xi32, #tpu.memory_space<hbm>> -> memref<1024xi32, #tpu.memory_space<hbm>>
      %dma_wait3A_188 = tpu.memref_slice %arg8[%add3A_170] : memref<1638400xi32, #tpu.memory_space<hbm>> -> memref<1024xi32, #tpu.memory_space<hbm>>
      tpu.wait_dma2 semaphore(%arg30 : memref<!tpu.dma_semaphore, #tpu.memory_space<semaphore_mem>>) src(%dma_wait3A_188 : memref<1024xi32, #tpu.memory_space<hbm>>) dst(%arg24 : memref<1024xi32, #tpu.memory_space<vmem>>)
      %dma_wait3A_189 = tpu.memref_slice %arg13[%add3A_170] : memref<1638400xi32, #tpu.memory_space<hbm>> -> memref<1024xi32, #tpu.memory_space<hbm>>
      %dma_wait3A_190 = tpu.memref_slice %arg13[%add3A_170] : memref<1638400xi32, #tpu.memory_space<hbm>> -> memref<1024xi32, #tpu.memory_space<hbm>>
      tpu.wait_dma2 semaphore(%arg30 : memref<!tpu.dma_semaphore, #tpu.memory_space<semaphore_mem>>) src(%dma_wait3A_190 : memref<1024xi32, #tpu.memory_space<hbm>>) dst(%arg26 : memref<1024xi32, #tpu.memory_space<vmem>>)
      %dma_start3A_191 = arith.constant 0 : i32
      %dma_start3A_192 = arith.constant 0 : i32
      %dma_start3A_193 = tpu.memref_slice %arg33[%dma_start3A_191, %dma_start3A_192] : memref<100096x8xf32, #tpu.memory_space<vmem_shared>> -> memref<100096x8xf32, #tpu.memory_space<vmem_shared>>
      tpu.enqueue_indirect_dma source(%dma_start3A_193 : memref<100096x8xf32, #tpu.memory_space<vmem_shared>>) target(%arg28 : memref<1024x8xf32, #tpu.memory_space<vmem>>) offsets(%arg24 : memref<1024xi32, #tpu.memory_space<vmem>>) semaphore(%arg32 : memref<!tpu.dma_semaphore, #tpu.memory_space<semaphore_mem>>)
      %dma_wait3A_194 = arith.constant 0 : i32
      %dma_wait3A_195 = arith.constant 0 : i32
      %dma_wait3A_196 = tpu.memref_slice %arg33[%dma_wait3A_194, %dma_wait3A_195] : memref<100096x8xf32, #tpu.memory_space<vmem_shared>> -> memref<100096x8xf32, #tpu.memory_space<vmem_shared>>
      tpu.wait_indirect_dma semaphore(%arg31 : memref<!tpu.dma_semaphore, #tpu.memory_space<semaphore_mem>>) src(%dma_wait3A_196 : memref<100096x8xf32, #tpu.memory_space<vmem_shared>>) dst(%arg27 : memref<1024x8xf32, #tpu.memory_space<vmem>>)
      "tpu.region"() ({
        %run_scoped3A = tpu.sem_alloc : memref<!tpu.dma_semaphore, #tpu.memory_space<semaphore_mem>>
        %dma_start3A_203 = arith.constant 0 : i32
        %dma_start3A_204 = arith.constant 0 : i32
        %dma_start3A_205 = tpu.memref_slice %arg34[%dma_start3A_203, %dma_start3A_204] : memref<100096x8xf32, #tpu.memory_space<vmem_shared>> -> memref<100096x8xf32, #tpu.memory_space<vmem_shared>>
        tpu.enqueue_indirect_dma source(%arg27 : memref<1024x8xf32, #tpu.memory_space<vmem>>) target(%dma_start3A_205 : memref<100096x8xf32, #tpu.memory_space<vmem_shared>>) offsets(%arg25 : memref<1024xi32, #tpu.memory_space<vmem>>) semaphore(%run_scoped3A : memref<!tpu.dma_semaphore, #tpu.memory_space<semaphore_mem>>) {add = true}
        %dma_wait3A_206 = arith.constant 0 : i32
        %dma_wait3A_207 = arith.constant 0 : i32
        %dma_wait3A_208 = tpu.memref_slice %arg34[%dma_wait3A_206, %dma_wait3A_207] : memref<100096x8xf32, #tpu.memory_space<vmem_shared>> -> memref<100096x8xf32, #tpu.memory_space<vmem_shared>>
        tpu.wait_indirect_dma semaphore(%run_scoped3A : memref<!tpu.dma_semaphore, #tpu.memory_space<semaphore_mem>>) src(%arg27 : memref<1024x8xf32, #tpu.memory_space<vmem>>) dst(%dma_wait3A_208 : memref<100096x8xf32, #tpu.memory_space<vmem_shared>>)
        tpu.yield
      }) : () -> ()
      %lt3A_197 = arith.constant 24 : i32
      %lt3A_198 = arith.cmpi slt, %scan3A_162, %lt3A_197 : i32
      %convert_element_type3A_199 = arith.extui %lt3A_198 : i1 to i32
      %cond3A_200 = arith.constant 0 : i32
      %cond3A_201 = arith.cmpi ne, %convert_element_type3A_199, %cond3A_200 : i32
      scf.if %cond3A_201 {
        %mul3A_203 = arith.constant 2 : i32
        %mul3A_204 = arith.muli %mul3A_203, %scan3A_162 : i32
        %add3A_205 = arith.constant 2 : i32
        %add3A_206 = arith.addi %mul3A_204, %add3A_205 : i32
        %mul3A_207 = arith.constant 1024 : i32
        %mul3A_208 = arith.muli %add3A_206, %mul3A_207 : i32
        %add3A_209 = arith.addi %mul3A_39, %mul3A_208 : i32
        %dma_start3A_210 = tpu.memref_slice %arg8[%add3A_209] : memref<1638400xi32, #tpu.memory_space<hbm>> -> memref<1024xi32, #tpu.memory_space<hbm>>
        %dma_start3A_211 = tpu.memref_slice %arg8[%add3A_209] : memref<1638400xi32, #tpu.memory_space<hbm>> -> memref<1024xi32, #tpu.memory_space<hbm>>
        tpu.enqueue_dma source(%dma_start3A_211 : memref<1024xi32, #tpu.memory_space<hbm>>) target(%arg23 : memref<1024xi32, #tpu.memory_space<vmem>>) target_semaphore(%arg29 : memref<!tpu.dma_semaphore, #tpu.memory_space<semaphore_mem>>)
        %dma_start3A_212 = tpu.memref_slice %arg13[%add3A_209] : memref<1638400xi32, #tpu.memory_space<hbm>> -> memref<1024xi32, #tpu.memory_space<hbm>>
        %dma_start3A_213 = tpu.memref_slice %arg13[%add3A_209] : memref<1638400xi32, #tpu.memory_space<hbm>> -> memref<1024xi32, #tpu.memory_space<hbm>>
        tpu.enqueue_dma source(%dma_start3A_213 : memref<1024xi32, #tpu.memory_space<hbm>>) target(%arg25 : memref<1024xi32, #tpu.memory_space<vmem>>) target_semaphore(%arg29 : memref<!tpu.dma_semaphore, #tpu.memory_space<semaphore_mem>>)
      } else {
      }
      %scan3A_202 = arith.constant 0 : i32
      scf.yield %scan3A_202 : i32
    }
    %scan3A_50 = arith.constant 25 : i32
    %dma_wait3A_51 = arith.constant 0 : i32
    %dma_wait3A_52 = arith.constant 0 : i32
    %dma_wait3A_53 = tpu.memref_slice %arg33[%dma_wait3A_51, %dma_wait3A_52] : memref<100096x8xf32, #tpu.memory_space<vmem_shared>> -> memref<100096x8xf32, #tpu.memory_space<vmem_shared>>
    tpu.wait_indirect_dma semaphore(%arg32 : memref<!tpu.dma_semaphore, #tpu.memory_space<semaphore_mem>>) src(%dma_wait3A_53 : memref<100096x8xf32, #tpu.memory_space<vmem_shared>>) dst(%arg28 : memref<1024x8xf32, #tpu.memory_space<vmem>>)
    "tpu.region"() ({
      %run_scoped3A = tpu.sem_alloc : memref<!tpu.dma_semaphore, #tpu.memory_space<semaphore_mem>>
      %dma_start3A_162 = arith.constant 0 : i32
      %dma_start3A_163 = arith.constant 0 : i32
      %dma_start3A_164 = tpu.memref_slice %arg34[%dma_start3A_162, %dma_start3A_163] : memref<100096x8xf32, #tpu.memory_space<vmem_shared>> -> memref<100096x8xf32, #tpu.memory_space<vmem_shared>>
      tpu.enqueue_indirect_dma source(%arg28 : memref<1024x8xf32, #tpu.memory_space<vmem>>) target(%dma_start3A_164 : memref<100096x8xf32, #tpu.memory_space<vmem_shared>>) offsets(%arg26 : memref<1024xi32, #tpu.memory_space<vmem>>) semaphore(%run_scoped3A : memref<!tpu.dma_semaphore, #tpu.memory_space<semaphore_mem>>) {add = true}
      %dma_wait3A_165 = arith.constant 0 : i32
      %dma_wait3A_166 = arith.constant 0 : i32
      %dma_wait3A_167 = tpu.memref_slice %arg34[%dma_wait3A_165, %dma_wait3A_166] : memref<100096x8xf32, #tpu.memory_space<vmem_shared>> -> memref<100096x8xf32, #tpu.memory_space<vmem_shared>>
      tpu.wait_indirect_dma semaphore(%run_scoped3A : memref<!tpu.dma_semaphore, #tpu.memory_space<semaphore_mem>>) src(%arg28 : memref<1024x8xf32, #tpu.memory_space<vmem>>) dst(%dma_wait3A_167 : memref<100096x8xf32, #tpu.memory_space<vmem_shared>>)
      tpu.yield
    }) : () -> ()
    %barrier3A_54 = arith.constant 0 : index
    tpu.barrier barrier_id(%barrier3A_54)
    %mul3A_55 = arith.constant 6256 : i32
    %mul3A_56 = arith.muli %arg1, %mul3A_55 : i32
    %mul3A_57 = arith.constant 6256 : i32
    %mul3A_58 = arith.muli %arg1, %mul3A_57 : i32
    "tpu.region"() ({
      %run_scoped3A = tpu.sem_alloc : memref<!tpu.dma_semaphore, #tpu.memory_space<semaphore_mem>>
      %dma_start3A_162 = arith.constant 0 : i32
      %dma_start3A_163 = tpu.memref_slice %arg33[%mul3A_58, %dma_start3A_162] : memref<100096x8xf32, #tpu.memory_space<vmem_shared>> -> memref<6256x8xf32, #tpu.memory_space<vmem_shared>>
      %dma_start3A_164 = arith.constant 0 : i32
      %dma_start3A_165 = tpu.memref_slice %arg4[%mul3A_56, %dma_start3A_164] : memref<100096x8xf32, #tpu.memory_space<hbm>> -> memref<6256x8xf32, #tpu.memory_space<hbm>>
      tpu.enqueue_dma source(%dma_start3A_165 : memref<6256x8xf32, #tpu.memory_space<hbm>>) target(%dma_start3A_163 : memref<6256x8xf32, #tpu.memory_space<vmem_shared>>) target_semaphore(%run_scoped3A : memref<!tpu.dma_semaphore, #tpu.memory_space<semaphore_mem>>)
      %dma_wait3A_166 = arith.constant 0 : i32
      %dma_wait3A_167 = tpu.memref_slice %arg33[%mul3A_58, %dma_wait3A_166] : memref<100096x8xf32, #tpu.memory_space<vmem_shared>> -> memref<6256x8xf32, #tpu.memory_space<vmem_shared>>
      %dma_wait3A_168 = arith.constant 0 : i32
      %dma_wait3A_169 = tpu.memref_slice %arg4[%mul3A_56, %dma_wait3A_168] : memref<100096x8xf32, #tpu.memory_space<hbm>> -> memref<6256x8xf32, #tpu.memory_space<hbm>>
      tpu.wait_dma2 semaphore(%run_scoped3A : memref<!tpu.dma_semaphore, #tpu.memory_space<semaphore_mem>>) src(%dma_wait3A_169 : memref<6256x8xf32, #tpu.memory_space<hbm>>) dst(%dma_wait3A_167 : memref<6256x8xf32, #tpu.memory_space<vmem_shared>>)
      tpu.yield
    }) : () -> ()
    %barrier3A_59 = arith.constant 0 : index
    tpu.barrier barrier_id(%barrier3A_59)
    %mul3A_60 = arith.constant 32 : i32
    %mul3A_61 = arith.muli %add3A, %mul3A_60 : i32
    %mul3A_62 = arith.constant 1024 : i32
    %mul3A_63 = arith.muli %mul3A_61, %mul3A_62 : i32
    %dma_start3A_64 = tpu.memref_slice %arg9[%mul3A_63] : memref<1048576xi32, #tpu.memory_space<hbm>> -> memref<1024xi32, #tpu.memory_space<hbm>>
    %dma_start3A_65 = tpu.memref_slice %arg9[%mul3A_63] : memref<1048576xi32, #tpu.memory_space<hbm>> -> memref<1024xi32, #tpu.memory_space<hbm>>
    tpu.enqueue_dma source(%dma_start3A_65 : memref<1024xi32, #tpu.memory_space<hbm>>) target(%arg23 : memref<1024xi32, #tpu.memory_space<vmem>>) target_semaphore(%arg29 : memref<!tpu.dma_semaphore, #tpu.memory_space<semaphore_mem>>)
    %dma_start3A_66 = tpu.memref_slice %arg14[%mul3A_63] : memref<1048576xi32, #tpu.memory_space<hbm>> -> memref<1024xi32, #tpu.memory_space<hbm>>
    %dma_start3A_67 = tpu.memref_slice %arg14[%mul3A_63] : memref<1048576xi32, #tpu.memory_space<hbm>> -> memref<1024xi32, #tpu.memory_space<hbm>>
    tpu.enqueue_dma source(%dma_start3A_67 : memref<1024xi32, #tpu.memory_space<hbm>>) target(%arg25 : memref<1024xi32, #tpu.memory_space<vmem>>) target_semaphore(%arg29 : memref<!tpu.dma_semaphore, #tpu.memory_space<semaphore_mem>>)
    %scan3A_68 = arith.constant 0 : i32
    %scan3A_69 = arith.constant 0 : i32
    %scan3A_70 = arith.constant 16 : i32
    %scan3A_71 = arith.addi %scan3A_69, %scan3A_70 : i32
    %scan3A_72 = arith.constant 1 : i32
    %scan3A_73 = scf.for %scan3A_162 = %scan3A_69 to %scan3A_71 step %scan3A_72 iter_args(%scan3A_163 = %scan3A_68) -> (i32)  : i32 {
      %mul3A_164 = arith.constant 2 : i32
      %mul3A_165 = arith.muli %mul3A_164, %scan3A_162 : i32
      %mul3A_166 = arith.constant 1024 : i32
      %mul3A_167 = arith.muli %mul3A_165, %mul3A_166 : i32
      %add3A_168 = arith.addi %mul3A_63, %mul3A_167 : i32
      %add3A_169 = arith.constant 1024 : i32
      %add3A_170 = arith.addi %add3A_168, %add3A_169 : i32
      %dma_wait3A_171 = tpu.memref_slice %arg9[%add3A_168] : memref<1048576xi32, #tpu.memory_space<hbm>> -> memref<1024xi32, #tpu.memory_space<hbm>>
      %dma_wait3A_172 = tpu.memref_slice %arg9[%add3A_168] : memref<1048576xi32, #tpu.memory_space<hbm>> -> memref<1024xi32, #tpu.memory_space<hbm>>
      tpu.wait_dma2 semaphore(%arg29 : memref<!tpu.dma_semaphore, #tpu.memory_space<semaphore_mem>>) src(%dma_wait3A_172 : memref<1024xi32, #tpu.memory_space<hbm>>) dst(%arg23 : memref<1024xi32, #tpu.memory_space<vmem>>)
      %dma_wait3A_173 = tpu.memref_slice %arg14[%add3A_168] : memref<1048576xi32, #tpu.memory_space<hbm>> -> memref<1024xi32, #tpu.memory_space<hbm>>
      %dma_wait3A_174 = tpu.memref_slice %arg14[%add3A_168] : memref<1048576xi32, #tpu.memory_space<hbm>> -> memref<1024xi32, #tpu.memory_space<hbm>>
      tpu.wait_dma2 semaphore(%arg29 : memref<!tpu.dma_semaphore, #tpu.memory_space<semaphore_mem>>) src(%dma_wait3A_174 : memref<1024xi32, #tpu.memory_space<hbm>>) dst(%arg25 : memref<1024xi32, #tpu.memory_space<vmem>>)
      %dma_start3A_175 = arith.constant 0 : i32
      %dma_start3A_176 = arith.constant 0 : i32
      %dma_start3A_177 = tpu.memref_slice %arg33[%dma_start3A_175, %dma_start3A_176] : memref<100096x8xf32, #tpu.memory_space<vmem_shared>> -> memref<100096x8xf32, #tpu.memory_space<vmem_shared>>
      tpu.enqueue_indirect_dma source(%dma_start3A_177 : memref<100096x8xf32, #tpu.memory_space<vmem_shared>>) target(%arg27 : memref<1024x8xf32, #tpu.memory_space<vmem>>) offsets(%arg23 : memref<1024xi32, #tpu.memory_space<vmem>>) semaphore(%arg31 : memref<!tpu.dma_semaphore, #tpu.memory_space<semaphore_mem>>)
      %gt3A_178 = arith.constant 0 : i32
      %gt3A_179 = arith.cmpi sgt, %scan3A_162, %gt3A_178 : i32
      %convert_element_type3A_180 = arith.extui %gt3A_179 : i1 to i32
      %cond3A_181 = arith.constant 0 : i32
      %cond3A_182 = arith.cmpi ne, %convert_element_type3A_180, %cond3A_181 : i32
      scf.if %cond3A_182 {
        %dma_wait3A_203 = arith.constant 0 : i32
        %dma_wait3A_204 = arith.constant 0 : i32
        %dma_wait3A_205 = tpu.memref_slice %arg33[%dma_wait3A_203, %dma_wait3A_204] : memref<100096x8xf32, #tpu.memory_space<vmem_shared>> -> memref<100096x8xf32, #tpu.memory_space<vmem_shared>>
        tpu.wait_indirect_dma semaphore(%arg32 : memref<!tpu.dma_semaphore, #tpu.memory_space<semaphore_mem>>) src(%dma_wait3A_205 : memref<100096x8xf32, #tpu.memory_space<vmem_shared>>) dst(%arg28 : memref<1024x8xf32, #tpu.memory_space<vmem>>)
        "tpu.region"() ({
          %run_scoped3A = tpu.sem_alloc : memref<!tpu.dma_semaphore, #tpu.memory_space<semaphore_mem>>
          %dma_start3A_206 = arith.constant 0 : i32
          %dma_start3A_207 = arith.constant 0 : i32
          %dma_start3A_208 = tpu.memref_slice %arg36[%dma_start3A_206, %dma_start3A_207] : memref<10112x8xf32, #tpu.memory_space<vmem_shared>> -> memref<10112x8xf32, #tpu.memory_space<vmem_shared>>
          tpu.enqueue_indirect_dma source(%arg28 : memref<1024x8xf32, #tpu.memory_space<vmem>>) target(%dma_start3A_208 : memref<10112x8xf32, #tpu.memory_space<vmem_shared>>) offsets(%arg26 : memref<1024xi32, #tpu.memory_space<vmem>>) semaphore(%run_scoped3A : memref<!tpu.dma_semaphore, #tpu.memory_space<semaphore_mem>>) {add = true}
          %dma_wait3A_209 = arith.constant 0 : i32
          %dma_wait3A_210 = arith.constant 0 : i32
          %dma_wait3A_211 = tpu.memref_slice %arg36[%dma_wait3A_209, %dma_wait3A_210] : memref<10112x8xf32, #tpu.memory_space<vmem_shared>> -> memref<10112x8xf32, #tpu.memory_space<vmem_shared>>
          tpu.wait_indirect_dma semaphore(%run_scoped3A : memref<!tpu.dma_semaphore, #tpu.memory_space<semaphore_mem>>) src(%arg28 : memref<1024x8xf32, #tpu.memory_space<vmem>>) dst(%dma_wait3A_211 : memref<10112x8xf32, #tpu.memory_space<vmem_shared>>)
          tpu.yield
        }) : () -> ()
      } else {
      }
      %dma_start3A_183 = tpu.memref_slice %arg9[%add3A_170] : memref<1048576xi32, #tpu.memory_space<hbm>> -> memref<1024xi32, #tpu.memory_space<hbm>>
      %dma_start3A_184 = tpu.memref_slice %arg9[%add3A_170] : memref<1048576xi32, #tpu.memory_space<hbm>> -> memref<1024xi32, #tpu.memory_space<hbm>>
      tpu.enqueue_dma source(%dma_start3A_184 : memref<1024xi32, #tpu.memory_space<hbm>>) target(%arg24 : memref<1024xi32, #tpu.memory_space<vmem>>) target_semaphore(%arg30 : memref<!tpu.dma_semaphore, #tpu.memory_space<semaphore_mem>>)
      %dma_start3A_185 = tpu.memref_slice %arg14[%add3A_170] : memref<1048576xi32, #tpu.memory_space<hbm>> -> memref<1024xi32, #tpu.memory_space<hbm>>
      %dma_start3A_186 = tpu.memref_slice %arg14[%add3A_170] : memref<1048576xi32, #tpu.memory_space<hbm>> -> memref<1024xi32, #tpu.memory_space<hbm>>
      tpu.enqueue_dma source(%dma_start3A_186 : memref<1024xi32, #tpu.memory_space<hbm>>) target(%arg26 : memref<1024xi32, #tpu.memory_space<vmem>>) target_semaphore(%arg30 : memref<!tpu.dma_semaphore, #tpu.memory_space<semaphore_mem>>)
      %dma_wait3A_187 = tpu.memref_slice %arg9[%add3A_170] : memref<1048576xi32, #tpu.memory_space<hbm>> -> memref<1024xi32, #tpu.memory_space<hbm>>
      %dma_wait3A_188 = tpu.memref_slice %arg9[%add3A_170] : memref<1048576xi32, #tpu.memory_space<hbm>> -> memref<1024xi32, #tpu.memory_space<hbm>>
      tpu.wait_dma2 semaphore(%arg30 : memref<!tpu.dma_semaphore, #tpu.memory_space<semaphore_mem>>) src(%dma_wait3A_188 : memref<1024xi32, #tpu.memory_space<hbm>>) dst(%arg24 : memref<1024xi32, #tpu.memory_space<vmem>>)
      %dma_wait3A_189 = tpu.memref_slice %arg14[%add3A_170] : memref<1048576xi32, #tpu.memory_space<hbm>> -> memref<1024xi32, #tpu.memory_space<hbm>>
      %dma_wait3A_190 = tpu.memref_slice %arg14[%add3A_170] : memref<1048576xi32, #tpu.memory_space<hbm>> -> memref<1024xi32, #tpu.memory_space<hbm>>
      tpu.wait_dma2 semaphore(%arg30 : memref<!tpu.dma_semaphore, #tpu.memory_space<semaphore_mem>>) src(%dma_wait3A_190 : memref<1024xi32, #tpu.memory_space<hbm>>) dst(%arg26 : memref<1024xi32, #tpu.memory_space<vmem>>)
      %dma_start3A_191 = arith.constant 0 : i32
      %dma_start3A_192 = arith.constant 0 : i32
      %dma_start3A_193 = tpu.memref_slice %arg33[%dma_start3A_191, %dma_start3A_192] : memref<100096x8xf32, #tpu.memory_space<vmem_shared>> -> memref<100096x8xf32, #tpu.memory_space<vmem_shared>>
      tpu.enqueue_indirect_dma source(%dma_start3A_193 : memref<100096x8xf32, #tpu.memory_space<vmem_shared>>) target(%arg28 : memref<1024x8xf32, #tpu.memory_space<vmem>>) offsets(%arg24 : memref<1024xi32, #tpu.memory_space<vmem>>) semaphore(%arg32 : memref<!tpu.dma_semaphore, #tpu.memory_space<semaphore_mem>>)
      %dma_wait3A_194 = arith.constant 0 : i32
      %dma_wait3A_195 = arith.constant 0 : i32
      %dma_wait3A_196 = tpu.memref_slice %arg33[%dma_wait3A_194, %dma_wait3A_195] : memref<100096x8xf32, #tpu.memory_space<vmem_shared>> -> memref<100096x8xf32, #tpu.memory_space<vmem_shared>>
      tpu.wait_indirect_dma semaphore(%arg31 : memref<!tpu.dma_semaphore, #tpu.memory_space<semaphore_mem>>) src(%dma_wait3A_196 : memref<100096x8xf32, #tpu.memory_space<vmem_shared>>) dst(%arg27 : memref<1024x8xf32, #tpu.memory_space<vmem>>)
      "tpu.region"() ({
        %run_scoped3A = tpu.sem_alloc : memref<!tpu.dma_semaphore, #tpu.memory_space<semaphore_mem>>
        %dma_start3A_203 = arith.constant 0 : i32
        %dma_start3A_204 = arith.constant 0 : i32
        %dma_start3A_205 = tpu.memref_slice %arg36[%dma_start3A_203, %dma_start3A_204] : memref<10112x8xf32, #tpu.memory_space<vmem_shared>> -> memref<10112x8xf32, #tpu.memory_space<vmem_shared>>
        tpu.enqueue_indirect_dma source(%arg27 : memref<1024x8xf32, #tpu.memory_space<vmem>>) target(%dma_start3A_205 : memref<10112x8xf32, #tpu.memory_space<vmem_shared>>) offsets(%arg25 : memref<1024xi32, #tpu.memory_space<vmem>>) semaphore(%run_scoped3A : memref<!tpu.dma_semaphore, #tpu.memory_space<semaphore_mem>>) {add = true}
        %dma_wait3A_206 = arith.constant 0 : i32
        %dma_wait3A_207 = arith.constant 0 : i32
        %dma_wait3A_208 = tpu.memref_slice %arg36[%dma_wait3A_206, %dma_wait3A_207] : memref<10112x8xf32, #tpu.memory_space<vmem_shared>> -> memref<10112x8xf32, #tpu.memory_space<vmem_shared>>
        tpu.wait_indirect_dma semaphore(%run_scoped3A : memref<!tpu.dma_semaphore, #tpu.memory_space<semaphore_mem>>) src(%arg27 : memref<1024x8xf32, #tpu.memory_space<vmem>>) dst(%dma_wait3A_208 : memref<10112x8xf32, #tpu.memory_space<vmem_shared>>)
        tpu.yield
      }) : () -> ()
      %lt3A_197 = arith.constant 15 : i32
      %lt3A_198 = arith.cmpi slt, %scan3A_162, %lt3A_197 : i32
      %convert_element_type3A_199 = arith.extui %lt3A_198 : i1 to i32
      %cond3A_200 = arith.constant 0 : i32
      %cond3A_201 = arith.cmpi ne, %convert_element_type3A_199, %cond3A_200 : i32
      scf.if %cond3A_201 {
        %mul3A_203 = arith.constant 2 : i32
        %mul3A_204 = arith.muli %mul3A_203, %scan3A_162 : i32
        %add3A_205 = arith.constant 2 : i32
        %add3A_206 = arith.addi %mul3A_204, %add3A_205 : i32
        %mul3A_207 = arith.constant 1024 : i32
        %mul3A_208 = arith.muli %add3A_206, %mul3A_207 : i32
        %add3A_209 = arith.addi %mul3A_63, %mul3A_208 : i32
        %dma_start3A_210 = tpu.memref_slice %arg9[%add3A_209] : memref<1048576xi32, #tpu.memory_space<hbm>> -> memref<1024xi32, #tpu.memory_space<hbm>>
        %dma_start3A_211 = tpu.memref_slice %arg9[%add3A_209] : memref<1048576xi32, #tpu.memory_space<hbm>> -> memref<1024xi32, #tpu.memory_space<hbm>>
        tpu.enqueue_dma source(%dma_start3A_211 : memref<1024xi32, #tpu.memory_space<hbm>>) target(%arg23 : memref<1024xi32, #tpu.memory_space<vmem>>) target_semaphore(%arg29 : memref<!tpu.dma_semaphore, #tpu.memory_space<semaphore_mem>>)
        %dma_start3A_212 = tpu.memref_slice %arg14[%add3A_209] : memref<1048576xi32, #tpu.memory_space<hbm>> -> memref<1024xi32, #tpu.memory_space<hbm>>
        %dma_start3A_213 = tpu.memref_slice %arg14[%add3A_209] : memref<1048576xi32, #tpu.memory_space<hbm>> -> memref<1024xi32, #tpu.memory_space<hbm>>
        tpu.enqueue_dma source(%dma_start3A_213 : memref<1024xi32, #tpu.memory_space<hbm>>) target(%arg25 : memref<1024xi32, #tpu.memory_space<vmem>>) target_semaphore(%arg29 : memref<!tpu.dma_semaphore, #tpu.memory_space<semaphore_mem>>)
      } else {
      }
      %scan3A_202 = arith.constant 0 : i32
      scf.yield %scan3A_202 : i32
    }
    %scan3A_74 = arith.constant 16 : i32
    %dma_wait3A_75 = arith.constant 0 : i32
    %dma_wait3A_76 = arith.constant 0 : i32
    %dma_wait3A_77 = tpu.memref_slice %arg33[%dma_wait3A_75, %dma_wait3A_76] : memref<100096x8xf32, #tpu.memory_space<vmem_shared>> -> memref<100096x8xf32, #tpu.memory_space<vmem_shared>>
    tpu.wait_indirect_dma semaphore(%arg32 : memref<!tpu.dma_semaphore, #tpu.memory_space<semaphore_mem>>) src(%dma_wait3A_77 : memref<100096x8xf32, #tpu.memory_space<vmem_shared>>) dst(%arg28 : memref<1024x8xf32, #tpu.memory_space<vmem>>)
    "tpu.region"() ({
      %run_scoped3A = tpu.sem_alloc : memref<!tpu.dma_semaphore, #tpu.memory_space<semaphore_mem>>
      %dma_start3A_162 = arith.constant 0 : i32
      %dma_start3A_163 = arith.constant 0 : i32
      %dma_start3A_164 = tpu.memref_slice %arg36[%dma_start3A_162, %dma_start3A_163] : memref<10112x8xf32, #tpu.memory_space<vmem_shared>> -> memref<10112x8xf32, #tpu.memory_space<vmem_shared>>
      tpu.enqueue_indirect_dma source(%arg28 : memref<1024x8xf32, #tpu.memory_space<vmem>>) target(%dma_start3A_164 : memref<10112x8xf32, #tpu.memory_space<vmem_shared>>) offsets(%arg26 : memref<1024xi32, #tpu.memory_space<vmem>>) semaphore(%run_scoped3A : memref<!tpu.dma_semaphore, #tpu.memory_space<semaphore_mem>>) {add = true}
      %dma_wait3A_165 = arith.constant 0 : i32
      %dma_wait3A_166 = arith.constant 0 : i32
      %dma_wait3A_167 = tpu.memref_slice %arg36[%dma_wait3A_165, %dma_wait3A_166] : memref<10112x8xf32, #tpu.memory_space<vmem_shared>> -> memref<10112x8xf32, #tpu.memory_space<vmem_shared>>
      tpu.wait_indirect_dma semaphore(%run_scoped3A : memref<!tpu.dma_semaphore, #tpu.memory_space<semaphore_mem>>) src(%arg28 : memref<1024x8xf32, #tpu.memory_space<vmem>>) dst(%dma_wait3A_167 : memref<10112x8xf32, #tpu.memory_space<vmem_shared>>)
      tpu.yield
    }) : () -> ()
    %mul3A_78 = arith.constant 4 : i32
    %mul3A_79 = arith.muli %add3A, %mul3A_78 : i32
    %mul3A_80 = arith.constant 1024 : i32
    %mul3A_81 = arith.muli %mul3A_79, %mul3A_80 : i32
    %dma_start3A_82 = tpu.memref_slice %arg10[%mul3A_81] : memref<131072xi32, #tpu.memory_space<hbm>> -> memref<1024xi32, #tpu.memory_space<hbm>>
    %dma_start3A_83 = tpu.memref_slice %arg10[%mul3A_81] : memref<131072xi32, #tpu.memory_space<hbm>> -> memref<1024xi32, #tpu.memory_space<hbm>>
    tpu.enqueue_dma source(%dma_start3A_83 : memref<1024xi32, #tpu.memory_space<hbm>>) target(%arg23 : memref<1024xi32, #tpu.memory_space<vmem>>) target_semaphore(%arg29 : memref<!tpu.dma_semaphore, #tpu.memory_space<semaphore_mem>>)
    %dma_start3A_84 = tpu.memref_slice %arg15[%mul3A_81] : memref<131072xi32, #tpu.memory_space<hbm>> -> memref<1024xi32, #tpu.memory_space<hbm>>
    %dma_start3A_85 = tpu.memref_slice %arg15[%mul3A_81] : memref<131072xi32, #tpu.memory_space<hbm>> -> memref<1024xi32, #tpu.memory_space<hbm>>
    tpu.enqueue_dma source(%dma_start3A_85 : memref<1024xi32, #tpu.memory_space<hbm>>) target(%arg25 : memref<1024xi32, #tpu.memory_space<vmem>>) target_semaphore(%arg29 : memref<!tpu.dma_semaphore, #tpu.memory_space<semaphore_mem>>)
    %scan3A_86 = arith.constant 0 : i32
    %scan3A_87 = arith.constant 0 : i32
    %scan3A_88 = arith.constant 2 : i32
    %scan3A_89 = arith.addi %scan3A_87, %scan3A_88 : i32
    %scan3A_90 = arith.constant 1 : i32
    %scan3A_91 = scf.for %scan3A_162 = %scan3A_87 to %scan3A_89 step %scan3A_90 iter_args(%scan3A_163 = %scan3A_86) -> (i32)  : i32 {
      %mul3A_164 = arith.constant 2 : i32
      %mul3A_165 = arith.muli %mul3A_164, %scan3A_162 : i32
      %mul3A_166 = arith.constant 1024 : i32
      %mul3A_167 = arith.muli %mul3A_165, %mul3A_166 : i32
      %add3A_168 = arith.addi %mul3A_81, %mul3A_167 : i32
      %add3A_169 = arith.constant 1024 : i32
      %add3A_170 = arith.addi %add3A_168, %add3A_169 : i32
      %dma_wait3A_171 = tpu.memref_slice %arg10[%add3A_168] : memref<131072xi32, #tpu.memory_space<hbm>> -> memref<1024xi32, #tpu.memory_space<hbm>>
      %dma_wait3A_172 = tpu.memref_slice %arg10[%add3A_168] : memref<131072xi32, #tpu.memory_space<hbm>> -> memref<1024xi32, #tpu.memory_space<hbm>>
      tpu.wait_dma2 semaphore(%arg29 : memref<!tpu.dma_semaphore, #tpu.memory_space<semaphore_mem>>) src(%dma_wait3A_172 : memref<1024xi32, #tpu.memory_space<hbm>>) dst(%arg23 : memref<1024xi32, #tpu.memory_space<vmem>>)
      %dma_wait3A_173 = tpu.memref_slice %arg15[%add3A_168] : memref<131072xi32, #tpu.memory_space<hbm>> -> memref<1024xi32, #tpu.memory_space<hbm>>
      %dma_wait3A_174 = tpu.memref_slice %arg15[%add3A_168] : memref<131072xi32, #tpu.memory_space<hbm>> -> memref<1024xi32, #tpu.memory_space<hbm>>
      tpu.wait_dma2 semaphore(%arg29 : memref<!tpu.dma_semaphore, #tpu.memory_space<semaphore_mem>>) src(%dma_wait3A_174 : memref<1024xi32, #tpu.memory_space<hbm>>) dst(%arg25 : memref<1024xi32, #tpu.memory_space<vmem>>)
      %dma_start3A_175 = arith.constant 0 : i32
      %dma_start3A_176 = arith.constant 0 : i32
      %dma_start3A_177 = tpu.memref_slice %arg5[%dma_start3A_175, %dma_start3A_176] : memref<768x8xf32, #tpu.memory_space<hbm>> -> memref<768x8xf32, #tpu.memory_space<hbm>>
      tpu.enqueue_indirect_dma source(%dma_start3A_177 : memref<768x8xf32, #tpu.memory_space<hbm>>) target(%arg27 : memref<1024x8xf32, #tpu.memory_space<vmem>>) offsets(%arg23 : memref<1024xi32, #tpu.memory_space<vmem>>) semaphore(%arg31 : memref<!tpu.dma_semaphore, #tpu.memory_space<semaphore_mem>>)
      %gt3A_178 = arith.constant 0 : i32
      %gt3A_179 = arith.cmpi sgt, %scan3A_162, %gt3A_178 : i32
      %convert_element_type3A_180 = arith.extui %gt3A_179 : i1 to i32
      %cond3A_181 = arith.constant 0 : i32
      %cond3A_182 = arith.cmpi ne, %convert_element_type3A_180, %cond3A_181 : i32
      scf.if %cond3A_182 {
        %dma_wait3A_203 = arith.constant 0 : i32
        %dma_wait3A_204 = arith.constant 0 : i32
        %dma_wait3A_205 = tpu.memref_slice %arg5[%dma_wait3A_203, %dma_wait3A_204] : memref<768x8xf32, #tpu.memory_space<hbm>> -> memref<768x8xf32, #tpu.memory_space<hbm>>
        tpu.wait_indirect_dma semaphore(%arg32 : memref<!tpu.dma_semaphore, #tpu.memory_space<semaphore_mem>>) src(%dma_wait3A_205 : memref<768x8xf32, #tpu.memory_space<hbm>>) dst(%arg28 : memref<1024x8xf32, #tpu.memory_space<vmem>>)
        "tpu.region"() ({
          %run_scoped3A = tpu.sem_alloc : memref<!tpu.dma_semaphore, #tpu.memory_space<semaphore_mem>>
          %dma_start3A_206 = arith.constant 0 : i32
          %dma_start3A_207 = arith.constant 0 : i32
          %dma_start3A_208 = tpu.memref_slice %arg35[%dma_start3A_206, %dma_start3A_207] : memref<10112x8xf32, #tpu.memory_space<vmem_shared>> -> memref<10112x8xf32, #tpu.memory_space<vmem_shared>>
          tpu.enqueue_indirect_dma source(%arg28 : memref<1024x8xf32, #tpu.memory_space<vmem>>) target(%dma_start3A_208 : memref<10112x8xf32, #tpu.memory_space<vmem_shared>>) offsets(%arg26 : memref<1024xi32, #tpu.memory_space<vmem>>) semaphore(%run_scoped3A : memref<!tpu.dma_semaphore, #tpu.memory_space<semaphore_mem>>) {add = true}
          %dma_wait3A_209 = arith.constant 0 : i32
          %dma_wait3A_210 = arith.constant 0 : i32
          %dma_wait3A_211 = tpu.memref_slice %arg35[%dma_wait3A_209, %dma_wait3A_210] : memref<10112x8xf32, #tpu.memory_space<vmem_shared>> -> memref<10112x8xf32, #tpu.memory_space<vmem_shared>>
          tpu.wait_indirect_dma semaphore(%run_scoped3A : memref<!tpu.dma_semaphore, #tpu.memory_space<semaphore_mem>>) src(%arg28 : memref<1024x8xf32, #tpu.memory_space<vmem>>) dst(%dma_wait3A_211 : memref<10112x8xf32, #tpu.memory_space<vmem_shared>>)
          tpu.yield
        }) : () -> ()
      } else {
      }
      %dma_start3A_183 = tpu.memref_slice %arg10[%add3A_170] : memref<131072xi32, #tpu.memory_space<hbm>> -> memref<1024xi32, #tpu.memory_space<hbm>>
      %dma_start3A_184 = tpu.memref_slice %arg10[%add3A_170] : memref<131072xi32, #tpu.memory_space<hbm>> -> memref<1024xi32, #tpu.memory_space<hbm>>
      tpu.enqueue_dma source(%dma_start3A_184 : memref<1024xi32, #tpu.memory_space<hbm>>) target(%arg24 : memref<1024xi32, #tpu.memory_space<vmem>>) target_semaphore(%arg30 : memref<!tpu.dma_semaphore, #tpu.memory_space<semaphore_mem>>)
      %dma_start3A_185 = tpu.memref_slice %arg15[%add3A_170] : memref<131072xi32, #tpu.memory_space<hbm>> -> memref<1024xi32, #tpu.memory_space<hbm>>
      %dma_start3A_186 = tpu.memref_slice %arg15[%add3A_170] : memref<131072xi32, #tpu.memory_space<hbm>> -> memref<1024xi32, #tpu.memory_space<hbm>>
      tpu.enqueue_dma source(%dma_start3A_186 : memref<1024xi32, #tpu.memory_space<hbm>>) target(%arg26 : memref<1024xi32, #tpu.memory_space<vmem>>) target_semaphore(%arg30 : memref<!tpu.dma_semaphore, #tpu.memory_space<semaphore_mem>>)
      %dma_wait3A_187 = tpu.memref_slice %arg10[%add3A_170] : memref<131072xi32, #tpu.memory_space<hbm>> -> memref<1024xi32, #tpu.memory_space<hbm>>
      %dma_wait3A_188 = tpu.memref_slice %arg10[%add3A_170] : memref<131072xi32, #tpu.memory_space<hbm>> -> memref<1024xi32, #tpu.memory_space<hbm>>
      tpu.wait_dma2 semaphore(%arg30 : memref<!tpu.dma_semaphore, #tpu.memory_space<semaphore_mem>>) src(%dma_wait3A_188 : memref<1024xi32, #tpu.memory_space<hbm>>) dst(%arg24 : memref<1024xi32, #tpu.memory_space<vmem>>)
      %dma_wait3A_189 = tpu.memref_slice %arg15[%add3A_170] : memref<131072xi32, #tpu.memory_space<hbm>> -> memref<1024xi32, #tpu.memory_space<hbm>>
      %dma_wait3A_190 = tpu.memref_slice %arg15[%add3A_170] : memref<131072xi32, #tpu.memory_space<hbm>> -> memref<1024xi32, #tpu.memory_space<hbm>>
      tpu.wait_dma2 semaphore(%arg30 : memref<!tpu.dma_semaphore, #tpu.memory_space<semaphore_mem>>) src(%dma_wait3A_190 : memref<1024xi32, #tpu.memory_space<hbm>>) dst(%arg26 : memref<1024xi32, #tpu.memory_space<vmem>>)
      %dma_start3A_191 = arith.constant 0 : i32
      %dma_start3A_192 = arith.constant 0 : i32
      %dma_start3A_193 = tpu.memref_slice %arg5[%dma_start3A_191, %dma_start3A_192] : memref<768x8xf32, #tpu.memory_space<hbm>> -> memref<768x8xf32, #tpu.memory_space<hbm>>
      tpu.enqueue_indirect_dma source(%dma_start3A_193 : memref<768x8xf32, #tpu.memory_space<hbm>>) target(%arg28 : memref<1024x8xf32, #tpu.memory_space<vmem>>) offsets(%arg24 : memref<1024xi32, #tpu.memory_space<vmem>>) semaphore(%arg32 : memref<!tpu.dma_semaphore, #tpu.memory_space<semaphore_mem>>)
      %dma_wait3A_194 = arith.constant 0 : i32
      %dma_wait3A_195 = arith.constant 0 : i32
      %dma_wait3A_196 = tpu.memref_slice %arg5[%dma_wait3A_194, %dma_wait3A_195] : memref<768x8xf32, #tpu.memory_space<hbm>> -> memref<768x8xf32, #tpu.memory_space<hbm>>
      tpu.wait_indirect_dma semaphore(%arg31 : memref<!tpu.dma_semaphore, #tpu.memory_space<semaphore_mem>>) src(%dma_wait3A_196 : memref<768x8xf32, #tpu.memory_space<hbm>>) dst(%arg27 : memref<1024x8xf32, #tpu.memory_space<vmem>>)
      "tpu.region"() ({
        %run_scoped3A = tpu.sem_alloc : memref<!tpu.dma_semaphore, #tpu.memory_space<semaphore_mem>>
        %dma_start3A_203 = arith.constant 0 : i32
        %dma_start3A_204 = arith.constant 0 : i32
        %dma_start3A_205 = tpu.memref_slice %arg35[%dma_start3A_203, %dma_start3A_204] : memref<10112x8xf32, #tpu.memory_space<vmem_shared>> -> memref<10112x8xf32, #tpu.memory_space<vmem_shared>>
        tpu.enqueue_indirect_dma source(%arg27 : memref<1024x8xf32, #tpu.memory_space<vmem>>) target(%dma_start3A_205 : memref<10112x8xf32, #tpu.memory_space<vmem_shared>>) offsets(%arg25 : memref<1024xi32, #tpu.memory_space<vmem>>) semaphore(%run_scoped3A : memref<!tpu.dma_semaphore, #tpu.memory_space<semaphore_mem>>) {add = true}
        %dma_wait3A_206 = arith.constant 0 : i32
        %dma_wait3A_207 = arith.constant 0 : i32
        %dma_wait3A_208 = tpu.memref_slice %arg35[%dma_wait3A_206, %dma_wait3A_207] : memref<10112x8xf32, #tpu.memory_space<vmem_shared>> -> memref<10112x8xf32, #tpu.memory_space<vmem_shared>>
        tpu.wait_indirect_dma semaphore(%run_scoped3A : memref<!tpu.dma_semaphore, #tpu.memory_space<semaphore_mem>>) src(%arg27 : memref<1024x8xf32, #tpu.memory_space<vmem>>) dst(%dma_wait3A_208 : memref<10112x8xf32, #tpu.memory_space<vmem_shared>>)
        tpu.yield
      }) : () -> ()
      %lt3A_197 = arith.constant 1 : i32
      %lt3A_198 = arith.cmpi slt, %scan3A_162, %lt3A_197 : i32
      %convert_element_type3A_199 = arith.extui %lt3A_198 : i1 to i32
      %cond3A_200 = arith.constant 0 : i32
      %cond3A_201 = arith.cmpi ne, %convert_element_type3A_199, %cond3A_200 : i32
      scf.if %cond3A_201 {
        %mul3A_203 = arith.constant 2 : i32
        %mul3A_204 = arith.muli %mul3A_203, %scan3A_162 : i32
        %add3A_205 = arith.constant 2 : i32
        %add3A_206 = arith.addi %mul3A_204, %add3A_205 : i32
        %mul3A_207 = arith.constant 1024 : i32
        %mul3A_208 = arith.muli %add3A_206, %mul3A_207 : i32
        %add3A_209 = arith.addi %mul3A_81, %mul3A_208 : i32
        %dma_start3A_210 = tpu.memref_slice %arg10[%add3A_209] : memref<131072xi32, #tpu.memory_space<hbm>> -> memref<1024xi32, #tpu.memory_space<hbm>>
        %dma_start3A_211 = tpu.memref_slice %arg10[%add3A_209] : memref<131072xi32, #tpu.memory_space<hbm>> -> memref<1024xi32, #tpu.memory_space<hbm>>
        tpu.enqueue_dma source(%dma_start3A_211 : memref<1024xi32, #tpu.memory_space<hbm>>) target(%arg23 : memref<1024xi32, #tpu.memory_space<vmem>>) target_semaphore(%arg29 : memref<!tpu.dma_semaphore, #tpu.memory_space<semaphore_mem>>)
        %dma_start3A_212 = tpu.memref_slice %arg15[%add3A_209] : memref<131072xi32, #tpu.memory_space<hbm>> -> memref<1024xi32, #tpu.memory_space<hbm>>
        %dma_start3A_213 = tpu.memref_slice %arg15[%add3A_209] : memref<131072xi32, #tpu.memory_space<hbm>> -> memref<1024xi32, #tpu.memory_space<hbm>>
        tpu.enqueue_dma source(%dma_start3A_213 : memref<1024xi32, #tpu.memory_space<hbm>>) target(%arg25 : memref<1024xi32, #tpu.memory_space<vmem>>) target_semaphore(%arg29 : memref<!tpu.dma_semaphore, #tpu.memory_space<semaphore_mem>>)
      } else {
      }
      %scan3A_202 = arith.constant 0 : i32
      scf.yield %scan3A_202 : i32
    }
    %scan3A_92 = arith.constant 2 : i32
    %dma_wait3A_93 = arith.constant 0 : i32
    %dma_wait3A_94 = arith.constant 0 : i32
    %dma_wait3A_95 = tpu.memref_slice %arg5[%dma_wait3A_93, %dma_wait3A_94] : memref<768x8xf32, #tpu.memory_space<hbm>> -> memref<768x8xf32, #tpu.memory_space<hbm>>
    tpu.wait_indirect_dma semaphore(%arg32 : memref<!tpu.dma_semaphore, #tpu.memory_space<semaphore_mem>>) src(%dma_wait3A_95 : memref<768x8xf32, #tpu.memory_space<hbm>>) dst(%arg28 : memref<1024x8xf32, #tpu.memory_space<vmem>>)
    "tpu.region"() ({
      %run_scoped3A = tpu.sem_alloc : memref<!tpu.dma_semaphore, #tpu.memory_space<semaphore_mem>>
      %dma_start3A_162 = arith.constant 0 : i32
      %dma_start3A_163 = arith.constant 0 : i32
      %dma_start3A_164 = tpu.memref_slice %arg35[%dma_start3A_162, %dma_start3A_163] : memref<10112x8xf32, #tpu.memory_space<vmem_shared>> -> memref<10112x8xf32, #tpu.memory_space<vmem_shared>>
      tpu.enqueue_indirect_dma source(%arg28 : memref<1024x8xf32, #tpu.memory_space<vmem>>) target(%dma_start3A_164 : memref<10112x8xf32, #tpu.memory_space<vmem_shared>>) offsets(%arg26 : memref<1024xi32, #tpu.memory_space<vmem>>) semaphore(%run_scoped3A : memref<!tpu.dma_semaphore, #tpu.memory_space<semaphore_mem>>) {add = true}
      %dma_wait3A_165 = arith.constant 0 : i32
      %dma_wait3A_166 = arith.constant 0 : i32
      %dma_wait3A_167 = tpu.memref_slice %arg35[%dma_wait3A_165, %dma_wait3A_166] : memref<10112x8xf32, #tpu.memory_space<vmem_shared>> -> memref<10112x8xf32, #tpu.memory_space<vmem_shared>>
      tpu.wait_indirect_dma semaphore(%run_scoped3A : memref<!tpu.dma_semaphore, #tpu.memory_space<semaphore_mem>>) src(%arg28 : memref<1024x8xf32, #tpu.memory_space<vmem>>) dst(%dma_wait3A_167 : memref<10112x8xf32, #tpu.memory_space<vmem_shared>>)
      tpu.yield
    }) : () -> ()
    %mul3A_96 = arith.constant 2 : i32
    %mul3A_97 = arith.muli %add3A, %mul3A_96 : i32
    %mul3A_98 = arith.constant 1024 : i32
    %mul3A_99 = arith.muli %mul3A_97, %mul3A_98 : i32
    %dma_start3A_100 = tpu.memref_slice %arg11[%mul3A_99] : memref<65536xi32, #tpu.memory_space<hbm>> -> memref<1024xi32, #tpu.memory_space<hbm>>
    %dma_start3A_101 = tpu.memref_slice %arg11[%mul3A_99] : memref<65536xi32, #tpu.memory_space<hbm>> -> memref<1024xi32, #tpu.memory_space<hbm>>
    tpu.enqueue_dma source(%dma_start3A_101 : memref<1024xi32, #tpu.memory_space<hbm>>) target(%arg23 : memref<1024xi32, #tpu.memory_space<vmem>>) target_semaphore(%arg29 : memref<!tpu.dma_semaphore, #tpu.memory_space<semaphore_mem>>)
    %dma_start3A_102 = tpu.memref_slice %arg16[%mul3A_99] : memref<65536xi32, #tpu.memory_space<hbm>> -> memref<1024xi32, #tpu.memory_space<hbm>>
    %dma_start3A_103 = tpu.memref_slice %arg16[%mul3A_99] : memref<65536xi32, #tpu.memory_space<hbm>> -> memref<1024xi32, #tpu.memory_space<hbm>>
    tpu.enqueue_dma source(%dma_start3A_103 : memref<1024xi32, #tpu.memory_space<hbm>>) target(%arg25 : memref<1024xi32, #tpu.memory_space<vmem>>) target_semaphore(%arg29 : memref<!tpu.dma_semaphore, #tpu.memory_space<semaphore_mem>>)
    %scan3A_104 = arith.constant 0 : i32
    %scan3A_105 = arith.constant 0 : i32
    %mul3A_106 = arith.constant 2 : i32
    %mul3A_107 = arith.muli %mul3A_106, %scan3A_105 : i32
    %mul3A_108 = arith.constant 1024 : i32
    %mul3A_109 = arith.muli %mul3A_107, %mul3A_108 : i32
    %add3A_110 = arith.addi %mul3A_99, %mul3A_109 : i32
    %add3A_111 = arith.constant 1024 : i32
    %add3A_112 = arith.addi %add3A_110, %add3A_111 : i32
    %dma_wait3A_113 = tpu.memref_slice %arg11[%add3A_110] : memref<65536xi32, #tpu.memory_space<hbm>> -> memref<1024xi32, #tpu.memory_space<hbm>>
    %dma_wait3A_114 = tpu.memref_slice %arg11[%add3A_110] : memref<65536xi32, #tpu.memory_space<hbm>> -> memref<1024xi32, #tpu.memory_space<hbm>>
    tpu.wait_dma2 semaphore(%arg29 : memref<!tpu.dma_semaphore, #tpu.memory_space<semaphore_mem>>) src(%dma_wait3A_114 : memref<1024xi32, #tpu.memory_space<hbm>>) dst(%arg23 : memref<1024xi32, #tpu.memory_space<vmem>>)
    %dma_wait3A_115 = tpu.memref_slice %arg16[%add3A_110] : memref<65536xi32, #tpu.memory_space<hbm>> -> memref<1024xi32, #tpu.memory_space<hbm>>
    %dma_wait3A_116 = tpu.memref_slice %arg16[%add3A_110] : memref<65536xi32, #tpu.memory_space<hbm>> -> memref<1024xi32, #tpu.memory_space<hbm>>
    tpu.wait_dma2 semaphore(%arg29 : memref<!tpu.dma_semaphore, #tpu.memory_space<semaphore_mem>>) src(%dma_wait3A_116 : memref<1024xi32, #tpu.memory_space<hbm>>) dst(%arg25 : memref<1024xi32, #tpu.memory_space<vmem>>)
    %dma_start3A_117 = arith.constant 0 : i32
    %dma_start3A_118 = arith.constant 0 : i32
    %dma_start3A_119 = tpu.memref_slice %arg6[%dma_start3A_117, %dma_start3A_118] : memref<768x8xf32, #tpu.memory_space<hbm>> -> memref<768x8xf32, #tpu.memory_space<hbm>>
    tpu.enqueue_indirect_dma source(%dma_start3A_119 : memref<768x8xf32, #tpu.memory_space<hbm>>) target(%arg27 : memref<1024x8xf32, #tpu.memory_space<vmem>>) offsets(%arg23 : memref<1024xi32, #tpu.memory_space<vmem>>) semaphore(%arg31 : memref<!tpu.dma_semaphore, #tpu.memory_space<semaphore_mem>>)
    %gt3A = arith.constant 0 : i32
    %gt3A_120 = arith.cmpi sgt, %scan3A_105, %gt3A : i32
    %convert_element_type3A = arith.extui %gt3A_120 : i1 to i32
    %cond3A = arith.constant 0 : i32
    %cond3A_121 = arith.cmpi ne, %convert_element_type3A, %cond3A : i32
    scf.if %cond3A_121 {
      %dma_wait3A_162 = arith.constant 0 : i32
      %dma_wait3A_163 = arith.constant 0 : i32
      %dma_wait3A_164 = tpu.memref_slice %arg6[%dma_wait3A_162, %dma_wait3A_163] : memref<768x8xf32, #tpu.memory_space<hbm>> -> memref<768x8xf32, #tpu.memory_space<hbm>>
      tpu.wait_indirect_dma semaphore(%arg32 : memref<!tpu.dma_semaphore, #tpu.memory_space<semaphore_mem>>) src(%dma_wait3A_164 : memref<768x8xf32, #tpu.memory_space<hbm>>) dst(%arg28 : memref<1024x8xf32, #tpu.memory_space<vmem>>)
      "tpu.region"() ({
        %run_scoped3A = tpu.sem_alloc : memref<!tpu.dma_semaphore, #tpu.memory_space<semaphore_mem>>
        %dma_start3A_165 = arith.constant 0 : i32
        %dma_start3A_166 = arith.constant 0 : i32
        %dma_start3A_167 = tpu.memref_slice %arg37[%dma_start3A_165, %dma_start3A_166] : memref<768x8xf32, #tpu.memory_space<vmem_shared>> -> memref<768x8xf32, #tpu.memory_space<vmem_shared>>
        tpu.enqueue_indirect_dma source(%arg28 : memref<1024x8xf32, #tpu.memory_space<vmem>>) target(%dma_start3A_167 : memref<768x8xf32, #tpu.memory_space<vmem_shared>>) offsets(%arg26 : memref<1024xi32, #tpu.memory_space<vmem>>) semaphore(%run_scoped3A : memref<!tpu.dma_semaphore, #tpu.memory_space<semaphore_mem>>) {add = true}
        %dma_wait3A_168 = arith.constant 0 : i32
        %dma_wait3A_169 = arith.constant 0 : i32
        %dma_wait3A_170 = tpu.memref_slice %arg37[%dma_wait3A_168, %dma_wait3A_169] : memref<768x8xf32, #tpu.memory_space<vmem_shared>> -> memref<768x8xf32, #tpu.memory_space<vmem_shared>>
        tpu.wait_indirect_dma semaphore(%run_scoped3A : memref<!tpu.dma_semaphore, #tpu.memory_space<semaphore_mem>>) src(%arg28 : memref<1024x8xf32, #tpu.memory_space<vmem>>) dst(%dma_wait3A_170 : memref<768x8xf32, #tpu.memory_space<vmem_shared>>)
        tpu.yield
      }) : () -> ()
    } else {
    }
    %dma_start3A_122 = tpu.memref_slice %arg11[%add3A_112] : memref<65536xi32, #tpu.memory_space<hbm>> -> memref<1024xi32, #tpu.memory_space<hbm>>
    %dma_start3A_123 = tpu.memref_slice %arg11[%add3A_112] : memref<65536xi32, #tpu.memory_space<hbm>> -> memref<1024xi32, #tpu.memory_space<hbm>>
    tpu.enqueue_dma source(%dma_start3A_123 : memref<1024xi32, #tpu.memory_space<hbm>>) target(%arg24 : memref<1024xi32, #tpu.memory_space<vmem>>) target_semaphore(%arg30 : memref<!tpu.dma_semaphore, #tpu.memory_space<semaphore_mem>>)
    %dma_start3A_124 = tpu.memref_slice %arg16[%add3A_112] : memref<65536xi32, #tpu.memory_space<hbm>> -> memref<1024xi32, #tpu.memory_space<hbm>>
    %dma_start3A_125 = tpu.memref_slice %arg16[%add3A_112] : memref<65536xi32, #tpu.memory_space<hbm>> -> memref<1024xi32, #tpu.memory_space<hbm>>
    tpu.enqueue_dma source(%dma_start3A_125 : memref<1024xi32, #tpu.memory_space<hbm>>) target(%arg26 : memref<1024xi32, #tpu.memory_space<vmem>>) target_semaphore(%arg30 : memref<!tpu.dma_semaphore, #tpu.memory_space<semaphore_mem>>)
    %dma_wait3A_126 = tpu.memref_slice %arg11[%add3A_112] : memref<65536xi32, #tpu.memory_space<hbm>> -> memref<1024xi32, #tpu.memory_space<hbm>>
    %dma_wait3A_127 = tpu.memref_slice %arg11[%add3A_112] : memref<65536xi32, #tpu.memory_space<hbm>> -> memref<1024xi32, #tpu.memory_space<hbm>>
    tpu.wait_dma2 semaphore(%arg30 : memref<!tpu.dma_semaphore, #tpu.memory_space<semaphore_mem>>) src(%dma_wait3A_127 : memref<1024xi32, #tpu.memory_space<hbm>>) dst(%arg24 : memref<1024xi32, #tpu.memory_space<vmem>>)
    %dma_wait3A_128 = tpu.memref_slice %arg16[%add3A_112] : memref<65536xi32, #tpu.memory_space<hbm>> -> memref<1024xi32, #tpu.memory_space<hbm>>
    %dma_wait3A_129 = tpu.memref_slice %arg16[%add3A_112] : memref<65536xi32, #tpu.memory_space<hbm>> -> memref<1024xi32, #tpu.memory_space<hbm>>
    tpu.wait_dma2 semaphore(%arg30 : memref<!tpu.dma_semaphore, #tpu.memory_space<semaphore_mem>>) src(%dma_wait3A_129 : memref<1024xi32, #tpu.memory_space<hbm>>) dst(%arg26 : memref<1024xi32, #tpu.memory_space<vmem>>)
    %dma_start3A_130 = arith.constant 0 : i32
    %dma_start3A_131 = arith.constant 0 : i32
    %dma_start3A_132 = tpu.memref_slice %arg6[%dma_start3A_130, %dma_start3A_131] : memref<768x8xf32, #tpu.memory_space<hbm>> -> memref<768x8xf32, #tpu.memory_space<hbm>>
    tpu.enqueue_indirect_dma source(%dma_start3A_132 : memref<768x8xf32, #tpu.memory_space<hbm>>) target(%arg28 : memref<1024x8xf32, #tpu.memory_space<vmem>>) offsets(%arg24 : memref<1024xi32, #tpu.memory_space<vmem>>) semaphore(%arg32 : memref<!tpu.dma_semaphore, #tpu.memory_space<semaphore_mem>>)
    %dma_wait3A_133 = arith.constant 0 : i32
    %dma_wait3A_134 = arith.constant 0 : i32
    %dma_wait3A_135 = tpu.memref_slice %arg6[%dma_wait3A_133, %dma_wait3A_134] : memref<768x8xf32, #tpu.memory_space<hbm>> -> memref<768x8xf32, #tpu.memory_space<hbm>>
    tpu.wait_indirect_dma semaphore(%arg31 : memref<!tpu.dma_semaphore, #tpu.memory_space<semaphore_mem>>) src(%dma_wait3A_135 : memref<768x8xf32, #tpu.memory_space<hbm>>) dst(%arg27 : memref<1024x8xf32, #tpu.memory_space<vmem>>)
    "tpu.region"() ({
      %run_scoped3A = tpu.sem_alloc : memref<!tpu.dma_semaphore, #tpu.memory_space<semaphore_mem>>
      %dma_start3A_162 = arith.constant 0 : i32
      %dma_start3A_163 = arith.constant 0 : i32
      %dma_start3A_164 = tpu.memref_slice %arg37[%dma_start3A_162, %dma_start3A_163] : memref<768x8xf32, #tpu.memory_space<vmem_shared>> -> memref<768x8xf32, #tpu.memory_space<vmem_shared>>
      tpu.enqueue_indirect_dma source(%arg27 : memref<1024x8xf32, #tpu.memory_space<vmem>>) target(%dma_start3A_164 : memref<768x8xf32, #tpu.memory_space<vmem_shared>>) offsets(%arg25 : memref<1024xi32, #tpu.memory_space<vmem>>) semaphore(%run_scoped3A : memref<!tpu.dma_semaphore, #tpu.memory_space<semaphore_mem>>) {add = true}
      %dma_wait3A_165 = arith.constant 0 : i32
      %dma_wait3A_166 = arith.constant 0 : i32
      %dma_wait3A_167 = tpu.memref_slice %arg37[%dma_wait3A_165, %dma_wait3A_166] : memref<768x8xf32, #tpu.memory_space<vmem_shared>> -> memref<768x8xf32, #tpu.memory_space<vmem_shared>>
      tpu.wait_indirect_dma semaphore(%run_scoped3A : memref<!tpu.dma_semaphore, #tpu.memory_space<semaphore_mem>>) src(%arg27 : memref<1024x8xf32, #tpu.memory_space<vmem>>) dst(%dma_wait3A_167 : memref<768x8xf32, #tpu.memory_space<vmem_shared>>)
      tpu.yield
    }) : () -> ()
    %lt3A = arith.constant 0 : i32
    %lt3A_136 = arith.cmpi slt, %scan3A_105, %lt3A : i32
    %convert_element_type3A_137 = arith.extui %lt3A_136 : i1 to i32
    %cond3A_138 = arith.constant 0 : i32
    %cond3A_139 = arith.cmpi ne, %convert_element_type3A_137, %cond3A_138 : i32
    scf.if %cond3A_139 {
      %mul3A_162 = arith.constant 2 : i32
      %mul3A_163 = arith.muli %mul3A_162, %scan3A_105 : i32
      %add3A_164 = arith.constant 2 : i32
      %add3A_165 = arith.addi %mul3A_163, %add3A_164 : i32
      %mul3A_166 = arith.constant 1024 : i32
      %mul3A_167 = arith.muli %add3A_165, %mul3A_166 : i32
      %add3A_168 = arith.addi %mul3A_99, %mul3A_167 : i32
      %dma_start3A_169 = tpu.memref_slice %arg11[%add3A_168] : memref<65536xi32, #tpu.memory_space<hbm>> -> memref<1024xi32, #tpu.memory_space<hbm>>
      %dma_start3A_170 = tpu.memref_slice %arg11[%add3A_168] : memref<65536xi32, #tpu.memory_space<hbm>> -> memref<1024xi32, #tpu.memory_space<hbm>>
      tpu.enqueue_dma source(%dma_start3A_170 : memref<1024xi32, #tpu.memory_space<hbm>>) target(%arg23 : memref<1024xi32, #tpu.memory_space<vmem>>) target_semaphore(%arg29 : memref<!tpu.dma_semaphore, #tpu.memory_space<semaphore_mem>>)
      %dma_start3A_171 = tpu.memref_slice %arg16[%add3A_168] : memref<65536xi32, #tpu.memory_space<hbm>> -> memref<1024xi32, #tpu.memory_space<hbm>>
      %dma_start3A_172 = tpu.memref_slice %arg16[%add3A_168] : memref<65536xi32, #tpu.memory_space<hbm>> -> memref<1024xi32, #tpu.memory_space<hbm>>
      tpu.enqueue_dma source(%dma_start3A_172 : memref<1024xi32, #tpu.memory_space<hbm>>) target(%arg25 : memref<1024xi32, #tpu.memory_space<vmem>>) target_semaphore(%arg29 : memref<!tpu.dma_semaphore, #tpu.memory_space<semaphore_mem>>)
    } else {
    }
    %scan3A_140 = arith.constant 0 : i32
    %scan3A_141 = arith.constant 1 : i32
    %dma_wait3A_142 = arith.constant 0 : i32
    %dma_wait3A_143 = arith.constant 0 : i32
    %dma_wait3A_144 = tpu.memref_slice %arg6[%dma_wait3A_142, %dma_wait3A_143] : memref<768x8xf32, #tpu.memory_space<hbm>> -> memref<768x8xf32, #tpu.memory_space<hbm>>
    tpu.wait_indirect_dma semaphore(%arg32 : memref<!tpu.dma_semaphore, #tpu.memory_space<semaphore_mem>>) src(%dma_wait3A_144 : memref<768x8xf32, #tpu.memory_space<hbm>>) dst(%arg28 : memref<1024x8xf32, #tpu.memory_space<vmem>>)
    "tpu.region"() ({
      %run_scoped3A = tpu.sem_alloc : memref<!tpu.dma_semaphore, #tpu.memory_space<semaphore_mem>>
      %dma_start3A_162 = arith.constant 0 : i32
      %dma_start3A_163 = arith.constant 0 : i32
      %dma_start3A_164 = tpu.memref_slice %arg37[%dma_start3A_162, %dma_start3A_163] : memref<768x8xf32, #tpu.memory_space<vmem_shared>> -> memref<768x8xf32, #tpu.memory_space<vmem_shared>>
      tpu.enqueue_indirect_dma source(%arg28 : memref<1024x8xf32, #tpu.memory_space<vmem>>) target(%dma_start3A_164 : memref<768x8xf32, #tpu.memory_space<vmem_shared>>) offsets(%arg26 : memref<1024xi32, #tpu.memory_space<vmem>>) semaphore(%run_scoped3A : memref<!tpu.dma_semaphore, #tpu.memory_space<semaphore_mem>>) {add = true}
      %dma_wait3A_165 = arith.constant 0 : i32
      %dma_wait3A_166 = arith.constant 0 : i32
      %dma_wait3A_167 = tpu.memref_slice %arg37[%dma_wait3A_165, %dma_wait3A_166] : memref<768x8xf32, #tpu.memory_space<vmem_shared>> -> memref<768x8xf32, #tpu.memory_space<vmem_shared>>
      tpu.wait_indirect_dma semaphore(%run_scoped3A : memref<!tpu.dma_semaphore, #tpu.memory_space<semaphore_mem>>) src(%arg28 : memref<1024x8xf32, #tpu.memory_space<vmem>>) dst(%dma_wait3A_167 : memref<768x8xf32, #tpu.memory_space<vmem_shared>>)
      tpu.yield
    }) : () -> ()
    %barrier3A_145 = arith.constant 0 : index
    tpu.barrier barrier_id(%barrier3A_145)
    %mul3A_146 = arith.constant 632 : i32
    %mul3A_147 = arith.muli %arg1, %mul3A_146 : i32
    %mul3A_148 = arith.constant 632 : i32
    %mul3A_149 = arith.muli %arg1, %mul3A_148 : i32
    "tpu.region"() ({
      %run_scoped3A = tpu.sem_alloc : memref<!tpu.dma_semaphore, #tpu.memory_space<semaphore_mem>>
      %dma_start3A_162 = arith.constant 0 : i32
      %dma_start3A_163 = tpu.memref_slice %arg19[%arg0, %mul3A_149, %dma_start3A_162] : memref<2x10112x8xf32, #tpu.memory_space<hbm>> -> memref<1x632x8xf32, #tpu.memory_space<hbm>>
      %dma_start3A_164 = tpu.memref_squeeze %dma_start3A_163 : memref<1x632x8xf32, #tpu.memory_space<hbm>> -> memref<632x8xf32, #tpu.memory_space<hbm>>
      %dma_start3A_165 = arith.constant 0 : i32
      %dma_start3A_166 = tpu.memref_slice %arg34[%mul3A_147, %dma_start3A_165] : memref<100096x8xf32, #tpu.memory_space<vmem_shared>> -> memref<632x8xf32, #tpu.memory_space<vmem_shared>>
      tpu.enqueue_dma source(%dma_start3A_166 : memref<632x8xf32, #tpu.memory_space<vmem_shared>>) target(%dma_start3A_164 : memref<632x8xf32, #tpu.memory_space<hbm>>) target_semaphore(%run_scoped3A : memref<!tpu.dma_semaphore, #tpu.memory_space<semaphore_mem>>)
      %dma_wait3A_167 = arith.constant 0 : i32
      %dma_wait3A_168 = tpu.memref_slice %arg19[%arg0, %mul3A_149, %dma_wait3A_167] : memref<2x10112x8xf32, #tpu.memory_space<hbm>> -> memref<1x632x8xf32, #tpu.memory_space<hbm>>
      %dma_wait3A_169 = tpu.memref_squeeze %dma_wait3A_168 : memref<1x632x8xf32, #tpu.memory_space<hbm>> -> memref<632x8xf32, #tpu.memory_space<hbm>>
      %dma_wait3A_170 = arith.constant 0 : i32
      %dma_wait3A_171 = tpu.memref_slice %arg34[%mul3A_147, %dma_wait3A_170] : memref<100096x8xf32, #tpu.memory_space<vmem_shared>> -> memref<632x8xf32, #tpu.memory_space<vmem_shared>>
      tpu.wait_dma2 semaphore(%run_scoped3A : memref<!tpu.dma_semaphore, #tpu.memory_space<semaphore_mem>>) src(%dma_wait3A_171 : memref<632x8xf32, #tpu.memory_space<vmem_shared>>) dst(%dma_wait3A_169 : memref<632x8xf32, #tpu.memory_space<hbm>>)
      tpu.yield
    }) : () -> ()
    %mul3A_150 = arith.constant 48 : i32
    %mul3A_151 = arith.muli %arg1, %mul3A_150 : i32
    %mul3A_152 = arith.constant 48 : i32
    %mul3A_153 = arith.muli %arg1, %mul3A_152 : i32
    "tpu.region"() ({
      %run_scoped3A = tpu.sem_alloc : memref<!tpu.dma_semaphore, #tpu.memory_space<semaphore_mem>>
      %dma_start3A_162 = arith.constant 0 : i32
      %dma_start3A_163 = tpu.memref_slice %arg20[%arg0, %mul3A_153, %dma_start3A_162] : memref<2x768x8xf32, #tpu.memory_space<hbm>> -> memref<1x48x8xf32, #tpu.memory_space<hbm>>
      %dma_start3A_164 = tpu.memref_squeeze %dma_start3A_163 : memref<1x48x8xf32, #tpu.memory_space<hbm>> -> memref<48x8xf32, #tpu.memory_space<hbm>>
      %dma_start3A_165 = arith.constant 0 : i32
      %dma_start3A_166 = tpu.memref_slice %arg36[%mul3A_151, %dma_start3A_165] : memref<10112x8xf32, #tpu.memory_space<vmem_shared>> -> memref<48x8xf32, #tpu.memory_space<vmem_shared>>
      tpu.enqueue_dma source(%dma_start3A_166 : memref<48x8xf32, #tpu.memory_space<vmem_shared>>) target(%dma_start3A_164 : memref<48x8xf32, #tpu.memory_space<hbm>>) target_semaphore(%run_scoped3A : memref<!tpu.dma_semaphore, #tpu.memory_space<semaphore_mem>>)
      %dma_wait3A_167 = arith.constant 0 : i32
      %dma_wait3A_168 = tpu.memref_slice %arg20[%arg0, %mul3A_153, %dma_wait3A_167] : memref<2x768x8xf32, #tpu.memory_space<hbm>> -> memref<1x48x8xf32, #tpu.memory_space<hbm>>
      %dma_wait3A_169 = tpu.memref_squeeze %dma_wait3A_168 : memref<1x48x8xf32, #tpu.memory_space<hbm>> -> memref<48x8xf32, #tpu.memory_space<hbm>>
      %dma_wait3A_170 = arith.constant 0 : i32
      %dma_wait3A_171 = tpu.memref_slice %arg36[%mul3A_151, %dma_wait3A_170] : memref<10112x8xf32, #tpu.memory_space<vmem_shared>> -> memref<48x8xf32, #tpu.memory_space<vmem_shared>>
      tpu.wait_dma2 semaphore(%run_scoped3A : memref<!tpu.dma_semaphore, #tpu.memory_space<semaphore_mem>>) src(%dma_wait3A_171 : memref<48x8xf32, #tpu.memory_space<vmem_shared>>) dst(%dma_wait3A_169 : memref<48x8xf32, #tpu.memory_space<hbm>>)
      tpu.yield
    }) : () -> ()
    %mul3A_154 = arith.constant 632 : i32
    %mul3A_155 = arith.muli %arg1, %mul3A_154 : i32
    %mul3A_156 = arith.constant 632 : i32
    %mul3A_157 = arith.muli %arg1, %mul3A_156 : i32
    "tpu.region"() ({
      %run_scoped3A = tpu.sem_alloc : memref<!tpu.dma_semaphore, #tpu.memory_space<semaphore_mem>>
      %dma_start3A_162 = arith.constant 0 : i32
      %dma_start3A_163 = tpu.memref_slice %arg21[%arg0, %mul3A_157, %dma_start3A_162] : memref<2x10112x8xf32, #tpu.memory_space<hbm>> -> memref<1x632x8xf32, #tpu.memory_space<hbm>>
      %dma_start3A_164 = tpu.memref_squeeze %dma_start3A_163 : memref<1x632x8xf32, #tpu.memory_space<hbm>> -> memref<632x8xf32, #tpu.memory_space<hbm>>
      %dma_start3A_165 = arith.constant 0 : i32
      %dma_start3A_166 = tpu.memref_slice %arg35[%mul3A_155, %dma_start3A_165] : memref<10112x8xf32, #tpu.memory_space<vmem_shared>> -> memref<632x8xf32, #tpu.memory_space<vmem_shared>>
      tpu.enqueue_dma source(%dma_start3A_166 : memref<632x8xf32, #tpu.memory_space<vmem_shared>>) target(%dma_start3A_164 : memref<632x8xf32, #tpu.memory_space<hbm>>) target_semaphore(%run_scoped3A : memref<!tpu.dma_semaphore, #tpu.memory_space<semaphore_mem>>)
      %dma_wait3A_167 = arith.constant 0 : i32
      %dma_wait3A_168 = tpu.memref_slice %arg21[%arg0, %mul3A_157, %dma_wait3A_167] : memref<2x10112x8xf32, #tpu.memory_space<hbm>> -> memref<1x632x8xf32, #tpu.memory_space<hbm>>
      %dma_wait3A_169 = tpu.memref_squeeze %dma_wait3A_168 : memref<1x632x8xf32, #tpu.memory_space<hbm>> -> memref<632x8xf32, #tpu.memory_space<hbm>>
      %dma_wait3A_170 = arith.constant 0 : i32
      %dma_wait3A_171 = tpu.memref_slice %arg35[%mul3A_155, %dma_wait3A_170] : memref<10112x8xf32, #tpu.memory_space<vmem_shared>> -> memref<632x8xf32, #tpu.memory_space<vmem_shared>>
      tpu.wait_dma2 semaphore(%run_scoped3A : memref<!tpu.dma_semaphore, #tpu.memory_space<semaphore_mem>>) src(%dma_wait3A_171 : memref<632x8xf32, #tpu.memory_space<vmem_shared>>) dst(%dma_wait3A_169 : memref<632x8xf32, #tpu.memory_space<hbm>>)
      tpu.yield
    }) : () -> ()
    %mul3A_158 = arith.constant 48 : i32
    %mul3A_159 = arith.muli %arg1, %mul3A_158 : i32
    %mul3A_160 = arith.constant 48 : i32
    %mul3A_161 = arith.muli %arg1, %mul3A_160 : i32
    "tpu.region"() ({
      %run_scoped3A = tpu.sem_alloc : memref<!tpu.dma_semaphore, #tpu.memory_space<semaphore_mem>>
      %dma_start3A_162 = arith.constant 0 : i32
      %dma_start3A_163 = tpu.memref_slice %arg22[%arg0, %mul3A_161, %dma_start3A_162] : memref<2x768x8xf32, #tpu.memory_space<hbm>> -> memref<1x48x8xf32, #tpu.memory_space<hbm>>
      %dma_start3A_164 = tpu.memref_squeeze %dma_start3A_163 : memref<1x48x8xf32, #tpu.memory_space<hbm>> -> memref<48x8xf32, #tpu.memory_space<hbm>>
      %dma_start3A_165 = arith.constant 0 : i32
      %dma_start3A_166 = tpu.memref_slice %arg37[%mul3A_159, %dma_start3A_165] : memref<768x8xf32, #tpu.memory_space<vmem_shared>> -> memref<48x8xf32, #tpu.memory_space<vmem_shared>>
      tpu.enqueue_dma source(%dma_start3A_166 : memref<48x8xf32, #tpu.memory_space<vmem_shared>>) target(%dma_start3A_164 : memref<48x8xf32, #tpu.memory_space<hbm>>) target_semaphore(%run_scoped3A : memref<!tpu.dma_semaphore, #tpu.memory_space<semaphore_mem>>)
      %dma_wait3A_167 = arith.constant 0 : i32
      %dma_wait3A_168 = tpu.memref_slice %arg22[%arg0, %mul3A_161, %dma_wait3A_167] : memref<2x768x8xf32, #tpu.memory_space<hbm>> -> memref<1x48x8xf32, #tpu.memory_space<hbm>>
      %dma_wait3A_169 = tpu.memref_squeeze %dma_wait3A_168 : memref<1x48x8xf32, #tpu.memory_space<hbm>> -> memref<48x8xf32, #tpu.memory_space<hbm>>
      %dma_wait3A_170 = arith.constant 0 : i32
      %dma_wait3A_171 = tpu.memref_slice %arg37[%mul3A_159, %dma_wait3A_170] : memref<768x8xf32, #tpu.memory_space<vmem_shared>> -> memref<48x8xf32, #tpu.memory_space<vmem_shared>>
      tpu.wait_dma2 semaphore(%run_scoped3A : memref<!tpu.dma_semaphore, #tpu.memory_space<semaphore_mem>>) src(%dma_wait3A_171 : memref<48x8xf32, #tpu.memory_space<vmem_shared>>) dst(%dma_wait3A_169 : memref<48x8xf32, #tpu.memory_space<hbm>>)
      tpu.yield
    }) : () -> ()
    return
  }
}

module attributes {stable_mosaic.version = 14 : i64} {
  func.func @_tables_body(%arg0: i32, %arg1: memref<48x128xf32, #tpu.memory_space<vmem>>, %arg2: memref<2x48x128xf32, #tpu.memory_space<vmem>>, %arg3: memref<2x48x128xf32, #tpu.memory_space<vmem>>, %arg4: memref<48x128xf32, #tpu.memory_space<vmem>>, %arg5: memref<48x128xf32, #tpu.memory_space<vmem>>) attributes {dimension_semantics = [#tpu.dimension_semantics<arbitrary>], iteration_bounds = array<i64: 1>, scalar_prefetch = 0 : i64, scratch_operands = 0 : i64, tpu.core_type = #tpu.core_type<tc>, window_params = [{transform_indices = @transform_0, window_bounds = array<i64: 48, 128>}, {transform_indices = @transform_1, window_bounds = array<i64: 2, 48, 128>}, {transform_indices = @transform_2, window_bounds = array<i64: 2, 48, 128>}, {transform_indices = @transform_3, window_bounds = array<i64: 48, 128>}, {transform_indices = @transform_4, window_bounds = array<i64: 48, 128>}]} {
    %get3A = arith.constant 0 : index
    %get3A_0 = arith.constant 0 : index
    %get3A_1 = vector.load %arg1[%get3A, %get3A_0] : memref<48x128xf32, #tpu.memory_space<vmem>>, vector<48x128xf32>
    %iota3A = tpu.iota {dimensions = array<i32: 1>} : vector<48x128xi32>
    %jit3A = arith.constant 8 : i32
    %eq3A = arith.constant 0 : i32
    %eq3A_2 = arith.cmpi eq, %jit3A, %eq3A : i32
    %jit3A_3 = arith.constant 1 : i32
    %select_n3A = arith.select %eq3A_2, %jit3A_3, %jit3A : i32
    %rem3A = vector.broadcast %select_n3A : i32 to vector<48x128xi32>
    %rem3A_4 = arith.remsi %iota3A, %rem3A : vector<48x128xi32>
    %ne3A = arith.constant 0 : i32
    %ne3A_5 = vector.broadcast %ne3A : i32 to vector<48x128xi32>
    %ne3A_6 = arith.cmpi ne, %rem3A_4, %ne3A_5 : vector<48x128xi32>
    %lt3A = arith.constant 0 : i32
    %lt3A_7 = vector.broadcast %lt3A : i32 to vector<48x128xi32>
    %lt3A_8 = arith.cmpi slt, %rem3A_4, %lt3A_7 : vector<48x128xi32>
    %lt3A_9 = arith.constant 0 : i32
    %lt3A_10 = arith.cmpi slt, %select_n3A, %lt3A_9 : i32
    %ne3A_11 = vector.broadcast %lt3A_10 : i1 to vector<48x128xi1>
    %ne3A_12 = vector.broadcast %ne3A_11 : vector<48x128xi1> to vector<48x128xi1>
    %ne3A_13 = arith.xori %lt3A_8, %ne3A_12 : vector<48x128xi1>
    %and3A = arith.andi %ne3A_13, %ne3A_6 : vector<48x128xi1>
    %add3A = vector.broadcast %select_n3A : i32 to vector<48x128xi32>
    %add3A_14 = arith.addi %rem3A_4, %add3A : vector<48x128xi32>
    %select_n3A_15 = arith.select %and3A, %add3A_14, %rem3A_4 : vector<48x128xi1>, vector<48x128xi32>
    %lt3A_16 = arith.constant 5 : i32
    %lt3A_17 = vector.broadcast %lt3A_16 : i32 to vector<48x128xi32>
    %lt3A_18 = arith.cmpi slt, %select_n3A_15, %lt3A_17 : vector<48x128xi32>
    %get3A_19 = arith.constant 0 : index
    %get3A_20 = arith.constant 0 : index
    %get3A_21 = arith.constant 0 : index
    %get3A_22 = vector.load %arg2[%get3A_19, %get3A_20, %get3A_21] : memref<2x48x128xf32, #tpu.memory_space<vmem>>, vector<1x48x128xf32>
    %get3A_23 = vector.shape_cast %get3A_22 : vector<1x48x128xf32> to vector<48x128xf32>
    %get3A_24 = arith.constant 1 : index
    %get3A_25 = arith.constant 0 : index
    %get3A_26 = arith.constant 0 : index
    %get3A_27 = vector.load %arg2[%get3A_24, %get3A_25, %get3A_26] : memref<2x48x128xf32, #tpu.memory_space<vmem>>, vector<1x48x128xf32>
    %get3A_28 = vector.shape_cast %get3A_27 : vector<1x48x128xf32> to vector<48x128xf32>
    %add3A_29 = arith.addf %get3A_23, %get3A_28 : vector<48x128xf32>
    %max3A = arith.constant 1.000000e+00 : f32
    %max3A_30 = vector.broadcast %max3A : f32 to vector<48x128xf32>
    %max3A_31 = arith.maximumf %add3A_29, %max3A_30 : vector<48x128xf32>
    %rsqrt3A = math.rsqrt %max3A_31 : vector<48x128xf32>
    %mul3A = arith.mulf %get3A_1, %rsqrt3A : vector<48x128xf32>
    %select_n3A_32 = arith.select %lt3A_18, %mul3A, %get3A_1 : vector<48x128xi1>, vector<48x128xf32>
    %swap3A = arith.constant 0 : index
    %swap3A_33 = arith.constant 0 : index
    %swap3A_34 = vector.load %arg4[%swap3A, %swap3A_33] : memref<48x128xf32, #tpu.memory_space<vmem>>, vector<48x128xf32>
    tpu.vector_store %arg4[%swap3A, %swap3A_33], %select_n3A_32 {strides = array<i32>} : memref<48x128xf32, #tpu.memory_space<vmem>>, vector<48x128xf32>,
    %get3A_35 = arith.constant 0 : index
    %get3A_36 = arith.constant 0 : index
    %get3A_37 = arith.constant 0 : index
    %get3A_38 = vector.load %arg3[%get3A_35, %get3A_36, %get3A_37] : memref<2x48x128xf32, #tpu.memory_space<vmem>>, vector<1x48x128xf32>
    %get3A_39 = vector.shape_cast %get3A_38 : vector<1x48x128xf32> to vector<48x128xf32>
    %get3A_40 = arith.constant 1 : index
    %get3A_41 = arith.constant 0 : index
    %get3A_42 = arith.constant 0 : index
    %get3A_43 = vector.load %arg3[%get3A_40, %get3A_41, %get3A_42] : memref<2x48x128xf32, #tpu.memory_space<vmem>>, vector<1x48x128xf32>
    %get3A_44 = vector.shape_cast %get3A_43 : vector<1x48x128xf32> to vector<48x128xf32>
    %add3A_45 = arith.addf %get3A_39, %get3A_44 : vector<48x128xf32>
    %max3A_46 = arith.constant 1.000000e+00 : f32
    %max3A_47 = vector.broadcast %max3A_46 : f32 to vector<48x128xf32>
    %max3A_48 = arith.maximumf %add3A_45, %max3A_47 : vector<48x128xf32>
    %rsqrt3A_49 = math.rsqrt %max3A_48 : vector<48x128xf32>
    %mul3A_50 = arith.mulf %get3A_1, %rsqrt3A_49 : vector<48x128xf32>
    %select_n3A_51 = arith.select %lt3A_18, %mul3A_50, %get3A_1 : vector<48x128xi1>, vector<48x128xf32>
    %swap3A_52 = arith.constant 0 : index
    %swap3A_53 = arith.constant 0 : index
    %swap3A_54 = vector.load %arg5[%swap3A_52, %swap3A_53] : memref<48x128xf32, #tpu.memory_space<vmem>>, vector<48x128xf32>
    tpu.vector_store %arg5[%swap3A_52, %swap3A_53], %select_n3A_51 {strides = array<i32>} : memref<48x128xf32, #tpu.memory_space<vmem>>, vector<48x128xf32>,
    return
  }
  func.func @transform_0(%arg0: i32) -> (i32, i32) {
    %c0_i32 = arith.constant 0 : i32
    %c0_i32_0 = arith.constant 0 : i32
    return %arg0, %c0_i32 : i32, i32
  }
  func.func @transform_1(%arg0: i32) -> (i32, i32, i32) {
    %c0_i32 = arith.constant 0 : i32
    %c0_i32_0 = arith.constant 0 : i32
    %c0_i32_1 = arith.constant 0 : i32
    return %c0_i32, %arg0, %c0_i32_0 : i32, i32, i32
  }
  func.func @transform_2(%arg0: i32) -> (i32, i32, i32) {
    %c0_i32 = arith.constant 0 : i32
    %c0_i32_0 = arith.constant 0 : i32
    %c0_i32_1 = arith.constant 0 : i32
    return %c0_i32, %arg0, %c0_i32_0 : i32, i32, i32
  }
  func.func @transform_3(%arg0: i32) -> (i32, i32) {
    %c0_i32 = arith.constant 0 : i32
    %c0_i32_0 = arith.constant 0 : i32
    return %arg0, %c0_i32 : i32, i32
  }
  func.func @transform_4(%arg0: i32) -> (i32, i32) {
    %c0_i32 = arith.constant 0 : i32
    %c0_i32_0 = arith.constant 0 : i32
    return %arg0, %c0_i32 : i32, i32
  }
}

module attributes {stable_mosaic.version = 14 : i64} {
  func.func @_tables_body(%arg0: i32, %arg1: memref<3128x128xf32, #tpu.memory_space<vmem>>, %arg2: memref<2x3128x128xf32, #tpu.memory_space<vmem>>, %arg3: memref<2x3128x128xf32, #tpu.memory_space<vmem>>, %arg4: memref<2x3128x128xf32, #tpu.memory_space<vmem>>, %arg5: memref<3128x128xf32, #tpu.memory_space<vmem>>, %arg6: memref<3128x128xf32, #tpu.memory_space<vmem>>, %arg7: memref<3128x128xf32, #tpu.memory_space<vmem>>) attributes {dimension_semantics = [#tpu.dimension_semantics<arbitrary>], iteration_bounds = array<i64: 2>, scalar_prefetch = 0 : i64, scratch_operands = 0 : i64, tpu.core_type = #tpu.core_type<tc>, window_params = [{transform_indices = @transform_0, window_bounds = array<i64: 3128, 128>}, {transform_indices = @transform_1, window_bounds = array<i64: 2, 3128, 128>}, {transform_indices = @transform_2, window_bounds = array<i64: 2, 3128, 128>}, {transform_indices = @transform_3, window_bounds = array<i64: 2, 3128, 128>}, {transform_indices = @transform_4, window_bounds = array<i64: 3128, 128>}, {transform_indices = @transform_5, window_bounds = array<i64: 3128, 128>}, {transform_indices = @transform_6, window_bounds = array<i64: 3128, 128>}]} {
    %get3A = arith.constant 0 : index
    %get3A_0 = arith.constant 0 : index
    %get3A_1 = vector.load %arg1[%get3A, %get3A_0] : memref<3128x128xf32, #tpu.memory_space<vmem>>, vector<3128x128xf32>
    %iota3A = tpu.iota {dimensions = array<i32: 1>} : vector<3128x128xi32>
    %jit3A = arith.constant 8 : i32
    %eq3A = arith.constant 0 : i32
    %eq3A_2 = arith.cmpi eq, %jit3A, %eq3A : i32
    %jit3A_3 = arith.constant 1 : i32
    %select_n3A = arith.select %eq3A_2, %jit3A_3, %jit3A : i32
    %rem3A = vector.broadcast %select_n3A : i32 to vector<3128x128xi32>
    %rem3A_4 = arith.remsi %iota3A, %rem3A : vector<3128x128xi32>
    %ne3A = arith.constant 0 : i32
    %ne3A_5 = vector.broadcast %ne3A : i32 to vector<3128x128xi32>
    %ne3A_6 = arith.cmpi ne, %rem3A_4, %ne3A_5 : vector<3128x128xi32>
    %lt3A = arith.constant 0 : i32
    %lt3A_7 = vector.broadcast %lt3A : i32 to vector<3128x128xi32>
    %lt3A_8 = arith.cmpi slt, %rem3A_4, %lt3A_7 : vector<3128x128xi32>
    %lt3A_9 = arith.constant 0 : i32
    %lt3A_10 = arith.cmpi slt, %select_n3A, %lt3A_9 : i32
    %ne3A_11 = vector.broadcast %lt3A_10 : i1 to vector<3128x128xi1>
    %ne3A_12 = vector.broadcast %ne3A_11 : vector<3128x128xi1> to vector<3128x128xi1>
    %ne3A_13 = arith.xori %lt3A_8, %ne3A_12 : vector<3128x128xi1>
    %and3A = arith.andi %ne3A_13, %ne3A_6 : vector<3128x128xi1>
    %add3A = vector.broadcast %select_n3A : i32 to vector<3128x128xi32>
    %add3A_14 = arith.addi %rem3A_4, %add3A : vector<3128x128xi32>
    %select_n3A_15 = arith.select %and3A, %add3A_14, %rem3A_4 : vector<3128x128xi1>, vector<3128x128xi32>
    %lt3A_16 = arith.constant 5 : i32
    %lt3A_17 = vector.broadcast %lt3A_16 : i32 to vector<3128x128xi32>
    %lt3A_18 = arith.cmpi slt, %select_n3A_15, %lt3A_17 : vector<3128x128xi32>
    %get3A_19 = arith.constant 0 : index
    %get3A_20 = arith.constant 0 : index
    %get3A_21 = arith.constant 0 : index
    %get3A_22 = vector.load %arg2[%get3A_19, %get3A_20, %get3A_21] : memref<2x3128x128xf32, #tpu.memory_space<vmem>>, vector<1x3128x128xf32>
    %get3A_23 = vector.shape_cast %get3A_22 : vector<1x3128x128xf32> to vector<3128x128xf32>
    %get3A_24 = arith.constant 1 : index
    %get3A_25 = arith.constant 0 : index
    %get3A_26 = arith.constant 0 : index
    %get3A_27 = vector.load %arg2[%get3A_24, %get3A_25, %get3A_26] : memref<2x3128x128xf32, #tpu.memory_space<vmem>>, vector<1x3128x128xf32>
    %get3A_28 = vector.shape_cast %get3A_27 : vector<1x3128x128xf32> to vector<3128x128xf32>
    %add3A_29 = arith.addf %get3A_23, %get3A_28 : vector<3128x128xf32>
    %max3A = arith.constant 1.000000e+00 : f32
    %max3A_30 = vector.broadcast %max3A : f32 to vector<3128x128xf32>
    %max3A_31 = arith.maximumf %add3A_29, %max3A_30 : vector<3128x128xf32>
    %rsqrt3A = math.rsqrt %max3A_31 : vector<3128x128xf32>
    %mul3A = arith.mulf %get3A_1, %rsqrt3A : vector<3128x128xf32>
    %select_n3A_32 = arith.select %lt3A_18, %mul3A, %get3A_1 : vector<3128x128xi1>, vector<3128x128xf32>
    %swap3A = arith.constant 0 : index
    %swap3A_33 = arith.constant 0 : index
    %swap3A_34 = vector.load %arg5[%swap3A, %swap3A_33] : memref<3128x128xf32, #tpu.memory_space<vmem>>, vector<3128x128xf32>
    tpu.vector_store %arg5[%swap3A, %swap3A_33], %select_n3A_32 {strides = array<i32>} : memref<3128x128xf32, #tpu.memory_space<vmem>>, vector<3128x128xf32>,
    %get3A_35 = arith.constant 0 : index
    %get3A_36 = arith.constant 0 : index
    %get3A_37 = arith.constant 0 : index
    %get3A_38 = vector.load %arg3[%get3A_35, %get3A_36, %get3A_37] : memref<2x3128x128xf32, #tpu.memory_space<vmem>>, vector<1x3128x128xf32>
    %get3A_39 = vector.shape_cast %get3A_38 : vector<1x3128x128xf32> to vector<3128x128xf32>
    %get3A_40 = arith.constant 1 : index
    %get3A_41 = arith.constant 0 : index
    %get3A_42 = arith.constant 0 : index
    %get3A_43 = vector.load %arg3[%get3A_40, %get3A_41, %get3A_42] : memref<2x3128x128xf32, #tpu.memory_space<vmem>>, vector<1x3128x128xf32>
    %get3A_44 = vector.shape_cast %get3A_43 : vector<1x3128x128xf32> to vector<3128x128xf32>
    %add3A_45 = arith.addf %get3A_39, %get3A_44 : vector<3128x128xf32>
    %max3A_46 = arith.constant 1.000000e+00 : f32
    %max3A_47 = vector.broadcast %max3A_46 : f32 to vector<3128x128xf32>
    %max3A_48 = arith.maximumf %add3A_45, %max3A_47 : vector<3128x128xf32>
    %rsqrt3A_49 = math.rsqrt %max3A_48 : vector<3128x128xf32>
    %mul3A_50 = arith.mulf %get3A_1, %rsqrt3A_49 : vector<3128x128xf32>
    %select_n3A_51 = arith.select %lt3A_18, %mul3A_50, %get3A_1 : vector<3128x128xi1>, vector<3128x128xf32>
    %swap3A_52 = arith.constant 0 : index
    %swap3A_53 = arith.constant 0 : index
    %swap3A_54 = vector.load %arg6[%swap3A_52, %swap3A_53] : memref<3128x128xf32, #tpu.memory_space<vmem>>, vector<3128x128xf32>
    tpu.vector_store %arg6[%swap3A_52, %swap3A_53], %select_n3A_51 {strides = array<i32>} : memref<3128x128xf32, #tpu.memory_space<vmem>>, vector<3128x128xf32>,
    %get3A_55 = arith.constant 0 : index
    %get3A_56 = arith.constant 0 : index
    %get3A_57 = arith.constant 0 : index
    %get3A_58 = vector.load %arg4[%get3A_55, %get3A_56, %get3A_57] : memref<2x3128x128xf32, #tpu.memory_space<vmem>>, vector<1x3128x128xf32>
    %get3A_59 = vector.shape_cast %get3A_58 : vector<1x3128x128xf32> to vector<3128x128xf32>
    %get3A_60 = arith.constant 1 : index
    %get3A_61 = arith.constant 0 : index
    %get3A_62 = arith.constant 0 : index
    %get3A_63 = vector.load %arg4[%get3A_60, %get3A_61, %get3A_62] : memref<2x3128x128xf32, #tpu.memory_space<vmem>>, vector<1x3128x128xf32>
    %get3A_64 = vector.shape_cast %get3A_63 : vector<1x3128x128xf32> to vector<3128x128xf32>
    %add3A_65 = arith.addf %get3A_59, %get3A_64 : vector<3128x128xf32>
    %max3A_66 = arith.constant 1.000000e+00 : f32
    %max3A_67 = vector.broadcast %max3A_66 : f32 to vector<3128x128xf32>
    %max3A_68 = arith.maximumf %add3A_65, %max3A_67 : vector<3128x128xf32>
    %rsqrt3A_69 = math.rsqrt %max3A_68 : vector<3128x128xf32>
    %mul3A_70 = arith.mulf %get3A_1, %rsqrt3A_69 : vector<3128x128xf32>
    %select_n3A_71 = arith.select %lt3A_18, %mul3A_70, %get3A_1 : vector<3128x128xi1>, vector<3128x128xf32>
    %swap3A_72 = arith.constant 0 : index
    %swap3A_73 = arith.constant 0 : index
    %swap3A_74 = vector.load %arg7[%swap3A_72, %swap3A_73] : memref<3128x128xf32, #tpu.memory_space<vmem>>, vector<3128x128xf32>
    tpu.vector_store %arg7[%swap3A_72, %swap3A_73], %select_n3A_71 {strides = array<i32>} : memref<3128x128xf32, #tpu.memory_space<vmem>>, vector<3128x128xf32>,
    return
  }
  func.func @transform_0(%arg0: i32) -> (i32, i32) {
    %c0_i32 = arith.constant 0 : i32
    %c0_i32_0 = arith.constant 0 : i32
    return %arg0, %c0_i32 : i32, i32
  }
  func.func @transform_1(%arg0: i32) -> (i32, i32, i32) {
    %c0_i32 = arith.constant 0 : i32
    %c0_i32_0 = arith.constant 0 : i32
    %c0_i32_1 = arith.constant 0 : i32
    return %c0_i32, %arg0, %c0_i32_0 : i32, i32, i32
  }
  func.func @transform_2(%arg0: i32) -> (i32, i32, i32) {
    %c0_i32 = arith.constant 0 : i32
    %c0_i32_0 = arith.constant 0 : i32
    %c0_i32_1 = arith.constant 0 : i32
    return %c0_i32, %arg0, %c0_i32_0 : i32, i32, i32
  }
  func.func @transform_3(%arg0: i32) -> (i32, i32, i32) {
    %c0_i32 = arith.constant 0 : i32
    %c0_i32_0 = arith.constant 0 : i32
    %c0_i32_1 = arith.constant 0 : i32
    return %c0_i32, %arg0, %c0_i32_0 : i32, i32, i32
  }
  func.func @transform_4(%arg0: i32) -> (i32, i32) {
    %c0_i32 = arith.constant 0 : i32
    %c0_i32_0 = arith.constant 0 : i32
    return %arg0, %c0_i32 : i32, i32
  }
  func.func @transform_5(%arg0: i32) -> (i32, i32) {
    %c0_i32 = arith.constant 0 : i32
    %c0_i32_0 = arith.constant 0 : i32
    return %arg0, %c0_i32 : i32, i32
  }
  func.func @transform_6(%arg0: i32) -> (i32, i32) {
    %c0_i32 = arith.constant 0 : i32
    %c0_i32_0 = arith.constant 0 : i32
    return %arg0, %c0_i32 : i32, i32
  }
}

module attributes {stable_mosaic.version = 14 : i64} {
  func.func @_post_body(%arg0: i32, %arg1: memref<128x128xf32, #tpu.memory_space<vmem>>, %arg2: memref<2x632x128xf32, #tpu.memory_space<vmem>>, %arg3: memref<2x632x128xf32, #tpu.memory_space<vmem>>, %arg4: memref<128x128xf32, #tpu.memory_space<vmem>>, %arg5: memref<128x128xf32, #tpu.memory_space<vmem>>, %arg6: memref<1x128xf32, #tpu.memory_space<vmem>>, %arg7: memref<1x128xf32, #tpu.memory_space<vmem>>, %arg8: memref<632x128xf32, #tpu.memory_space<vmem>>) attributes {dimension_semantics = [#tpu.dimension_semantics<arbitrary>], iteration_bounds = array<i64: 1>, scalar_prefetch = 0 : i64, scratch_operands = 0 : i64, tpu.core_type = #tpu.core_type<tc>, window_params = [{pipeline_mode = #tpu.pipeline_mode<synchronous>, transform_indices = @transform_0, window_bounds = array<i64: 128, 128>}, {transform_indices = @transform_1, window_bounds = array<i64: 2, 632, 128>}, {transform_indices = @transform_2, window_bounds = array<i64: 2, 632, 128>}, {pipeline_mode = #tpu.pipeline_mode<synchronous>, transform_indices = @transform_3, window_bounds = array<i64: 128, 128>}, {pipeline_mode = #tpu.pipeline_mode<synchronous>, transform_indices = @transform_4, window_bounds = array<i64: 128, 128>}, {pipeline_mode = #tpu.pipeline_mode<synchronous>, transform_indices = @transform_5, window_bounds = array<i64: 1, 128>}, {pipeline_mode = #tpu.pipeline_mode<synchronous>, transform_indices = @transform_6, window_bounds = array<i64: 1, 128>}, {transform_indices = @transform_7, window_bounds = array<i64: 632, 128>}]} {
    %get3A = arith.constant 0 : index
    %get3A_0 = arith.constant 0 : index
    %get3A_1 = arith.constant 0 : index
    %get3A_2 = vector.load %arg2[%get3A, %get3A_0, %get3A_1] : memref<2x632x128xf32, #tpu.memory_space<vmem>>, vector<1x632x128xf32>
    %get3A_3 = vector.shape_cast %get3A_2 : vector<1x632x128xf32> to vector<632x128xf32>
    %get3A_4 = arith.constant 1 : index
    %get3A_5 = arith.constant 0 : index
    %get3A_6 = arith.constant 0 : index
    %get3A_7 = vector.load %arg2[%get3A_4, %get3A_5, %get3A_6] : memref<2x632x128xf32, #tpu.memory_space<vmem>>, vector<1x632x128xf32>
    %get3A_8 = vector.shape_cast %get3A_7 : vector<1x632x128xf32> to vector<632x128xf32>
    %add3A = arith.addf %get3A_3, %get3A_8 : vector<632x128xf32>
    %get3A_9 = arith.constant 0 : index
    %get3A_10 = arith.constant 0 : index
    %get3A_11 = vector.load %arg1[%get3A_9, %get3A_10] : memref<128x128xf32, #tpu.memory_space<vmem>>, vector<128x128xf32>
    %dot_general3A = arith.constant dense<0.000000e+00> : vector<632x128xf32>
    %dot_general3A_12 = tpu.matmul %add3A, %get3A_11, %dot_general3A {dimension_numbers = #tpu.dot_dimension_numbers<[1], [0], [0], [1], [0, 0, 1, 1], [], []>, transpose_lhs_hint = false} : vector<632x128xf32>, vector<128x128xf32>, vector<632x128xf32> -> vector<632x128xf32>
    %max3A = arith.constant 1.000000e+00 : f32
    %max3A_13 = vector.broadcast %max3A : f32 to vector<632x128xf32>
    %max3A_14 = arith.maximumf %dot_general3A_12, %max3A_13 : vector<632x128xf32>
    %rsqrt3A = math.rsqrt %max3A_14 : vector<632x128xf32>
    %mul3A = arith.mulf %add3A, %rsqrt3A : vector<632x128xf32>
    %get3A_15 = arith.constant 0 : index
    %get3A_16 = arith.constant 0 : index
    %get3A_17 = vector.load %arg4[%get3A_15, %get3A_16] : memref<128x128xf32, #tpu.memory_space<vmem>>, vector<128x128xf32>
    %dot_general3A_18 = arith.constant dense<0.000000e+00> : vector<632x128xf32>
    %dot_general3A_19 = tpu.matmul %mul3A, %get3A_17, %dot_general3A_18 {dimension_numbers = #tpu.dot_dimension_numbers<[1], [0], [0], [1], [0, 0, 1, 1], [], []>, transpose_lhs_hint = false} : vector<632x128xf32>, vector<128x128xf32>, vector<632x128xf32> -> vector<632x128xf32>
    %get3A_20 = arith.constant 0 : index
    %get3A_21 = arith.constant 0 : index
    %get3A_22 = vector.load %arg6[%get3A_20, %get3A_21] : memref<1x128xf32, #tpu.memory_space<vmem>>, vector<1x128xf32>
    %add3A_23 = vector.broadcast %get3A_22 : vector<1x128xf32> to vector<632x128xf32>
    %add3A_24 = arith.addf %dot_general3A_19, %add3A_23 : vector<632x128xf32>
    %get3A_25 = arith.constant 0 : index
    %get3A_26 = arith.constant 0 : index
    %get3A_27 = arith.constant 0 : index
    %get3A_28 = vector.load %arg3[%get3A_25, %get3A_26, %get3A_27] : memref<2x632x128xf32, #tpu.memory_space<vmem>>, vector<1x632x128xf32>
    %get3A_29 = vector.shape_cast %get3A_28 : vector<1x632x128xf32> to vector<632x128xf32>
    %get3A_30 = arith.constant 1 : index
    %get3A_31 = arith.constant 0 : index
    %get3A_32 = arith.constant 0 : index
    %get3A_33 = vector.load %arg3[%get3A_30, %get3A_31, %get3A_32] : memref<2x632x128xf32, #tpu.memory_space<vmem>>, vector<1x632x128xf32>
    %get3A_34 = vector.shape_cast %get3A_33 : vector<1x632x128xf32> to vector<632x128xf32>
    %add3A_35 = arith.addf %get3A_29, %get3A_34 : vector<632x128xf32>
    %get3A_36 = arith.constant 0 : index
    %get3A_37 = arith.constant 0 : index
    %get3A_38 = vector.load %arg1[%get3A_36, %get3A_37] : memref<128x128xf32, #tpu.memory_space<vmem>>, vector<128x128xf32>
    %dot_general3A_39 = arith.constant dense<0.000000e+00> : vector<632x128xf32>
    %dot_general3A_40 = tpu.matmul %add3A_35, %get3A_38, %dot_general3A_39 {dimension_numbers = #tpu.dot_dimension_numbers<[1], [0], [0], [1], [0, 0, 1, 1], [], []>, transpose_lhs_hint = false} : vector<632x128xf32>, vector<128x128xf32>, vector<632x128xf32> -> vector<632x128xf32>
    %max3A_41 = arith.constant 1.000000e+00 : f32
    %max3A_42 = vector.broadcast %max3A_41 : f32 to vector<632x128xf32>
    %max3A_43 = arith.maximumf %dot_general3A_40, %max3A_42 : vector<632x128xf32>
    %rsqrt3A_44 = math.rsqrt %max3A_43 : vector<632x128xf32>
    %mul3A_45 = arith.mulf %add3A_35, %rsqrt3A_44 : vector<632x128xf32>
    %get3A_46 = arith.constant 0 : index
    %get3A_47 = arith.constant 0 : index
    %get3A_48 = vector.load %arg5[%get3A_46, %get3A_47] : memref<128x128xf32, #tpu.memory_space<vmem>>, vector<128x128xf32>
    %dot_general3A_49 = arith.constant dense<0.000000e+00> : vector<632x128xf32>
    %dot_general3A_50 = tpu.matmul %mul3A_45, %get3A_48, %dot_general3A_49 {dimension_numbers = #tpu.dot_dimension_numbers<[1], [0], [0], [1], [0, 0, 1, 1], [], []>, transpose_lhs_hint = false} : vector<632x128xf32>, vector<128x128xf32>, vector<632x128xf32> -> vector<632x128xf32>
    %get3A_51 = arith.constant 0 : index
    %get3A_52 = arith.constant 0 : index
    %get3A_53 = vector.load %arg7[%get3A_51, %get3A_52] : memref<1x128xf32, #tpu.memory_space<vmem>>, vector<1x128xf32>
    %add3A_54 = vector.broadcast %get3A_53 : vector<1x128xf32> to vector<632x128xf32>
    %add3A_55 = arith.addf %dot_general3A_50, %add3A_54 : vector<632x128xf32>
    %add3A_56 = arith.addf %add3A_24, %add3A_55 : vector<632x128xf32>
    %swap3A = arith.constant 0 : index
    %swap3A_57 = arith.constant 0 : index
    %swap3A_58 = vector.load %arg8[%swap3A, %swap3A_57] : memref<632x128xf32, #tpu.memory_space<vmem>>, vector<632x128xf32>
    tpu.vector_store %arg8[%swap3A, %swap3A_57], %add3A_56 {strides = array<i32>} : memref<632x128xf32, #tpu.memory_space<vmem>>, vector<632x128xf32>,
    return
  }
  func.func @transform_0(%arg0: i32) -> (i32, i32) {
    %c0_i32 = arith.constant 0 : i32
    %c0_i32_0 = arith.constant 0 : i32
    %c0_i32_1 = arith.constant 0 : i32
    return %c0_i32, %c0_i32_0 : i32, i32
  }
  func.func @transform_1(%arg0: i32) -> (i32, i32, i32) {
    %c0_i32 = arith.constant 0 : i32
    %c0_i32_0 = arith.constant 0 : i32
    %c0_i32_1 = arith.constant 0 : i32
    return %c0_i32, %arg0, %c0_i32_0 : i32, i32, i32
  }
  func.func @transform_2(%arg0: i32) -> (i32, i32, i32) {
    %c0_i32 = arith.constant 0 : i32
    %c0_i32_0 = arith.constant 0 : i32
    %c0_i32_1 = arith.constant 0 : i32
    return %c0_i32, %arg0, %c0_i32_0 : i32, i32, i32
  }
  func.func @transform_3(%arg0: i32) -> (i32, i32) {
    %c0_i32 = arith.constant 0 : i32
    %c0_i32_0 = arith.constant 0 : i32
    %c0_i32_1 = arith.constant 0 : i32
    return %c0_i32, %c0_i32_0 : i32, i32
  }
  func.func @transform_4(%arg0: i32) -> (i32, i32) {
    %c0_i32 = arith.constant 0 : i32
    %c0_i32_0 = arith.constant 0 : i32
    %c0_i32_1 = arith.constant 0 : i32
    return %c0_i32, %c0_i32_0 : i32, i32
  }
  func.func @transform_5(%arg0: i32) -> (i32, i32) {
    %c0_i32 = arith.constant 0 : i32
    %c0_i32_0 = arith.constant 0 : i32
    %c0_i32_1 = arith.constant 0 : i32
    return %c0_i32, %c0_i32_0 : i32, i32
  }
  func.func @transform_6(%arg0: i32) -> (i32, i32) {
    %c0_i32 = arith.constant 0 : i32
    %c0_i32_0 = arith.constant 0 : i32
    %c0_i32_1 = arith.constant 0 : i32
    return %c0_i32, %c0_i32_0 : i32, i32
  }
  func.func @transform_7(%arg0: i32) -> (i32, i32) {
    %c0_i32 = arith.constant 0 : i32
    %c0_i32_0 = arith.constant 0 : i32
    return %arg0, %c0_i32 : i32, i32
  }
}

module attributes {stable_mosaic.version = 14 : i64} {
  func.func @_post_body(%arg0: i32, %arg1: memref<128x128xf32, #tpu.memory_space<vmem>>, %arg2: memref<2x3128x128xf32, #tpu.memory_space<vmem>>, %arg3: memref<128x128xf32, #tpu.memory_space<vmem>>, %arg4: memref<1x128xf32, #tpu.memory_space<vmem>>, %arg5: memref<3128x128xf32, #tpu.memory_space<vmem>>) attributes {dimension_semantics = [#tpu.dimension_semantics<arbitrary>], iteration_bounds = array<i64: 2>, scalar_prefetch = 0 : i64, scratch_operands = 0 : i64, tpu.core_type = #tpu.core_type<tc>, window_params = [{pipeline_mode = #tpu.pipeline_mode<synchronous>, transform_indices = @transform_0, window_bounds = array<i64: 128, 128>}, {transform_indices = @transform_1, window_bounds = array<i64: 2, 3128, 128>}, {pipeline_mode = #tpu.pipeline_mode<synchronous>, transform_indices = @transform_2, window_bounds = array<i64: 128, 128>}, {pipeline_mode = #tpu.pipeline_mode<synchronous>, transform_indices = @transform_3, window_bounds = array<i64: 1, 128>}, {transform_indices = @transform_4, window_bounds = array<i64: 3128, 128>}]} {
    %get3A = arith.constant 0 : index
    %get3A_0 = arith.constant 0 : index
    %get3A_1 = arith.constant 0 : index
    %get3A_2 = vector.load %arg2[%get3A, %get3A_0, %get3A_1] : memref<2x3128x128xf32, #tpu.memory_space<vmem>>, vector<1x3128x128xf32>
    %get3A_3 = vector.shape_cast %get3A_2 : vector<1x3128x128xf32> to vector<3128x128xf32>
    %get3A_4 = arith.constant 1 : index
    %get3A_5 = arith.constant 0 : index
    %get3A_6 = arith.constant 0 : index
    %get3A_7 = vector.load %arg2[%get3A_4, %get3A_5, %get3A_6] : memref<2x3128x128xf32, #tpu.memory_space<vmem>>, vector<1x3128x128xf32>
    %get3A_8 = vector.shape_cast %get3A_7 : vector<1x3128x128xf32> to vector<3128x128xf32>
    %add3A = arith.addf %get3A_3, %get3A_8 : vector<3128x128xf32>
    %get3A_9 = arith.constant 0 : index
    %get3A_10 = arith.constant 0 : index
    %get3A_11 = vector.load %arg1[%get3A_9, %get3A_10] : memref<128x128xf32, #tpu.memory_space<vmem>>, vector<128x128xf32>
    %dot_general3A = arith.constant dense<0.000000e+00> : vector<3128x128xf32>
    %dot_general3A_12 = tpu.matmul %add3A, %get3A_11, %dot_general3A {dimension_numbers = #tpu.dot_dimension_numbers<[1], [0], [0], [1], [0, 0, 1, 1], [], []>, transpose_lhs_hint = false} : vector<3128x128xf32>, vector<128x128xf32>, vector<3128x128xf32> -> vector<3128x128xf32>
    %max3A = arith.constant 1.000000e+00 : f32
    %max3A_13 = vector.broadcast %max3A : f32 to vector<3128x128xf32>
    %max3A_14 = arith.maximumf %dot_general3A_12, %max3A_13 : vector<3128x128xf32>
    %rsqrt3A = math.rsqrt %max3A_14 : vector<3128x128xf32>
    %mul3A = arith.mulf %add3A, %rsqrt3A : vector<3128x128xf32>
    %get3A_15 = arith.constant 0 : index
    %get3A_16 = arith.constant 0 : index
    %get3A_17 = vector.load %arg3[%get3A_15, %get3A_16] : memref<128x128xf32, #tpu.memory_space<vmem>>, vector<128x128xf32>
    %dot_general3A_18 = arith.constant dense<0.000000e+00> : vector<3128x128xf32>
    %dot_general3A_19 = tpu.matmul %mul3A, %get3A_17, %dot_general3A_18 {dimension_numbers = #tpu.dot_dimension_numbers<[1], [0], [0], [1], [0, 0, 1, 1], [], []>, transpose_lhs_hint = false} : vector<3128x128xf32>, vector<128x128xf32>, vector<3128x128xf32> -> vector<3128x128xf32>
    %get3A_20 = arith.constant 0 : index
    %get3A_21 = arith.constant 0 : index
    %get3A_22 = vector.load %arg4[%get3A_20, %get3A_21] : memref<1x128xf32, #tpu.memory_space<vmem>>, vector<1x128xf32>
    %add3A_23 = vector.broadcast %get3A_22 : vector<1x128xf32> to vector<3128x128xf32>
    %add3A_24 = arith.addf %dot_general3A_19, %add3A_23 : vector<3128x128xf32>
    %swap3A = arith.constant 0 : index
    %swap3A_25 = arith.constant 0 : index
    %swap3A_26 = vector.load %arg5[%swap3A, %swap3A_25] : memref<3128x128xf32, #tpu.memory_space<vmem>>, vector<3128x128xf32>
    tpu.vector_store %arg5[%swap3A, %swap3A_25], %add3A_24 {strides = array<i32>} : memref<3128x128xf32, #tpu.memory_space<vmem>>, vector<3128x128xf32>,
    return
  }
  func.func @transform_0(%arg0: i32) -> (i32, i32) {
    %c0_i32 = arith.constant 0 : i32
    %c0_i32_0 = arith.constant 0 : i32
    %c0_i32_1 = arith.constant 0 : i32
    return %c0_i32, %c0_i32_0 : i32, i32
  }
  func.func @transform_1(%arg0: i32) -> (i32, i32, i32) {
    %c0_i32 = arith.constant 0 : i32
    %c0_i32_0 = arith.constant 0 : i32
    %c0_i32_1 = arith.constant 0 : i32
    return %c0_i32, %arg0, %c0_i32_0 : i32, i32, i32
  }
  func.func @transform_2(%arg0: i32) -> (i32, i32) {
    %c0_i32 = arith.constant 0 : i32
    %c0_i32_0 = arith.constant 0 : i32
    %c0_i32_1 = arith.constant 0 : i32
    return %c0_i32, %c0_i32_0 : i32, i32
  }
  func.func @transform_3(%arg0: i32) -> (i32, i32) {
    %c0_i32 = arith.constant 0 : i32
    %c0_i32_0 = arith.constant 0 : i32
    %c0_i32_1 = arith.constant 0 : i32
    return %c0_i32, %c0_i32_0 : i32, i32
  }
  func.func @transform_4(%arg0: i32) -> (i32, i32) {
    %c0_i32 = arith.constant 0 : i32
    %c0_i32_0 = arith.constant 0 : i32
    return %arg0, %c0_i32 : i32, i32
  }
}

module attributes {stable_mosaic.version = 14 : i64} {
  func.func @_post_body(%arg0: i32, %arg1: memref<128x128xf32, #tpu.memory_space<vmem>>, %arg2: memref<2x48x128xf32, #tpu.memory_space<vmem>>, %arg3: memref<2x48x128xf32, #tpu.memory_space<vmem>>, %arg4: memref<128x128xf32, #tpu.memory_space<vmem>>, %arg5: memref<128x128xf32, #tpu.memory_space<vmem>>, %arg6: memref<1x128xf32, #tpu.memory_space<vmem>>, %arg7: memref<1x128xf32, #tpu.memory_space<vmem>>, %arg8: memref<48x128xf32, #tpu.memory_space<vmem>>) attributes {dimension_semantics = [#tpu.dimension_semantics<arbitrary>], iteration_bounds = array<i64: 1>, scalar_prefetch = 0 : i64, scratch_operands = 0 : i64, tpu.core_type = #tpu.core_type<tc>, window_params = [{pipeline_mode = #tpu.pipeline_mode<synchronous>, transform_indices = @transform_0, window_bounds = array<i64: 128, 128>}, {transform_indices = @transform_1, window_bounds = array<i64: 2, 48, 128>}, {transform_indices = @transform_2, window_bounds = array<i64: 2, 48, 128>}, {pipeline_mode = #tpu.pipeline_mode<synchronous>, transform_indices = @transform_3, window_bounds = array<i64: 128, 128>}, {pipeline_mode = #tpu.pipeline_mode<synchronous>, transform_indices = @transform_4, window_bounds = array<i64: 128, 128>}, {pipeline_mode = #tpu.pipeline_mode<synchronous>, transform_indices = @transform_5, window_bounds = array<i64: 1, 128>}, {pipeline_mode = #tpu.pipeline_mode<synchronous>, transform_indices = @transform_6, window_bounds = array<i64: 1, 128>}, {transform_indices = @transform_7, window_bounds = array<i64: 48, 128>}]} {
    %get3A = arith.constant 0 : index
    %get3A_0 = arith.constant 0 : index
    %get3A_1 = arith.constant 0 : index
    %get3A_2 = vector.load %arg2[%get3A, %get3A_0, %get3A_1] : memref<2x48x128xf32, #tpu.memory_space<vmem>>, vector<1x48x128xf32>
    %get3A_3 = vector.shape_cast %get3A_2 : vector<1x48x128xf32> to vector<48x128xf32>
    %get3A_4 = arith.constant 1 : index
    %get3A_5 = arith.constant 0 : index
    %get3A_6 = arith.constant 0 : index
    %get3A_7 = vector.load %arg2[%get3A_4, %get3A_5, %get3A_6] : memref<2x48x128xf32, #tpu.memory_space<vmem>>, vector<1x48x128xf32>
    %get3A_8 = vector.shape_cast %get3A_7 : vector<1x48x128xf32> to vector<48x128xf32>
    %add3A = arith.addf %get3A_3, %get3A_8 : vector<48x128xf32>
    %get3A_9 = arith.constant 0 : index
    %get3A_10 = arith.constant 0 : index
    %get3A_11 = vector.load %arg1[%get3A_9, %get3A_10] : memref<128x128xf32, #tpu.memory_space<vmem>>, vector<128x128xf32>
    %dot_general3A = arith.constant dense<0.000000e+00> : vector<48x128xf32>
    %dot_general3A_12 = tpu.matmul %add3A, %get3A_11, %dot_general3A {dimension_numbers = #tpu.dot_dimension_numbers<[1], [0], [0], [1], [0, 0, 1, 1], [], []>, transpose_lhs_hint = false} : vector<48x128xf32>, vector<128x128xf32>, vector<48x128xf32> -> vector<48x128xf32>
    %max3A = arith.constant 1.000000e+00 : f32
    %max3A_13 = vector.broadcast %max3A : f32 to vector<48x128xf32>
    %max3A_14 = arith.maximumf %dot_general3A_12, %max3A_13 : vector<48x128xf32>
    %rsqrt3A = math.rsqrt %max3A_14 : vector<48x128xf32>
    %mul3A = arith.mulf %add3A, %rsqrt3A : vector<48x128xf32>
    %get3A_15 = arith.constant 0 : index
    %get3A_16 = arith.constant 0 : index
    %get3A_17 = vector.load %arg4[%get3A_15, %get3A_16] : memref<128x128xf32, #tpu.memory_space<vmem>>, vector<128x128xf32>
    %dot_general3A_18 = arith.constant dense<0.000000e+00> : vector<48x128xf32>
    %dot_general3A_19 = tpu.matmul %mul3A, %get3A_17, %dot_general3A_18 {dimension_numbers = #tpu.dot_dimension_numbers<[1], [0], [0], [1], [0, 0, 1, 1], [], []>, transpose_lhs_hint = false} : vector<48x128xf32>, vector<128x128xf32>, vector<48x128xf32> -> vector<48x128xf32>
    %get3A_20 = arith.constant 0 : index
    %get3A_21 = arith.constant 0 : index
    %get3A_22 = vector.load %arg6[%get3A_20, %get3A_21] : memref<1x128xf32, #tpu.memory_space<vmem>>, vector<1x128xf32>
    %add3A_23 = vector.broadcast %get3A_22 : vector<1x128xf32> to vector<48x128xf32>
    %add3A_24 = arith.addf %dot_general3A_19, %add3A_23 : vector<48x128xf32>
    %get3A_25 = arith.constant 0 : index
    %get3A_26 = arith.constant 0 : index
    %get3A_27 = arith.constant 0 : index
    %get3A_28 = vector.load %arg3[%get3A_25, %get3A_26, %get3A_27] : memref<2x48x128xf32, #tpu.memory_space<vmem>>, vector<1x48x128xf32>
    %get3A_29 = vector.shape_cast %get3A_28 : vector<1x48x128xf32> to vector<48x128xf32>
    %get3A_30 = arith.constant 1 : index
    %get3A_31 = arith.constant 0 : index
    %get3A_32 = arith.constant 0 : index
    %get3A_33 = vector.load %arg3[%get3A_30, %get3A_31, %get3A_32] : memref<2x48x128xf32, #tpu.memory_space<vmem>>, vector<1x48x128xf32>
    %get3A_34 = vector.shape_cast %get3A_33 : vector<1x48x128xf32> to vector<48x128xf32>
    %add3A_35 = arith.addf %get3A_29, %get3A_34 : vector<48x128xf32>
    %get3A_36 = arith.constant 0 : index
    %get3A_37 = arith.constant 0 : index
    %get3A_38 = vector.load %arg1[%get3A_36, %get3A_37] : memref<128x128xf32, #tpu.memory_space<vmem>>, vector<128x128xf32>
    %dot_general3A_39 = arith.constant dense<0.000000e+00> : vector<48x128xf32>
    %dot_general3A_40 = tpu.matmul %add3A_35, %get3A_38, %dot_general3A_39 {dimension_numbers = #tpu.dot_dimension_numbers<[1], [0], [0], [1], [0, 0, 1, 1], [], []>, transpose_lhs_hint = false} : vector<48x128xf32>, vector<128x128xf32>, vector<48x128xf32> -> vector<48x128xf32>
    %max3A_41 = arith.constant 1.000000e+00 : f32
    %max3A_42 = vector.broadcast %max3A_41 : f32 to vector<48x128xf32>
    %max3A_43 = arith.maximumf %dot_general3A_40, %max3A_42 : vector<48x128xf32>
    %rsqrt3A_44 = math.rsqrt %max3A_43 : vector<48x128xf32>
    %mul3A_45 = arith.mulf %add3A_35, %rsqrt3A_44 : vector<48x128xf32>
    %get3A_46 = arith.constant 0 : index
    %get3A_47 = arith.constant 0 : index
    %get3A_48 = vector.load %arg5[%get3A_46, %get3A_47] : memref<128x128xf32, #tpu.memory_space<vmem>>, vector<128x128xf32>
    %dot_general3A_49 = arith.constant dense<0.000000e+00> : vector<48x128xf32>
    %dot_general3A_50 = tpu.matmul %mul3A_45, %get3A_48, %dot_general3A_49 {dimension_numbers = #tpu.dot_dimension_numbers<[1], [0], [0], [1], [0, 0, 1, 1], [], []>, transpose_lhs_hint = false} : vector<48x128xf32>, vector<128x128xf32>, vector<48x128xf32> -> vector<48x128xf32>
    %get3A_51 = arith.constant 0 : index
    %get3A_52 = arith.constant 0 : index
    %get3A_53 = vector.load %arg7[%get3A_51, %get3A_52] : memref<1x128xf32, #tpu.memory_space<vmem>>, vector<1x128xf32>
    %add3A_54 = vector.broadcast %get3A_53 : vector<1x128xf32> to vector<48x128xf32>
    %add3A_55 = arith.addf %dot_general3A_50, %add3A_54 : vector<48x128xf32>
    %add3A_56 = arith.addf %add3A_24, %add3A_55 : vector<48x128xf32>
    %swap3A = arith.constant 0 : index
    %swap3A_57 = arith.constant 0 : index
    %swap3A_58 = vector.load %arg8[%swap3A, %swap3A_57] : memref<48x128xf32, #tpu.memory_space<vmem>>, vector<48x128xf32>
    tpu.vector_store %arg8[%swap3A, %swap3A_57], %add3A_56 {strides = array<i32>} : memref<48x128xf32, #tpu.memory_space<vmem>>, vector<48x128xf32>,
    return
  }
  func.func @transform_0(%arg0: i32) -> (i32, i32) {
    %c0_i32 = arith.constant 0 : i32
    %c0_i32_0 = arith.constant 0 : i32
    %c0_i32_1 = arith.constant 0 : i32
    return %c0_i32, %c0_i32_0 : i32, i32
  }
  func.func @transform_1(%arg0: i32) -> (i32, i32, i32) {
    %c0_i32 = arith.constant 0 : i32
    %c0_i32_0 = arith.constant 0 : i32
    %c0_i32_1 = arith.constant 0 : i32
    return %c0_i32, %arg0, %c0_i32_0 : i32, i32, i32
  }
  func.func @transform_2(%arg0: i32) -> (i32, i32, i32) {
    %c0_i32 = arith.constant 0 : i32
    %c0_i32_0 = arith.constant 0 : i32
    %c0_i32_1 = arith.constant 0 : i32
    return %c0_i32, %arg0, %c0_i32_0 : i32, i32, i32
  }
  func.func @transform_3(%arg0: i32) -> (i32, i32) {
    %c0_i32 = arith.constant 0 : i32
    %c0_i32_0 = arith.constant 0 : i32
    %c0_i32_1 = arith.constant 0 : i32
    return %c0_i32, %c0_i32_0 : i32, i32
  }
  func.func @transform_4(%arg0: i32) -> (i32, i32) {
    %c0_i32 = arith.constant 0 : i32
    %c0_i32_0 = arith.constant 0 : i32
    %c0_i32_1 = arith.constant 0 : i32
    return %c0_i32, %c0_i32_0 : i32, i32
  }
  func.func @transform_5(%arg0: i32) -> (i32, i32) {
    %c0_i32 = arith.constant 0 : i32
    %c0_i32_0 = arith.constant 0 : i32
    %c0_i32_1 = arith.constant 0 : i32
    return %c0_i32, %c0_i32_0 : i32, i32
  }
  func.func @transform_6(%arg0: i32) -> (i32, i32) {
    %c0_i32 = arith.constant 0 : i32
    %c0_i32_0 = arith.constant 0 : i32
    %c0_i32_1 = arith.constant 0 : i32
    return %c0_i32, %c0_i32_0 : i32, i32
  }
  func.func @transform_7(%arg0: i32) -> (i32, i32) {
    %c0_i32 = arith.constant 0 : i32
    %c0_i32_0 = arith.constant 0 : i32
    return %arg0, %c0_i32 : i32, i32
  }
}

</mosaic_0001>

<sc_bundles>
// kernel: kernel.12.cloned.1.call-start
scs
__scs_entry_jumppad:
0x0: {  	(pc) =	sbr.rel $0x88, $3  }
0x1: {  	(tag) =	ssettag $0x0;
	lr =	simm.s32 $0x1  }
0x2: {  	[smem:$0x3F8B] =	sst lr;
	_ =	strace $0xD0000000  }
0x3: {  	_ = 	snop  }
0x4: {  	_ = 	snop  }
0x5: {  	_ = 	snop  }
0x6: {  	_ = 	snop  }
0x7: {  	_ = 	snop  }
__scs_overlays_trampoline_lowered:
0x8: {  	[smem:$0x3F9A] =	sst s0  }
0x9: {  	[smem:$0x3F9B] =	sst s1  }
0xa: {  	[smem:$0x3F9C] =	sst s2  }
0xb: {  	[smem:$0x3F9D] =	sst s3  }
0xc: {  	[smem:$0x3F9E] =	sst s4  }
0xd: {  	[smem:$0x3F9F] =	sst s5  }
0xe: {  	[smem:$0x3FA0] =	sst s6  }
0xf: {  	[smem:$0x3FA1] =	sst s7  }
0x10: {  	[smem:$0x3FA2] =	sst s8  }
0x11: {  	[smem:$0x3FA3] =	sst s9;
	s0 =	simm.s32 @!p0 $0x0  }
0x12: {  	s1 =	sld [smem:$0x3F89];
	s0 =	simm.s32 @p0 $0x1  }
0x13: {  	[smem:$0x3FA4] =	sst s0;
	s0 =	simm.s32 @!p1 $0x0  }
0x14: {  	s2 =	sld [smem:$0x3F88];
	s0 =	simm.s32 @p1 $0x1  }
0x15: {  	[smem:$0x3FA5] =	sst s0;
	s0 =	simm.s32 @!p2 $0x0  }
0x16: {  	s3 =	sld [smem:$0x3FDB];
	s0 =	simm.s32 @p2 $0x1  }
0x17: {  	s4 =	simm.s32 $0x1BF5;
	[smem:$0x3FA7] =	sst s0  }
0x18: {  	s0 =	sld [smem:$0x3F8A];
	_ =	swait.ge [sflag:s4], $0x0  }
0x19: {  	s7 =	sld [smem:$0x3F8B]  }
0x1a: {  	s8 =	sadd.s32 $0xFFFFE003, lr  }
0x1b: {  	s9 =	sadd.s32 $0xFFFFFEF7, lr;
	s5 =	simm.s32 $0xFFFFFFFF;
	p2 =	slt.u32 s8, $0xFFFFF086  }
0x1c: {  	p1 =	slt.u32 s9, $0xF7A;
	s5 =	simm.s32 @!p2 $0x0  }
0x1d: {  	s5 =	simm.s32 @p1 $0x1;
	p0 =	seq.s32 s7, s2  }
0x1e: {  	s7 =	smul.u32 @!p0 $0xF7A, s2;
	p2 =	seq.s32 @!p0 s5, $0x0  }
0x1f: {  	s9 =	smul.u32 $0xF7A, s1;
	s8 =	simm.s32 @!p0 $0x1BF5;
	p2 =	por !p2, p0  }
0x20: {  	[sflag:s8] =	ssyncset.s32 @!p0 $0xFFFFF086;
	s6 =	sadd.s32 @!p0 s3, s7;
	s7 =	simm.s32 @!p0 $0x108  }
0x21: {  	s3 =	sadd.s32 s3, s9;
	s6 =	sadd.s32 @!p0 $0x88, s6;
	s7 =	simm.s32 @p2 $0x1082  }
0x22: {  	[simem:s7], [sflag:s8] =	dma.local @!p0 [hbm:s6], $0xF7A  }
0x23: {  	s9 =	sor.u32 $0xD0000000, s2;
	s6 =	simm.s32 $0x108;
	_ =	swait.ge @!p0 [sflag:s8], $0x0  }
0x24: {  	s3 =	sadd.s32 $0x88, s3;
	s6 =	simm.s32 @!p1 $0x1082;
	[sflag:s4] =	ssyncset.s32 $0xFFFFF086  }
0x25: {  	[simem:s6], [sflag:s4] =	dma.local [hbm:s3], $0xF7A  }
0x26: {  	[smem:$0x3F8B] =	sst s1;
	(tag) =	ssettag s2;
	_ =	strace s9  }
0x27: {  	s1 =	sld [smem:$0x3F9B]  }
0x28: {  	s2 =	sld [smem:$0x3F9C]  }
0x29: {  	s4 =	sld [smem:$0x3F9E]  }
0x2a: {  	p0 =	seq.s32 s5, $0x0;
	s5 =	sld [smem:$0x3F9F]  }
0x2b: {  	s6 =	sld [smem:$0x3FA0]  }
0x2c: {  	s7 =	sld [smem:$0x3FA1]  }
0x2d: {  	s3 =	simm.s32 $0x108;
	s8 =	sld [smem:$0x3FA2]  }
0x2e: {  	s3 =	simm.s32 @!p0 $0x1082;
	s9 =	sld [smem:$0x3FA3]  }
0x2f: {  	lr =	sadd.s32 s0, s3;
	s0 =	sld [smem:$0x3F9A]  }
0x30: {  	s3 =	sld [smem:$0x3F9D]  }
0x31: {  	[smem:$0x3FA6] =	sst s10  }
0x32: {  	s10 =	sld [smem:$0x3FA4];
	_ =	sdelay $0x3  }
0x33: {  	p0 =	seq.s32 s10, $0x1;
	s10 =	sld [smem:$0x3FA6];
	_ =	sdelay $0x3  }
0x34: {  	[smem:$0x3FA6] =	sst s10  }
0x35: {  	s10 =	sld [smem:$0x3FA5];
	_ =	sdelay $0x3  }
0x36: {  	p1 =	seq.s32 s10, $0x1;
	s10 =	sld [smem:$0x3FA6];
	_ =	sdelay $0x3  }
0x37: {  	[smem:$0x3FA6] =	sst s10  }
0x38: {  	s10 =	sld [smem:$0x3FA7]  }
0x39: {  	_ = 	snop;
	(pc) =	sbr.ind lr, $3  }
0x3a: {  	_ = 	snop  }
0x3b: {  	_ = 	snop  }
0x3c: {  	p2 =	seq.s32 s10, $0x1;
	s10 =	sld [smem:$0x3FA6]  }
0x3d: {  	_ =	shalt  }
0x3e: {  	_ =	shalt  }
0x3f: {  	_ =	shalt  }
0x40: {  	_ =	shalt  }
0x41: {  	_ =	shalt  }
0x42: {  	_ =	shalt  }
0x43: {  	_ =	shalt  }
0x44: {  	_ =	shalt  }
0x45: {  	_ =	shalt  }
0x46: {  	_ =	shalt  }
0x47: {  	_ =	shalt  }
0x48: {  	_ =	shalt  }
0x49: {  	_ =	shalt  }
0x4a: {  	_ =	shalt  }
0x4b: {  	_ =	shalt  }
0x4c: {  	_ =	shalt  }
0x4d: {  	_ =	shalt  }
0x4e: {  	_ =	shalt  }
0x4f: {  	_ =	shalt  }
0x50: {  	_ =	shalt  }
0x51: {  	_ =	shalt  }
0x52: {  	_ =	shalt  }
0x53: {  	_ =	shalt  }
0x54: {  	_ =	shalt  }
0x55: {  	_ =	shalt  }
0x56: {  	_ =	shalt  }
0x57: {  	_ =	shalt  }
0x58: {  	_ =	shalt  }
0x59: {  	_ =	shalt  }
0x5a: {  	_ =	shalt  }
0x5b: {  	_ =	shalt  }
0x5c: {  	_ =	shalt  }
0x5d: {  	_ =	shalt  }
0x5e: {  	_ =	shalt  }
0x5f: {  	_ =	shalt  }
0x60: {  	_ =	shalt  }
0x61: {  	_ =	shalt  }
0x62: {  	_ =	shalt  }
0x63: {  	_ =	shalt  }
0x64: {  	_ =	shalt  }
0x65: {  	_ =	shalt  }
0x66: {  	_ =	shalt  }
0x67: {  	_ =	shalt  }
0x68: {  	_ =	shalt  }
0x69: {  	_ =	shalt  }
0x6a: {  	_ =	shalt  }
0x6b: {  	_ =	shalt  }
0x6c: {  	_ =	shalt  }
0x6d: {  	_ =	shalt  }
0x6e: {  	_ =	shalt  }
0x6f: {  	_ =	shalt  }
0x70: {  	_ =	shalt  }
0x71: {  	_ =	shalt  }
0x72: {  	_ =	shalt  }
0x73: {  	_ =	shalt  }
0x74: {  	_ =	shalt  }
0x75: {  	_ =	shalt  }
0x76: {  	_ =	shalt  }
0x77: {  	_ =	shalt  }
0x78: {  	_ =	shalt  }
0x79: {  	_ =	shalt  }
0x7a: {  	_ =	shalt  }
0x7b: {  	_ =	shalt  }
0x7c: {  	_ =	shalt  }
0x7d: {  	_ =	shalt  }
0x7e: {  	_ =	shalt  }
0x7f: {  	_ =	shalt  }
0x80: {  	_ =	shalt  }
0x81: {  	_ =	shalt  }
0x82: {  	_ =	shalt  }
0x83: {  	_ =	shalt  }
0x84: {  	_ =	shalt  }
0x85: {  	_ =	shalt  }
0x86: {  	_ =	shalt  }
0x87: {  	_ =	shalt  }
.Lfunc_end0:
.L_simem_size_0:
called_computation.1_lowered:
.L_overlay_start_0:
0x88: {  	s2 =	sld [smem:$0x3FD9]  }
0x89: {  	s3 =	sld [smem:$0x3FFE];
	_ =	sdelay $0x1  }
0x8a: {  	s1 =	srdreg.scid  }
0x8b: {  	s0 =	sand.u32 $0x1, s1  }
0x8c: {  	s14 =	sshll.u32 s0, $0xA;
	s2 =	sadd.s32 s3, s2  }
0x8d: {  	s2 =	sadd.s32 s2, s14  }
0x8e: {  	[smem:$0x3FB2] =	sst s2  }
0x8f: {  	_ = 	snop  }
0x90: {  	s2 =	sld [smem:$0x3FD0];
	_ =	sdelay $0x2  }
0x91: {  	s15 =	simm.s32 $0xA;
	s4 =	simm.s32 $0x10  }
0x92: {  	[smem:s4], [sflag:s15] =	dma.local [hbm:s2], $0x1  }
0x93: {  	_ =	swait.eq [sflag:s15], $0x1  }
0x94: {  	[sflag:s15] =	ssyncset.done $0x0  }
0x95: {  	s16 =	sld [smem:$0x10];
	[sflag:s15] =	ssyncadd.s32 $0xFFFFFFFF  }
0x96: {  	s17 =	sld [smem:$0x11];
	(tm) =	ssettm $0x1  }
0x97: {  	s18 =	sld [smem:$0x3FFB];
	_ =	sdelay $0x3  }
0x98: {  	_ =	strace s18  }
0x99: {  	s4 =	sld [smem:$0x3FFC];
	_ =	sdelay $0x3  }
0x9a: {  	_ =	strace s4  }
0x9b: {  	s4 =	sld [smem:$0x3FFD];
	_ =	sdelay $0x3  }
0x9c: {  	_ =	strace s4  }
0x9d: {  	_ =	strace $0x8FFFFFFF  }
0x9e: {  	s19 =	sld [smem:$0x3FDB];
	_ =	sdelay $0x1  }
0x9f: {  	s5 =	simm.s32 $_scs_section_size  }
0xa0: {  	s6 =	simm.s32 $_size__tile_overlayer_lowered;
	s7 =	simm.s32 $_tile_overlayer_lowered  }
0xa1: {  	s22 =	simm.s32 $0x1BFF;
	s21 =	sshll.u32 s7, $0x1;
	s4 =	sadd.s32 s5, s19  }
0xa2: {  	s8 =	simm.s32 $0x0;
	s20 =	sshll.u32 s6, $0x1;
	s6 =	sadd.s32 s21, s4  }
0xa3: {  	[timem:s8], [sflag:s22] =	dma.local [hbm:s6], s20  }
0xa4: {  	_ =	swait.ge [sflag:s22], s20  }
0xa5: {  	s5 =	ssub.s32 $0x0, s20;
	[sflag:s22] =	ssyncset.done $0x0  }
0xa6: {  	[sflag:s22] =	ssyncadd.s32 s5;
	_ =	sdelay $0x1  }
0xa7: {  	s23 =	simm.s32 $0x1B8B  }
0xa8: {  	_ =	swait.ge [sflag:s23], $0x1  }
0xa9: {  	[sflag:s23] =	ssyncset.done $0x0  }
0xaa: {  	s25 =	simm.s32 $0x1B8E;
	s24 =	sld [smem:$0x3FFE];
	[sflag:s23] =	ssyncadd.s32 $0xFFFFFFFF  }
0xab: {  	s26 =	simm.s32 $execute0_lowered;
	[smem:$0x3FD2] =	sst s25  }
0xac: {  	s6 =	sshll.u32 s26, $0x1;
	_ =	strace $0x80000049;
	[dreg:$0x1] =	wrdreg $0xFFFFFFFF  }
0xad: {  	s28 =	simm.s32 $_size_execute0_lowered;
	s4 =	sadd.s32 s4, s6;
	[dreg:$0x0] =	wrdreg $0x0  }
0xae: {  	s6 =	sshll.u32 s28, $0x1;
	[dreg:$0x2] =	wrdreg s4  }
0xaf: {  	[dreg:$0x3] =	wrdreg s6  }
0xb0: {  	[dreg:$0x4] =	wrdreg $0xC0  }
0xb1: {  	_ =	task [dreg:s8], $0x5FFFF  }
0xb2: {  	[dreg:$0x1] =	wrdreg $0xFFFFFFFF  }
0xb3: {  	[dreg:$0x0] =	wrdreg $0x60  }
0xb4: {  	[dreg:$0x2] =	wrdreg s17  }
0xb5: {  	[dreg:$0x3] =	wrdreg s24  }
0xb6: {  	[dreg:$0x4] =	wrdreg s16  }
0xb7: {  	[dreg:$0x5] =	wrdreg $0x50000  }
0xb8: {  	[dreg:$0x6] =	wrdreg $0x113800  }
0xb9: {  	[dreg:$0x7] =	wrdreg $0x1D7000  }
0xba: {  	[dreg:$0x8] =	wrdreg $0x1EAC00  }
0xbb: {  	[dreg:$0x9] =	wrdreg $0x1FE800  }
0xbc: {  	[dreg:$0xa] =	wrdreg $0x9  }
0xbd: {  	_ =	task.clear_ibuf [dreg:s8], $0xBFFFF;
	_ =	strace $0x90000049  }
0xbe: {  	s29 =	simm.s32 $0x9;
	_ =	strace $0x8000004B  }
0xbf: {  	_ =	swait.ge [sflag:s29], $0x1  }
0xc0: {  	[sflag:s29] =	ssyncadd.s32 $0xFFFFFFFF  }
0xc1: {  	_ =	strace $0x9000004B  }
0xc2: {  	_ =	sfence  }
0xc3: {  	s30 =	sld [smem:$0x0];
	_ =	sdelay $0x2  }
0xc4: {  	s31 =	sshll.u32 s1, $0xD;
	s1 =	sshrl.u32 s1, $0x2  }
0xc5: {  	s3 =	sand.u32 $0x4000, s31;
	s1 =	sadd.s32 s1, s30  }
0xc6: {  	s0 =	sor.u32 s3, s0;
	s1 =	sshll.u32 s1, $0x11  }
0xc7: {  	s0 =	sor.u32 s1, s0  }
0xc8: {  	s0 =	sadd.s32 $0x8F2B, s0  }
0xc9: {  	[sflag:s0] =	ssyncadd.remote.s32 $0x1  }
0xca: {  	_ =	sfence.sel $0xFFFF  }
0xcb: {  	[dreg:$0x0] =	wrdreg $0xFFFFFFFF;
	(pc) =	sbr.abs _section_cstart, $3  }
0xcc: {  	[dreg:$0x1] =	wrdreg $0xFFFFFFFF  }
0xcd: {  	_ =	task.clear_ibuf [dreg:s8], $0x2FFFF;
	_ =	strace $0x9FFFFFFF  }
0xce: {  	(tm) =	ssettm $0x7FFFFFFF  }
0xcf: {  	_ =	shalt  }
tec
execute0_lowered:
.L_overlay_start_1:
0x0: {  	(tag) =	ssettag $0x1  }
0x1: {  	s4 =	rddreg [dreg:$0x1]  }
0x2: {  	s2 =	rddreg [dreg:$0x2]  }
0x3: {  	s1 =	simm.s32 $0x0;
	s20 =	stileid.u32;
	s0 =	srdreg.scid  }
0x4: {  	s28 =	rddreg [dreg:$0x6];
	s10 =	sand.u32 $0x1, s0;
	s9 =	sshll.u32 s20, $0x1  }
0x5: {  	[smem:$0x7FF] =	sst s1;
	s3 =	sadd.s32 $0x38000, s4;
	s9 =	sor.u32 s10, s9  }
0x6: {  	s6 =	sadd.s32 $0x58000, s4;
	s7 =	sadd.s32 $0x120000, s4;
	s15 =	sshll.u32 s9, $0x9  }
0x7: {  	s8 =	sadd.s32 $0x1B6E00, s4;
	s23 =	smul.u32 $0x31000, s20;
	s13 =	sadd.s32 s6, s15  }
0x8: {  	s18 =	sshll.u32 s9, $0x8;
	s16 =	sadd.s32 s8, s15;
	[dreg:$0x9] =	wrdreg s13  }
0x9: {  	s30 =	smul.u32 $0x19000, s20;
	s19 =	sadd.s32 s7, s18;
	[dreg:$0xa] =	wrdreg s16  }
0xa: {  	s0 =	smul.u32 $0xC3800, s10;
	s21 =	sadd.s32 s2, s18;
	[dreg:$0xd] =	wrdreg s19  }
0xb: {  	s5 =	ssub.s32 $0x2, s10;
	s12 =	smul.u32 $0x13C00, s10;
	[dreg:$0xe] =	wrdreg s21  }
0xc: {  	s25 =	smul.u32 $0x18800, s10;
	s17 =	sor.u32 $0x100, s15;
	s19 =	rddreg [dreg:$0x3]  }
0xd: {  	s11 =	sshrl.u32 s5, $0x1;
	s14 =	sadd.s32 s6, s17;
	s21 =	rddreg [dreg:$0x5]  }
0xe: {  	s22 =	sor.u32 $0x80, s15;
	s13 =	sadd.s32 s8, s17;
	[dreg:$0xb] =	wrdreg s14  }
0xf: {  	s26 =	sor.u32 $0x180, s15;
	s24 =	sadd.s32 s6, s22;
	[dreg:$0xc] =	wrdreg s13  }
0x10: {  	s5 =	ssub.s32 s5, s11;
	s6 =	sadd.s32 s6, s26;
	[dreg:$0x11] =	wrdreg s24  }
0x11: {  	s15 =	sshll.u32 s10, $0xF;
	s13 =	sor.u32 $0x80, s18;
	[dreg:$0x13] =	wrdreg s6  }
0x12: {  	s16 =	sshll.u32 s9, $0xC;
	s18 =	rddreg [dreg:$0x0];
	s7 =	sadd.s32 s7, s13  }
0x13: {  	s17 =	sadd.s32 $0x1BAE00, s4;
	s2 =	sadd.s32 s2, s13;
	[dreg:$0xf] =	wrdreg s7  }
0x14: {  	s5 =	smax.u32 s5, $0x1;
	s14 =	sshll.u32 s20, $0x10;
	[dreg:$0x10] =	wrdreg s2  }
0x15: {  	s24 =	sor.u32 $0x80, s16;
	s7 =	sadd.s32 s8, s22;
	s22 =	rddreg [dreg:$0x4]  }
0x16: {  	s6 =	sor.u32 $0x100, s16;
	s8 =	sadd.s32 s8, s26;
	[dreg:$0x12] =	wrdreg s7  }
0x17: {  	s13 =	smul.u32 $0xC800, s10;
	s26 =	sadd.s32 s3, s16;
	[dreg:$0x14] =	wrdreg s8  }
0x18: {  	s2 =	sor.u32 s15, s14;
	s14 =	sadd.s32 s3, s6;
	[dreg:$0x17] =	wrdreg s26  }
0x19: {  	s6 =	sadd.s32 s17, s6;
	s7 =	sadd.s32 s25, s23;
	[dreg:$0x19] =	wrdreg s14  }
0x1a: {  	s8 =	sadd.s32 s13, s30;
	s13 =	smul.u32 $0x1800, s10;
	[dreg:$0x1a] =	wrdreg s6  }
0x1b: {  	s25 =	sadd.s32 s3, s24;
	s10 =	sadd.s32 s17, s24;
	s23 =	rddreg [dreg:$0x7]  }
0x1c: {  	s30 =	sadd.s32 s17, s16;
	s15 =	sor.u32 $0x1000, s2;
	[dreg:$0x15] =	wrdreg s25  }
0x1d: {  	s2 =	sor.u32 $0x800, s2;
	s6 =	smul.u32 $0xC380, s20;
	[dreg:$0x16] =	wrdreg s10  }
0x1e: {  	s14 =	smul.u32 $0x13C0, s20;
	[dreg:$0x18] =	wrdreg s30;
	s16 =	sshrl.u32 s15, $0x3  }
0x1f: {  	s2 =	sshrl.u32 s2, $0x3;
	s15 =	smul.u32 $0x180, s20;
	s24 =	sadd.s32 s16, s17  }
0x20: {  	s25 =	sadd.s32 s16, s3;
	s10 =	sadd.s32 s2, s3;
	s11 =	sadd.s32 s2, s17  }
0x21: {  	_ =	strace $0x8000004A;
	s17 =	sshrl.u32 s6, $0x3;
	s0 =	sadd.s32 s6, s0  }
0x22: {  	s26 =	sadd.s32 s14, s12;
	s3 =	sadd.s32 $0x123A00, s4;
	s6 =	sadd.s32 s6, s19  }
0x23: {  	[smem:$0x7EF] =	sst s5;
	s16 =	sadd.s32 s17, s4;
	s0 =	sshrl.u32 s0, $0x3  }
0x24: {  	s2 =	sshrl.u32 s26, $0x3;
	s30 =	sadd.s32 s15, s13;
	[dreg:$0x1b] =	wrdreg s3  }
0x25: {  	s26 =	sadd.s32 $0x123E00, s4;
	s3 =	sadd.s32 $0x1DAE00, s4;
	[dreg:$0x1e] =	wrdreg s6  }
0x26: {  	s6 =	sadd.s32 s15, s28;
	s15 =	sadd.s32 s15, s23;
	s12 =	sadd.s32 s0, s4  }
0x27: {  	s13 =	sadd.s32 s2, s4;
	s2 =	sshrl.u32 s30, $0x3;
	[dreg:$0x1c] =	wrdreg s26  }
0x28: {  	s26 =	sadd.s32 $0xBE000, s4;
	s0 =	sadd.s32 $0x6000, s4;
	[smem:$0x7E6] =	sst s6  }
0x29: {  	s30 =	sshll.u32 s20, $0x6;
	s20 =	sadd.s32 s14, s22;
	[smem:$0x7E7] =	sst s15  }
0x2a: {  	s23 =	sadd.s32 $0x13CA00, s16;
	s17 =	sadd.s32 s2, s4;
	[smem:$0x7E4] =	sst s20  }
0x2b: {  	s2 =	sadd.s32 $0x5C000, s4;
	s4 =	sadd.s32 $0x122000, s4;
	[smem:$0x7EA] =	sst s23  }
0x2c: {  	s31 =	sor.u32 $0x1C05, s30;
	s30 =	sadd.s32 s14, s21;
	[dreg:$0x1d] =	wrdreg s4  }
0x2d: {  	s20 =	sadd.s32 $0x15F200, s12;
	[smem:$0x7E5] =	sst s30  }
0x2e: {  	s21 =	sadd.s32 $0x124200, s16;
	[smem:$0x7E8] =	sst s20  }
0x2f: {  	s12 =	sadd.s32 $0x15A200, s13;
	[smem:$0x7E9] =	sst s21  }
0x30: {  	[smem:$0x7EC] =	sst s12  }
0x31: {  	s14 =	smul.u32 $0x18800, s9;
	s30 =	sadd.s32 $0x155200, s13;
	[dreg:$0x1f] =	wrdreg s31  }
0x32: {  	s9 =	smul.u32 $0xC800, s9;
	s13 =	sadd.s32 $0x190000, s17;
	[smem:$0x7EB] =	sst s30  }
0x33: {  	s4 =	sshrl.u32 s14, $0x3;
	[smem:$0x7ED] =	sst s13;
	s14 =	sadd.s32 $0x190600, s17  }
0x34: {  	[smem:$0x7EE] =	sst s14;
	s20 =	sadd.s32 s26, s4  }
0x35: {  	s9 =	sshrl.u32 s9, $0x3;
	s21 =	sadd.s32 s2, s4;
	[smem:$0x7F2] =	sst s20  }
0x36: {  	s15 =	sor.u32 $0x80, s4;
	s12 =	sadd.s32 s0, s9;
	[smem:$0x7F3] =	sst s21  }
0x37: {  	s4 =	sadd.s32 $0x100, s4;
	s13 =	sadd.s32 s3, s9;
	[smem:$0x7F8] =	sst s12  }
0x38: {  	s30 =	sor.u32 $0x80, s9;
	s16 =	sadd.s32 s26, s15;
	[smem:$0x7F9] =	sst s13  }
0x39: {  	s14 =	sadd.s32 $0x100, s9;
	s17 =	sadd.s32 s2, s15;
	[smem:$0x7F0] =	sst s16  }
0x3a: {  	s9 =	simm.s32 $0x5;
	s23 =	sadd.s32 s26, s4;
	[smem:$0x7F1] =	sst s17  }
0x3b: {  	s4 =	sadd.s32 s2, s4;
	s6 =	sadd.s32 s0, s30;
	[smem:$0x7F4] =	sst s23  }
0x3c: {  	s15 =	sadd.s32 $0x1000, s7;
	s12 =	simm.s32 $0x400;
	[smem:$0x7F5] =	sst s4  }
0x3d: {  	s13 =	simm.s32 $0x1000;
	[smem:$0x7F6] =	sst s6;
	s4 =	sadd.s32 s3, s30  }
0x3e: {  	s5 =	sshrl.u32 s15, $0x3;
	s16 =	sadd.s32 s0, s14;
	s17 =	sadd.s32 $0x1000, s8  }
0x3f: {  	s23 =	sadd.s32 $0x800, s7;
	s30 =	sadd.s32 $0x800, s8;
	s7 =	sadd.s32 $0x80, s10  }
0x40: {  	s8 =	sadd.s32 $0x80, s11;
	s10 =	simm.s32 $0x800;
	s11 =	simm.s32 $0x1  }
0x41: {  	s15 =	simm.s32 $0x2;
	s6 =	simm.s32 $0x0;
	[smem:$0x7F7] =	sst s4  }
.Ltmp0:
0x42: {  	[smem:$0x7FA] =	sst s16;
	s4 =	sadd.s32 s3, s14;
	(pc) =	sbr.rel .LBB2_1-.Ltmp0, $4  }
0x43: {  	s20 =	sshrl.u32 s17, $0x3;
	s16 =	sadd.s32 s5, s2;
	[smem:$0x7FC] =	sst s23  }
0x44: {  	s17 =	sadd.s32 s5, s26;
	[smem:$0x7FD] =	sst s30;
	s14 =	simm.s32 $0xC00  }
0x45: {  	s5 =	simm.s32 $0x3;
	s23 =	simm.s32 $0x4;
	[smem:$0x7FB] =	sst s4  }
0x46: {  	s21 =	sadd.s32 s20, s3;
	s29 =	sadd.s32 s20, s0;
	s20 =	simm.s32 $0x3000  }
.LBB2_10:
0x47: {  	_ =	swait.ge [sflag:s23], $0x2000  }
0x48: {  	[sflag:s23] =	ssyncset.done $0x0  }
0x49: {  	[sflag:s23] =	ssyncadd.s32 $0xFFFFE000  }
0x4a: {  	[spmem:s28] =	stream.indirect.scatter.add.f32 [tilespmem:s20], [sflag:$0x5], $0x8, s14, s12, $0xb8;
	v63 =	vld [tilespmem:$0x0]  }
0x4b: {  	_ =	swait.ge [sflag:s9], $0x2000  }
0x4c: {  	[sflag:s9] =	ssyncset.done $0x0  }
0x4d: {  	s4 =	rddreg [dreg:$0x9];
	[sflag:s9] =	ssyncadd.s32 $0xFFFFE000  }
0x4e: {  	[tilespmem:s1], [sflag:$0x1] =	stream.linear.gather [hbm4b:s4+s1], $0x400, $0x38;
	v63 =	vld [tilespmem:$0x0]  }
0x4f: {  	s30 =	rddreg [dreg:$0xa]  }
0x50: {  	[tilespmem:s10], [sflag:$0x1] =	stream.linear.gather [hbm4b:s30+s1], $0x400, $0x38;
	v63 =	vld [tilespmem:$0x0]  }
0x51: {  	_ =	swait.ge [sflag:s11], $0x400  }
0x52: {  	[sflag:s11] =	ssyncset.done $0x0  }
0x53: {  	[sflag:s11] =	ssyncadd.s32 $0xFFFFFC00  }
0x54: {  	_ =	swait.ge [sflag:s11], $0x400  }
0x55: {  	[sflag:s11] =	ssyncset.done $0x0  }
0x56: {  	s30 =	rddreg [dreg:$0x1b];
	[sflag:s11] =	ssyncadd.s32 $0xFFFFFC00  }
0x57: {  	[tilespmem:s13], [sflag:$0x3] =	stream.indirect.gather [hbm4b:s30+s12], $0x8, s1, s12, $0xb8;
	v63 =	vld [tilespmem:$0x0]  }
0x58: {  	s6 =	rddreg [dreg:$0x11]  }
0x59: {  	[tilespmem:s12], [sflag:$0x2] =	stream.linear.gather [hbm4b:s6+s1], $0x400, $0x38;
	v63 =	vld [tilespmem:$0x0]  }
0x5a: {  	s6 =	rddreg [dreg:$0x12]  }
0x5b: {  	[tilespmem:s14], [sflag:$0x2] =	stream.linear.gather [hbm4b:s6+s1], $0x400, $0x38;
	v63 =	vld [tilespmem:$0x0]  }
0x5c: {  	_ =	swait.ge [sflag:s15], $0x400  }
0x5d: {  	[sflag:s15] =	ssyncset.done $0x0  }
0x5e: {  	[sflag:s15] =	ssyncadd.s32 $0xFFFFFC00  }
0x5f: {  	_ =	swait.ge [sflag:s15], $0x400  }
0x60: {  	[sflag:s15] =	ssyncset.done $0x0  }
0x61: {  	[sflag:s15] =	ssyncadd.s32 $0xFFFFFC00  }
0x62: {  	[tilespmem:s20], [sflag:$0x4] =	stream.indirect.gather [hbm4b:s30+s12], $0x8, s12, s12, $0xb8;
	v63 =	vld [tilespmem:$0x0]  }
0x63: {  	_ =	swait.ge [sflag:s5], $0x2000  }
0x64: {  	[sflag:s5] =	ssyncset.done $0x0  }
0x65: {  	[sflag:s5] =	ssyncadd.s32 $0xFFFFE000  }
0x66: {  	s6 =	rddreg [dreg:$0x5]  }
0x67: {  	[spmem:s6] =	stream.indirect.scatter.add.f32 [tilespmem:s13], [sflag:$0x5], $0x8, s10, s12, $0xb8;
	v63 =	vld [tilespmem:$0x0]  }
0x68: {  	_ =	swait.ge [sflag:s9], $0x2000  }
0x69: {  	[sflag:s9] =	ssyncset.done $0x0  }
0x6a: {  	s4 =	rddreg [dreg:$0xb];
	[sflag:s9] =	ssyncadd.s32 $0xFFFFE000  }
0x6b: {  	[tilespmem:s1], [sflag:$0x1] =	stream.linear.gather [hbm4b:s4+s1], $0x400, $0x38;
	v63 =	vld [tilespmem:$0x0]  }
0x6c: {  	s4 =	rddreg [dreg:$0xc]  }
0x6d: {  	[tilespmem:s10], [sflag:$0x1] =	stream.linear.gather [hbm4b:s4+s1], $0x400, $0x38;
	v63 =	vld [tilespmem:$0x0]  }
0x6e: {  	_ =	swait.ge [sflag:s11], $0x400  }
0x6f: {  	[sflag:s11] =	ssyncset.done $0x0  }
0x70: {  	[sflag:s11] =	ssyncadd.s32 $0xFFFFFC00  }
0x71: {  	_ =	swait.ge [sflag:s11], $0x400  }
0x72: {  	[sflag:s11] =	ssyncset.done $0x0  }
0x73: {  	[sflag:s11] =	ssyncadd.s32 $0xFFFFFC00  }
0x74: {  	[tilespmem:s13], [sflag:$0x3] =	stream.indirect.gather [hbm4b:s30+s12], $0x8, s1, s12, $0xb8;
	v63 =	vld [tilespmem:$0x0]  }
0x75: {  	_ =	swait.ge [sflag:s23], $0x2000  }
0x76: {  	[sflag:s23] =	ssyncset.done $0x0  }
0x77: {  	[sflag:s23] =	ssyncadd.s32 $0xFFFFE000  }
0x78: {  	[spmem:s6] =	stream.indirect.scatter.add.f32 [tilespmem:s20], [sflag:$0x5], $0x8, s14, s12, $0xb8;
	v63 =	vld [tilespmem:$0x0]  }
0x79: {  	_ =	swait.ge [sflag:s9], $0x2000  }
0x7a: {  	[sflag:s9] =	ssyncset.done $0x0  }
0x7b: {  	s4 =	rddreg [dreg:$0x13];
	[sflag:s9] =	ssyncadd.s32 $0xFFFFE000  }
0x7c: {  	[tilespmem:s12], [sflag:$0x2] =	stream.linear.gather [hbm4b:s4+s1], $0x400, $0x38;
	v63 =	vld [tilespmem:$0x0]  }
0x7d: {  	s4 =	rddreg [dreg:$0x14]  }
0x7e: {  	[tilespmem:s14], [sflag:$0x2] =	stream.linear.gather [hbm4b:s4+s1], $0x400, $0x38;
	v63 =	vld [tilespmem:$0x0]  }
0x7f: {  	_ =	swait.ge [sflag:s15], $0x400  }
0x80: {  	[sflag:s15] =	ssyncset.done $0x0  }
0x81: {  	[sflag:s15] =	ssyncadd.s32 $0xFFFFFC00  }
0x82: {  	_ =	swait.ge [sflag:s15], $0x400  }
0x83: {  	[sflag:s15] =	ssyncset.done $0x0  }
0x84: {  	[sflag:s15] =	ssyncadd.s32 $0xFFFFFC00  }
0x85: {  	[tilespmem:s20], [sflag:$0x4] =	stream.indirect.gather [hbm4b:s30+s12], $0x8, s12, s12, $0xb8;
	v63 =	vld [tilespmem:$0x0]  }
0x86: {  	_ =	swait.ge [sflag:s5], $0x2000  }
0x87: {  	[sflag:s5] =	ssyncset.done $0x0  }
0x88: {  	[sflag:s5] =	ssyncadd.s32 $0xFFFFE000  }
0x89: {  	[spmem:s6] =	stream.indirect.scatter.add.f32 [tilespmem:s13], [sflag:$0x5], $0x8, s10, s12, $0xb8;
	v63 =	vld [tilespmem:$0x0]  }
0x8a: {  	_ =	swait.ge [sflag:s9], $0x2000  }
0x8b: {  	[sflag:s9] =	ssyncset.done $0x0  }
0x8c: {  	[sflag:s9] =	ssyncadd.s32 $0xFFFFE000  }
0x8d: {  	_ =	swait.ge [sflag:s23], $0x2000  }
0x8e: {  	[sflag:s23] =	ssyncset.done $0x0  }
0x8f: {  	[sflag:s23] =	ssyncadd.s32 $0xFFFFE000  }
0x90: {  	[spmem:s6] =	stream.indirect.scatter.add.f32 [tilespmem:s20], [sflag:$0x5], $0x8, s14, s12, $0xb8;
	v63 =	vld [tilespmem:$0x0]  }
0x91: {  	_ =	swait.ge [sflag:s9], $0x2000  }
0x92: {  	[sflag:s9] =	ssyncset.done $0x0  }
0x93: {  	s30 =	rddreg [dreg:$0xd];
	[sflag:s9] =	ssyncadd.s32 $0xFFFFE000  }
0x94: {  	[tilespmem:s1], [sflag:$0x1] =	stream.linear.gather [hbm4b:s30+s1], $0x400, $0x38;
	v63 =	vld [tilespmem:$0x0]  }
0x95: {  	s6 =	rddreg [dreg:$0xe]  }
0x96: {  	[tilespmem:s10], [sflag:$0x1] =	stream.linear.gather [hbm4b:s6+s1], $0x400, $0x38;
	v63 =	vld [tilespmem:$0x0]  }
0x97: {  	_ =	swait.ge [sflag:s11], $0x400  }
0x98: {  	[sflag:s11] =	ssyncset.done $0x0  }
0x99: {  	[sflag:s11] =	ssyncadd.s32 $0xFFFFFC00  }
0x9a: {  	_ =	swait.ge [sflag:s11], $0x400  }
0x9b: {  	[sflag:s11] =	ssyncset.done $0x0  }
0x9c: {  	s6 =	rddreg [dreg:$0x1c];
	[sflag:s11] =	ssyncadd.s32 $0xFFFFFC00  }
0x9d: {  	[tilespmem:s13], [sflag:$0x3] =	stream.indirect.gather [hbm4b:s6+s12], $0x8, s1, s12, $0xb8;
	v63 =	vld [tilespmem:$0x0]  }
0x9e: {  	s30 =	rddreg [dreg:$0xf]  }
0x9f: {  	[tilespmem:s12], [sflag:$0x2] =	stream.linear.gather [hbm4b:s30+s1], $0x400, $0x38;
	v63 =	vld [tilespmem:$0x0]  }
0xa0: {  	s30 =	rddreg [dreg:$0x10]  }
0xa1: {  	[tilespmem:s14], [sflag:$0x2] =	stream.linear.gather [hbm4b:s30+s1], $0x400, $0x38;
	v63 =	vld [tilespmem:$0x0]  }
0xa2: {  	_ =	swait.ge [sflag:s15], $0x400  }
0xa3: {  	[sflag:s15] =	ssyncset.done $0x0  }
0xa4: {  	[sflag:s15] =	ssyncadd.s32 $0xFFFFFC00  }
0xa5: {  	_ =	swait.ge [sflag:s15], $0x400  }
0xa6: {  	[sflag:s15] =	ssyncset.done $0x0  }
0xa7: {  	[sflag:s15] =	ssyncadd.s32 $0xFFFFFC00  }
0xa8: {  	[tilespmem:s20], [sflag:$0x4] =	stream.indirect.gather [hbm4b:s6+s12], $0x8, s12, s12, $0xb8;
	v63 =	vld [tilespmem:$0x0]  }
0xa9: {  	_ =	swait.ge [sflag:s5], $0x2000  }
0xaa: {  	[sflag:s5] =	ssyncset.done $0x0  }
0xab: {  	[sflag:s5] =	ssyncadd.s32 $0xFFFFE000  }
0xac: {  	s30 =	rddreg [dreg:$0x7]  }
0xad: {  	[spmem:s30] =	stream.indirect.scatter.add.f32 [tilespmem:s13], [sflag:$0x5], $0x8, s10, s12, $0xb8;
	v63 =	vld [tilespmem:$0x0]  }
0xae: {  	_ =	swait.ge [sflag:s9], $0x2000  }
0xaf: {  	[sflag:s9] =	ssyncset.done $0x0  }
0xb0: {  	[sflag:s9] =	ssyncadd.s32 $0xFFFFE000  }
0xb1: {  	_ =	swait.ge [sflag:s23], $0x2000  }
0xb2: {  	[sflag:s23] =	ssyncset.done $0x0  }
0xb3: {  	[sflag:s23] =	ssyncadd.s32 $0xFFFFE000  }
0xb4: {  	[spmem:s30] =	stream.indirect.scatter.add.f32 [tilespmem:s20], [sflag:$0x5], $0x8, s14, s12, $0xb8;
	v63 =	vld [tilespmem:$0x0]  }
0xb5: {  	_ =	swait.ge [sflag:s9], $0x2000  }
0xb6: {  	[sflag:s9] =	ssyncset.done $0x0  }
0xb7: {  	[sflag:s9] =	ssyncadd.s32 $0xFFFFE000  }
0xb8: {  	[bflag:$0x0] =	sbarrier.arrive $0xFFFF  }
0xb9: {  	s6 =	sld [smem:$0x7EB]  }
0xba: {  	s30 =	sld [smem:$0x7E0];
	_ =	sdelay $0x2  }
0xbb: {  	[hbm:s6], [sflag:s31] =	dma.local [spmem:s30], $0x278  }
0xbc: {  	_ =	swait.ge [sflag:s9], $0x278  }
0xbd: {  	s6 =	sld [smem:$0x7ED]  }
0xbe: {  	s30 =	sld [smem:$0x7E2]  }
0xbf: {  	[sflag:s9] =	ssyncset.done $0x0  }
0xc0: {  	[sflag:s9] =	ssyncadd.s32 $0xFFFFFD88  }
0xc1: {  	[hbm:s6], [sflag:s31] =	dma.local [spmem:s30], $0x30  }
0xc2: {  	_ =	swait.ge [sflag:s9], $0x30  }
0xc3: {  	s6 =	sld [smem:$0x7EC]  }
0xc4: {  	s30 =	sld [smem:$0x7E1]  }
0xc5: {  	[sflag:s9] =	ssyncset.done $0x0  }
0xc6: {  	[sflag:s9] =	ssyncadd.s32 $0xFFFFFFD0  }
0xc7: {  	[hbm:s6], [sflag:s31] =	dma.local [spmem:s30], $0x278  }
0xc8: {  	_ =	swait.ge [sflag:s9], $0x278  }
0xc9: {  	s6 =	sld [smem:$0x7EE]  }
0xca: {  	s30 =	sld [smem:$0x7E3]  }
0xcb: {  	[sflag:s9] =	ssyncset.done $0x0  }
0xcc: {  	[sflag:s9] =	ssyncadd.s32 $0xFFFFFD88  }
0xcd: {  	[hbm:s6], [sflag:s31] =	dma.local [spmem:s30], $0x30  }
0xce: {  	_ =	swait.ge [sflag:s9], $0x30  }
0xcf: {  	s4 =	sld [smem:$0x7DE]  }
0xd0: {  	s30 =	sld [smem:$0x7EF];
	_ =	sdelay $0x1  }
0xd1: {  	s6 =	sadd.s32 $0x1, s4  }
0xd2: {  	p0 =	sne.s32 s6, s30  }
.Ltmp1:
0xd3: {  	_ = 	snop;
	(pc) =	sbr.rel @!p0 .LBB2_11-.Ltmp1, $3  }
0xd4: {  	_ =	sdelay $0x1  }
0xd5: {  	[sflag:s9] =	ssyncset.done $0x0  }
0xd6: {  	[sflag:s9] =	ssyncadd.s32 $0xFFFFFFD0  }
.LBB2_1:
0xd7: {  	[smem:$0x7DE] =	sst s6  }
0xd8: {  	s4 =	rddreg [dreg:$0x1e]  }
0xd9: {  	s30 =	sshrl.u32 s4, $0x3;
	s4 =	rddreg [dreg:$0x1d]  }
0xda: {  	[smem:$0x7DF] =	sst s30  }
0xdb: {  	[spmem:s30], [sflag:s31] =	dma.local [hbm:s4], $0x1870  }
0xdc: {  	_ =	swait.ge [sflag:s9], $0x1870  }
0xdd: {  	s30 =	sld [smem:$0x7E4];
	_ =	sdelay $0x2  }
0xde: {  	[sflag:s9] =	ssyncset.done $0x0;
	s6 =	sshrl.u32 s30, $0x3  }
0xdf: {  	[sflag:s9] =	ssyncadd.s32 $0xFFFFE790;
	[smem:$0x7E0] =	sst s6  }
0xe0: {  	[spmem:s6], [sflag:s31] =	dma.local [hbm:s4], $0x278  }
0xe1: {  	_ =	swait.ge [sflag:s9], $0x278  }
0xe2: {  	s30 =	sld [smem:$0x7E5];
	_ =	sdelay $0x2  }
0xe3: {  	[sflag:s9] =	ssyncset.done $0x0;
	s6 =	sshrl.u32 s30, $0x3  }
0xe4: {  	[sflag:s9] =	ssyncadd.s32 $0xFFFFFD88;
	[smem:$0x7E1] =	sst s6  }
0xe5: {  	[spmem:s6], [sflag:s31] =	dma.local [hbm:s4], $0x278  }
0xe6: {  	_ =	swait.ge [sflag:s9], $0x278  }
0xe7: {  	s30 =	sld [smem:$0x7E6];
	_ =	sdelay $0x2  }
0xe8: {  	[sflag:s9] =	ssyncset.done $0x0;
	s6 =	sshrl.u32 s30, $0x3  }
0xe9: {  	[sflag:s9] =	ssyncadd.s32 $0xFFFFFD88;
	[smem:$0x7E2] =	sst s6  }
0xea: {  	[spmem:s6], [sflag:s31] =	dma.local [hbm:s4], $0x30  }
0xeb: {  	_ =	swait.ge [sflag:s9], $0x30  }
0xec: {  	s30 =	sld [smem:$0x7E7];
	_ =	sdelay $0x2  }
0xed: {  	[sflag:s9] =	ssyncset.done $0x0;
	s6 =	sshrl.u32 s30, $0x3  }
0xee: {  	[sflag:s9] =	ssyncadd.s32 $0xFFFFFFD0;
	[smem:$0x7E3] =	sst s6  }
0xef: {  	[spmem:s6], [sflag:s31] =	dma.local [hbm:s4], $0x30  }
0xf0: {  	_ =	swait.ge [sflag:s9], $0x30  }
0xf1: {  	s6 =	sld [smem:$0x7F2]  }
0xf2: {  	[sflag:s9] =	ssyncset.done $0x0  }
0xf3: {  	s30 =	sld [smem:$0x7F3];
	[sflag:s9] =	ssyncadd.s32 $0xFFFFFFD0  }
0xf4: {  	[tilespmem:s1], [sflag:$0x1] =	stream.linear.gather [hbm4b:s6+s1], $0x400, $0x38;
	v63 =	vld [tilespmem:$0x0]  }
0xf5: {  	_ = 	snop  }
0xf6: {  	[tilespmem:s10], [sflag:$0x1] =	stream.linear.gather [hbm4b:s30+s1], $0x400, $0x38;
	v63 =	vld [tilespmem:$0x0]  }
0xf7: {  	_ =	swait.ge [sflag:s11], $0x400  }
0xf8: {  	[sflag:s11] =	ssyncset.done $0x0  }
0xf9: {  	[sflag:s11] =	ssyncadd.s32 $0xFFFFFC00  }
0xfa: {  	_ =	swait.ge [sflag:s11], $0x400  }
0xfb: {  	[sflag:s11] =	ssyncset.done $0x0  }
0xfc: {  	s6 =	sld [smem:$0x7F0];
	[sflag:s11] =	ssyncadd.s32 $0xFFFFFC00  }
0xfd: {  	[tilespmem:s13], [sflag:$0x3] =	stream.indirect.gather [hbm4b:s18+s12], $0x8, s1, s12, $0xb8;
	v63 =	vld [tilespmem:$0x0]  }
0xfe: {  	s30 =	sld [smem:$0x7F1]  }
0xff: {  	[tilespmem:s12], [sflag:$0x2] =	stream.linear.gather [hbm4b:s6+s1], $0x400, $0x38;
	v63 =	vld [tilespmem:$0x0]  }
0x100: {  	_ = 	snop  }
0x101: {  	[tilespmem:s14], [sflag:$0x2] =	stream.linear.gather [hbm4b:s30+s1], $0x400, $0x38;
	v63 =	vld [tilespmem:$0x0]  }
0x102: {  	_ =	swait.ge [sflag:s15], $0x400  }
0x103: {  	[sflag:s15] =	ssyncset.done $0x0  }
0x104: {  	[sflag:s15] =	ssyncadd.s32 $0xFFFFFC00  }
0x105: {  	_ =	swait.ge [sflag:s15], $0x400  }
0x106: {  	[sflag:s15] =	ssyncset.done $0x0  }
0x107: {  	[sflag:s15] =	ssyncadd.s32 $0xFFFFFC00  }
0x108: {  	[tilespmem:s20], [sflag:$0x4] =	stream.indirect.gather [hbm4b:s18+s12], $0x8, s12, s12, $0xb8;
	v63 =	vld [tilespmem:$0x0]  }
0x109: {  	_ =	swait.ge [sflag:s5], $0x2000  }
0x10a: {  	[sflag:s5] =	ssyncset.done $0x0  }
0x10b: {  	[sflag:s5] =	ssyncadd.s32 $0xFFFFE000  }
0x10c: {  	[spmem:s19] =	stream.indirect.scatter.add.f32 [tilespmem:s13], [sflag:$0x5], $0x8, s10, s12, $0xb8;
	v63 =	vld [tilespmem:$0x0]  }
0x10d: {  	_ =	swait.ge [sflag:s9], $0x2000  }
0x10e: {  	s6 =	sld [smem:$0x7F4]  }
0x10f: {  	[sflag:s9] =	ssyncset.done $0x0  }
0x110: {  	s30 =	sld [smem:$0x7F5];
	[sflag:s9] =	ssyncadd.s32 $0xFFFFE000  }
0x111: {  	[tilespmem:s1], [sflag:$0x1] =	stream.linear.gather [hbm4b:s6+s1], $0x400, $0x38;
	v63 =	vld [tilespmem:$0x0]  }
0x112: {  	s31 =	simm.s32 $0x0;
	s4 =	sld [smem:$0x7FC]  }
0x113: {  	[tilespmem:s10], [sflag:$0x1] =	stream.linear.gather [hbm4b:s30+s1], $0x400, $0x38;
	v63 =	vld [tilespmem:$0x0]  }
.LBB2_2:
0x114: {  	_ =	swait.ge [sflag:s11], $0x400  }
0x115: {  	[sflag:s11] =	ssyncset.done $0x0  }
0x116: {  	[sflag:s11] =	ssyncadd.s32 $0xFFFFFC00  }
0x117: {  	_ =	swait.ge [sflag:s11], $0x400  }
0x118: {  	[sflag:s11] =	ssyncset.done $0x0  }
0x119: {  	[sflag:s11] =	ssyncadd.s32 $0xFFFFFC00  }
0x11a: {  	[tilespmem:s13], [sflag:$0x3] =	stream.indirect.gather [hbm4b:s18+s12], $0x8, s1, s12, $0xb8;
	v63 =	vld [tilespmem:$0x0]  }
0x11b: {  	_ =	swait.ge [sflag:s23], $0x2000  }
0x11c: {  	[sflag:s23] =	ssyncset.done $0x0  }
0x11d: {  	[sflag:s23] =	ssyncadd.s32 $0xFFFFE000  }
0x11e: {  	[spmem:s19] =	stream.indirect.scatter.add.f32 [tilespmem:s20], [sflag:$0x5], $0x8, s14, s12, $0xb8;
	v63 =	vld [tilespmem:$0x0]  }
0x11f: {  	s30 =	sshrl.u32 s4, $0x3;
	_ =	swait.ge [sflag:s9], $0x2000  }
0x120: {  	s30 =	sor.u32 $0x80, s30;
	[sflag:s9] =	ssyncset.done $0x0  }
0x121: {  	s6 =	sadd.s32 s26, s30;
	[sflag:s9] =	ssyncadd.s32 $0xFFFFE000  }
0x122: {  	[tilespmem:s12], [sflag:$0x2] =	stream.linear.gather [hbm4b:s6+s1], $0x400, $0x38;
	v63 =	vld [tilespmem:$0x0]  }
0x123: {  	s30 =	sadd.s32 s2, s30  }
0x124: {  	[tilespmem:s14], [sflag:$0x2] =	stream.linear.gather [hbm4b:s30+s1], $0x400, $0x38;
	v63 =	vld [tilespmem:$0x0]  }
0x125: {  	_ =	swait.ge [sflag:s15], $0x400  }
0x126: {  	[sflag:s15] =	ssyncset.done $0x0  }
0x127: {  	[sflag:s15] =	ssyncadd.s32 $0xFFFFFC00  }
0x128: {  	_ =	swait.ge [sflag:s15], $0x400  }
0x129: {  	[sflag:s15] =	ssyncset.done $0x0  }
0x12a: {  	[sflag:s15] =	ssyncadd.s32 $0xFFFFFC00  }
0x12b: {  	[tilespmem:s20], [sflag:$0x4] =	stream.indirect.gather [hbm4b:s18+s12], $0x8, s12, s12, $0xb8;
	v63 =	vld [tilespmem:$0x0]  }
0x12c: {  	_ =	swait.ge [sflag:s5], $0x2000  }
0x12d: {  	p0 =	seq.s32 s31, $0x2F00;
	[sflag:s5] =	ssyncset.done $0x0  }
.Ltmp2:
0x12e: {  	[sflag:s5] =	ssyncadd.s32 $0xFFFFE000;
	(pc) =	sbr.rel @p0 .LBB2_4-.Ltmp2, $4  }
0x12f: {  	[spmem:s19] =	stream.indirect.scatter.add.f32 [tilespmem:s13], [sflag:$0x5], $0x8, s10, s12, $0xb8;
	v63 =	vld [tilespmem:$0x0]  }
0x130: {  	_ =	swait.ge [sflag:s9], $0x2000  }
0x131: {  	[sflag:s9] =	ssyncset.done $0x0  }
0x132: {  	[sflag:s9] =	ssyncadd.s32 $0xFFFFE000  }
.Ltmp3:
0x133: {  	(pc) =	sbr.rel .LBB2_2-.Ltmp3, $4  }
0x134: {  	s6 =	sadd.s32 s31, s17  }
0x135: {  	[tilespmem:s1], [sflag:$0x1] =	stream.linear.gather [hbm4b:s6+s1], $0x400, $0x38;
	v63 =	vld [tilespmem:$0x0]  }
0x136: {  	s30 =	sadd.s32 s31, s16;
	s31 =	sadd.s32 $0x100, s31;
	s4 =	sadd.s32 $0x800, s4  }
0x137: {  	[tilespmem:s10], [sflag:$0x1] =	stream.linear.gather [hbm4b:s30+s1], $0x400, $0x38;
	v63 =	vld [tilespmem:$0x0]  }
.LBB2_4:
0x138: {  	_ =	swait.ge [sflag:s23], $0x2000  }
0x139: {  	[sflag:s23] =	ssyncset.done $0x0  }
0x13a: {  	[sflag:s23] =	ssyncadd.s32 $0xFFFFE000  }
0x13b: {  	[spmem:s19] =	stream.indirect.scatter.add.f32 [tilespmem:s20], [sflag:$0x5], $0x8, s14, s12, $0xb8;
	v63 =	vld [tilespmem:$0x0]  }
0x13c: {  	_ =	swait.ge [sflag:s9], $0x2000  }
0x13d: {  	[sflag:s9] =	ssyncset.done $0x0  }
0x13e: {  	[sflag:s9] =	ssyncadd.s32 $0xFFFFE000  }
0x13f: {  	[bflag:$0x0] =	sbarrier.arrive $0xFFFF  }
0x140: {  	s6 =	sld [smem:$0x7E8]  }
0x141: {  	s30 =	sld [smem:$0x7DF];
	_ =	sdelay $0x1  }
0x142: {  	s4 =	rddreg [dreg:$0x1f]  }
0x143: {  	[hbm:s6], [sflag:s4] =	dma.local [spmem:s30], $0x1870  }
0x144: {  	_ =	swait.ge [sflag:s9], $0x1870  }
0x145: {  	[sflag:s9] =	ssyncset.done $0x0  }
0x146: {  	[sflag:s9] =	ssyncadd.s32 $0xFFFFE790  }
0x147: {  	[bflag:$0x0] =	sbarrier.arrive $0xFFFF  }
0x148: {  	s6 =	sld [smem:$0x7E9];
	_ =	sdelay $0x2  }
0x149: {  	[spmem:s30], [sflag:s4] =	dma.local [hbm:s6], $0x1870  }
0x14a: {  	_ =	swait.ge [sflag:s9], $0x1870  }
0x14b: {  	[sflag:s9] =	ssyncset.done $0x0  }
0x14c: {  	[sflag:s9] =	ssyncadd.s32 $0xFFFFE790  }
0x14d: {  	[bflag:$0x0] =	sbarrier.arrive $0xFFFF  }
0x14e: {  	s30 =	sld [smem:$0x7F8];
	_ =	sdelay $0x1  }
0x14f: {  	s4 =	simm.s32 $0x0  }
0x150: {  	[tilespmem:s4], [sflag:$0x1] =	stream.linear.gather [hbm4b:s30+s4], $0x400, $0x38;
	v63 =	vld [tilespmem:$0x0]  }
0x151: {  	s30 =	sld [smem:$0x7F9];
	_ =	sdelay $0x2  }
0x152: {  	[tilespmem:s10], [sflag:$0x1] =	stream.linear.gather [hbm4b:s30+s4], $0x400, $0x38;
	v63 =	vld [tilespmem:$0x0]  }
0x153: {  	_ =	swait.ge [sflag:s11], $0x400  }
0x154: {  	[sflag:s11] =	ssyncset.done $0x0  }
0x155: {  	[sflag:s11] =	ssyncadd.s32 $0xFFFFFC00  }
0x156: {  	_ =	swait.ge [sflag:s11], $0x400  }
0x157: {  	[sflag:s11] =	ssyncset.done $0x0  }
0x158: {  	s30 =	sld [smem:$0x7F6];
	[sflag:s11] =	ssyncadd.s32 $0xFFFFFC00  }
0x159: {  	[tilespmem:s13], [sflag:$0x3] =	stream.indirect.gather [spmem:s19], $0x8, s4, s12, $0xb8;
	v63 =	vld [tilespmem:$0x0]  }
0x15a: {  	_ = 	snop  }
0x15b: {  	[tilespmem:s12], [sflag:$0x2] =	stream.linear.gather [hbm4b:s30+s4], $0x400, $0x38;
	v63 =	vld [tilespmem:$0x0]  }
0x15c: {  	s30 =	sld [smem:$0x7F7];
	_ =	sdelay $0x2  }
0x15d: {  	[tilespmem:s14], [sflag:$0x2] =	stream.linear.gather [hbm4b:s30+s4], $0x400, $0x38;
	v63 =	vld [tilespmem:$0x0]  }
0x15e: {  	_ =	swait.ge [sflag:s15], $0x400  }
0x15f: {  	[sflag:s15] =	ssyncset.done $0x0  }
0x160: {  	[sflag:s15] =	ssyncadd.s32 $0xFFFFFC00  }
0x161: {  	_ =	swait.ge [sflag:s15], $0x400  }
0x162: {  	[sflag:s15] =	ssyncset.done $0x0  }
0x163: {  	[sflag:s15] =	ssyncadd.s32 $0xFFFFFC00  }
0x164: {  	[tilespmem:s20], [sflag:$0x4] =	stream.indirect.gather [spmem:s19], $0x8, s12, s12, $0xb8;
	v63 =	vld [tilespmem:$0x0]  }
0x165: {  	_ =	swait.ge [sflag:s5], $0x2000  }
0x166: {  	[sflag:s5] =	ssyncset.done $0x0  }
0x167: {  	[sflag:s5] =	ssyncadd.s32 $0xFFFFE000  }
0x168: {  	[spmem:s22] =	stream.indirect.scatter.add.f32 [tilespmem:s13], [sflag:$0x5], $0x8, s10, s12, $0xb8;
	v63 =	vld [tilespmem:$0x0]  }
0x169: {  	_ =	swait.ge [sflag:s9], $0x2000  }
0x16a: {  	s30 =	sld [smem:$0x7FA]  }
0x16b: {  	[sflag:s9] =	ssyncset.done $0x0  }
0x16c: {  	[sflag:s9] =	ssyncadd.s32 $0xFFFFE000  }
0x16d: {  	[tilespmem:s4], [sflag:$0x1] =	stream.linear.gather [hbm4b:s30+s4], $0x400, $0x38;
	v63 =	vld [tilespmem:$0x0]  }
0x16e: {  	s30 =	sld [smem:$0x7FB];
	_ =	sdelay $0x1  }
0x16f: {  	s31 =	sld [smem:$0x7FD]  }
0x170: {  	[tilespmem:s10], [sflag:$0x1] =	stream.linear.gather [hbm4b:s30+s4], $0x400, $0x38;
	v63 =	vld [tilespmem:$0x0]  }
.LBB2_5:
0x171: {  	_ =	swait.ge [sflag:s11], $0x400  }
0x172: {  	[sflag:s11] =	ssyncset.done $0x0  }
0x173: {  	[sflag:s11] =	ssyncadd.s32 $0xFFFFFC00  }
0x174: {  	_ =	swait.ge [sflag:s11], $0x400  }
0x175: {  	[sflag:s11] =	ssyncset.done $0x0  }
0x176: {  	[sflag:s11] =	ssyncadd.s32 $0xFFFFFC00  }
0x177: {  	[tilespmem:s13], [sflag:$0x3] =	stream.indirect.gather [spmem:s19], $0x8, s1, s12, $0xb8;
	v63 =	vld [tilespmem:$0x0]  }
0x178: {  	_ =	swait.ge [sflag:s23], $0x2000  }
0x179: {  	[sflag:s23] =	ssyncset.done $0x0  }
0x17a: {  	[sflag:s23] =	ssyncadd.s32 $0xFFFFE000  }
0x17b: {  	[spmem:s22] =	stream.indirect.scatter.add.f32 [tilespmem:s20], [sflag:$0x5], $0x8, s14, s12, $0xb8;
	v63 =	vld [tilespmem:$0x0]  }
0x17c: {  	s6 =	sshrl.u32 s31, $0x3;
	_ =	swait.ge [sflag:s9], $0x2000  }
0x17d: {  	s6 =	sor.u32 $0x80, s6;
	[sflag:s9] =	ssyncset.done $0x0  }
0x17e: {  	s30 =	sadd.s32 s0, s6;
	[sflag:s9] =	ssyncadd.s32 $0xFFFFE000  }
0x17f: {  	[tilespmem:s12], [sflag:$0x2] =	stream.linear.gather [hbm4b:s30+s1], $0x400, $0x38;
	v63 =	vld [tilespmem:$0x0]  }
0x180: {  	s6 =	sadd.s32 s3, s6  }
0x181: {  	[tilespmem:s14], [sflag:$0x2] =	stream.linear.gather [hbm4b:s6+s1], $0x400, $0x38;
	v63 =	vld [tilespmem:$0x0]  }
0x182: {  	_ =	swait.ge [sflag:s15], $0x400  }
0x183: {  	[sflag:s15] =	ssyncset.done $0x0  }
0x184: {  	[sflag:s15] =	ssyncadd.s32 $0xFFFFFC00  }
0x185: {  	_ =	swait.ge [sflag:s15], $0x400  }
0x186: {  	[sflag:s15] =	ssyncset.done $0x0  }
0x187: {  	[sflag:s15] =	ssyncadd.s32 $0xFFFFFC00  }
0x188: {  	[tilespmem:s20], [sflag:$0x4] =	stream.indirect.gather [spmem:s19], $0x8, s12, s12, $0xb8;
	v63 =	vld [tilespmem:$0x0]  }
0x189: {  	_ =	swait.ge [sflag:s5], $0x2000  }
0x18a: {  	p0 =	seq.s32 s4, $0x1700;
	[sflag:s5] =	ssyncset.done $0x0  }
.Ltmp4:
0x18b: {  	[sflag:s5] =	ssyncadd.s32 $0xFFFFE000;
	(pc) =	sbr.rel @p0 .LBB2_7-.Ltmp4, $4  }
0x18c: {  	[spmem:s22] =	stream.indirect.scatter.add.f32 [tilespmem:s13], [sflag:$0x5], $0x8, s10, s12, $0xb8;
	v63 =	vld [tilespmem:$0x0]  }
0x18d: {  	_ =	swait.ge [sflag:s9], $0x2000  }
0x18e: {  	[sflag:s9] =	ssyncset.done $0x0  }
0x18f: {  	[sflag:s9] =	ssyncadd.s32 $0xFFFFE000  }
.Ltmp5:
0x190: {  	(pc) =	sbr.rel .LBB2_5-.Ltmp5, $4  }
0x191: {  	s6 =	sadd.s32 s4, s29  }
0x192: {  	[tilespmem:s1], [sflag:$0x1] =	stream.linear.gather [hbm4b:s6+s1], $0x400, $0x38;
	v63 =	vld [tilespmem:$0x0]  }
0x193: {  	s30 =	sadd.s32 s4, s21;
	s4 =	sadd.s32 $0x100, s4;
	s31 =	sadd.s32 $0x800, s31  }
0x194: {  	[tilespmem:s10], [sflag:$0x1] =	stream.linear.gather [hbm4b:s30+s1], $0x400, $0x38;
	v63 =	vld [tilespmem:$0x0]  }
.LBB2_7:
0x195: {  	_ =	swait.ge [sflag:s23], $0x2000  }
0x196: {  	[sflag:s23] =	ssyncset.done $0x0  }
0x197: {  	[sflag:s23] =	ssyncadd.s32 $0xFFFFE000  }
0x198: {  	[spmem:s22] =	stream.indirect.scatter.add.f32 [tilespmem:s20], [sflag:$0x5], $0x8, s14, s12, $0xb8;
	v63 =	vld [tilespmem:$0x0]  }
0x199: {  	_ =	swait.ge [sflag:s9], $0x2000  }
0x19a: {  	[sflag:s9] =	ssyncset.done $0x0  }
0x19b: {  	[sflag:s9] =	ssyncadd.s32 $0xFFFFE000  }
0x19c: {  	[bflag:$0x0] =	sbarrier.arrive $0xFFFF  }
0x19d: {  	s4 =	sld [smem:$0x7EA]  }
0x19e: {  	s6 =	sld [smem:$0x7DF];
	_ =	sdelay $0x1  }
0x19f: {  	s31 =	rddreg [dreg:$0x1f]  }
0x1a0: {  	[spmem:s6], [sflag:s31] =	dma.local [hbm:s4], $0x1870  }
0x1a1: {  	_ =	swait.ge [sflag:s9], $0x1870  }
0x1a2: {  	[sflag:s9] =	ssyncset.done $0x0  }
0x1a3: {  	[sflag:s9] =	ssyncadd.s32 $0xFFFFE790  }
0x1a4: {  	[bflag:$0x0] =	sbarrier.arrive $0xFFFF  }
0x1a5: {  	s4 =	simm.s32 $0x0;
	s30 =	rddreg [dreg:$0x17]  }
0x1a6: {  	[tilespmem:s4], [sflag:$0x1] =	stream.linear.gather [hbm4b:s30+s4], $0x400, $0x38;
	v63 =	vld [tilespmem:$0x0]  }
0x1a7: {  	s30 =	rddreg [dreg:$0x18]  }
0x1a8: {  	[tilespmem:s10], [sflag:$0x1] =	stream.linear.gather [hbm4b:s30+s4], $0x400, $0x38;
	v63 =	vld [tilespmem:$0x0]  }
0x1a9: {  	_ =	swait.ge [sflag:s11], $0x400  }
0x1aa: {  	[sflag:s11] =	ssyncset.done $0x0  }
0x1ab: {  	[sflag:s11] =	ssyncadd.s32 $0xFFFFFC00  }
0x1ac: {  	_ =	swait.ge [sflag:s11], $0x400  }
0x1ad: {  	[sflag:s11] =	ssyncset.done $0x0  }
0x1ae: {  	[sflag:s11] =	ssyncadd.s32 $0xFFFFFC00  }
0x1af: {  	[tilespmem:s13], [sflag:$0x3] =	stream.indirect.gather [spmem:s19], $0x8, s4, s12, $0xb8;
	v63 =	vld [tilespmem:$0x0]  }
0x1b0: {  	s30 =	rddreg [dreg:$0x15]  }
0x1b1: {  	[tilespmem:s12], [sflag:$0x2] =	stream.linear.gather [hbm4b:s30+s4], $0x400, $0x38;
	v63 =	vld [tilespmem:$0x0]  }
0x1b2: {  	s30 =	rddreg [dreg:$0x16]  }
0x1b3: {  	[tilespmem:s14], [sflag:$0x2] =	stream.linear.gather [hbm4b:s30+s4], $0x400, $0x38;
	v63 =	vld [tilespmem:$0x0]  }
0x1b4: {  	_ =	swait.ge [sflag:s15], $0x400  }
0x1b5: {  	[sflag:s15] =	ssyncset.done $0x0  }
0x1b6: {  	[sflag:s15] =	ssyncadd.s32 $0xFFFFFC00  }
0x1b7: {  	_ =	swait.ge [sflag:s15], $0x400  }
0x1b8: {  	[sflag:s15] =	ssyncset.done $0x0  }
0x1b9: {  	[sflag:s15] =	ssyncadd.s32 $0xFFFFFC00  }
0x1ba: {  	[tilespmem:s20], [sflag:$0x4] =	stream.indirect.gather [spmem:s19], $0x8, s12, s12, $0xb8;
	v63 =	vld [tilespmem:$0x0]  }
0x1bb: {  	_ =	swait.ge [sflag:s5], $0x2000  }
0x1bc: {  	[sflag:s5] =	ssyncset.done $0x0  }
0x1bd: {  	[sflag:s5] =	ssyncadd.s32 $0xFFFFE000  }
0x1be: {  	[spmem:s28] =	stream.indirect.scatter.add.f32 [tilespmem:s13], [sflag:$0x5], $0x8, s10, s12, $0xb8;
	v63 =	vld [tilespmem:$0x0]  }
0x1bf: {  	_ =	swait.ge [sflag:s9], $0x2000  }
0x1c0: {  	[sflag:s9] =	ssyncset.done $0x0  }
0x1c1: {  	s30 =	rddreg [dreg:$0x19];
	[sflag:s9] =	ssyncadd.s32 $0xFFFFE000  }
0x1c2: {  	[tilespmem:s4], [sflag:$0x1] =	stream.linear.gather [hbm4b:s30+s4], $0x400, $0x38;
	v63 =	vld [tilespmem:$0x0]  }
0x1c3: {  	s30 =	rddreg [dreg:$0x1a]  }
0x1c4: {  	[tilespmem:s10], [sflag:$0x1] =	stream.linear.gather [hbm4b:s30+s4], $0x400, $0x38;
	v63 =	vld [tilespmem:$0x0]  }
.LBB2_8:
0x1c5: {  	_ =	swait.ge [sflag:s11], $0x400  }
0x1c6: {  	[sflag:s11] =	ssyncset.done $0x0  }
0x1c7: {  	[sflag:s11] =	ssyncadd.s32 $0xFFFFFC00  }
0x1c8: {  	_ =	swait.ge [sflag:s11], $0x400  }
0x1c9: {  	[sflag:s11] =	ssyncset.done $0x0  }
0x1ca: {  	[sflag:s11] =	ssyncadd.s32 $0xFFFFFC00  }
0x1cb: {  	[tilespmem:s13], [sflag:$0x3] =	stream.indirect.gather [spmem:s19], $0x8, s1, s12, $0xb8;
	v63 =	vld [tilespmem:$0x0]  }
0x1cc: {  	_ =	swait.ge [sflag:s23], $0x2000  }
0x1cd: {  	[sflag:s23] =	ssyncset.done $0x0  }
0x1ce: {  	[sflag:s23] =	ssyncadd.s32 $0xFFFFE000  }
0x1cf: {  	[spmem:s28] =	stream.indirect.scatter.add.f32 [tilespmem:s20], [sflag:$0x5], $0x8, s14, s12, $0xb8;
	v63 =	vld [tilespmem:$0x0]  }
0x1d0: {  	_ =	swait.ge [sflag:s9], $0x2000  }
0x1d1: {  	[sflag:s9] =	ssyncset.done $0x0  }
0x1d2: {  	s6 =	sadd.s32 s4, s7;
	[sflag:s9] =	ssyncadd.s32 $0xFFFFE000  }
0x1d3: {  	[tilespmem:s12], [sflag:$0x2] =	stream.linear.gather [hbm4b:s6+s1], $0x400, $0x38;
	v63 =	vld [tilespmem:$0x0]  }
0x1d4: {  	s30 =	sadd.s32 s4, s8  }
0x1d5: {  	[tilespmem:s14], [sflag:$0x2] =	stream.linear.gather [hbm4b:s30+s1], $0x400, $0x38;
	v63 =	vld [tilespmem:$0x0]  }
0x1d6: {  	_ =	swait.ge [sflag:s15], $0x400  }
0x1d7: {  	[sflag:s15] =	ssyncset.done $0x0  }
0x1d8: {  	[sflag:s15] =	ssyncadd.s32 $0xFFFFFC00  }
0x1d9: {  	_ =	swait.ge [sflag:s15], $0x400  }
0x1da: {  	[sflag:s15] =	ssyncset.done $0x0  }
0x1db: {  	[sflag:s15] =	ssyncadd.s32 $0xFFFFFC00  }
0x1dc: {  	[tilespmem:s20], [sflag:$0x4] =	stream.indirect.gather [spmem:s19], $0x8, s12, s12, $0xb8;
	v63 =	vld [tilespmem:$0x0]  }
0x1dd: {  	_ =	swait.ge [sflag:s5], $0x2000  }
0x1de: {  	p0 =	seq.s32 s4, $0xE00;
	[sflag:s5] =	ssyncset.done $0x0  }
.Ltmp6:
0x1df: {  	[sflag:s5] =	ssyncadd.s32 $0xFFFFE000;
	(pc) =	sbr.rel @p0 .LBB2_10-.Ltmp6, $4  }
0x1e0: {  	[spmem:s28] =	stream.indirect.scatter.add.f32 [tilespmem:s13], [sflag:$0x5], $0x8, s10, s12, $0xb8;
	v63 =	vld [tilespmem:$0x0]  }
0x1e1: {  	_ =	swait.ge [sflag:s9], $0x2000  }
0x1e2: {  	[sflag:s9] =	ssyncset.done $0x0  }
0x1e3: {  	[sflag:s9] =	ssyncadd.s32 $0xFFFFE000  }
.Ltmp7:
0x1e4: {  	(pc) =	sbr.rel .LBB2_8-.Ltmp7, $4  }
0x1e5: {  	s6 =	sadd.s32 s4, s25  }
0x1e6: {  	[tilespmem:s1], [sflag:$0x1] =	stream.linear.gather [hbm4b:s6+s1], $0x400, $0x38;
	v63 =	vld [tilespmem:$0x0]  }
0x1e7: {  	s30 =	sadd.s32 s4, s24;
	s4 =	sadd.s32 $0x100, s4  }
0x1e8: {  	[tilespmem:s10], [sflag:$0x1] =	stream.linear.gather [hbm4b:s30+s1], $0x400, $0x38;
	v63 =	vld [tilespmem:$0x0]  }
.LBB2_11:
0x1e9: {  	_ =	sfence.sel $0x180000  }
0x1ea: {  	[bflag:$0x0] =	sbarrier.arrive $0xFFFF  }
0x1eb: {  	_ =	strace $0x9000004A  }
0x1ec: {  	s0 =	stileid.u32;
	[bflag:$0x2] =	sbarrier.arrive $0xFFFF  }
0x1ed: {  	p0 =	sne.s32 s0, $0x0;
	s0 =	rddreg [dreg:$0x8]  }
0x1ee: {  	s0 =	sadd.s32 @!p0 $0x100000, s0  }
0x1ef: {  	[sflag:s0] =	ssyncadd.tile.s32 @!p0 $0x1;
	_ =	shalt  }
.Lfunc_end2:
_tile_overlayer_lowered:
.L_overlay_start_2:
0x1f0: {  	(tag) =	ssettag $0x2  }
0x1f1: {  	s0 =	rddreg [dreg:$0x0];
	s2 =	stileid.u32  }
0x1f2: {  	s1 =	rddreg [dreg:$0x1];
	p0 =	sne.s32 s2, $0x0  }
0x1f3: {  	s3 =	rddreg [dreg:$0x2];
	[bflag:$0x3] =	sbarrier.arrive $0xFFFF;
	s2 =	simm.s32 @!p0 $0x1C05  }
0x1f4: {  	[timem:s3], [sflag:s2] =	dma.local @!p0 [hbm:s0], s1  }
0x1f5: {  	s0 =	simm.s32 @!p0 $0x5  }
0x1f6: {  	_ =	swait.ge @!p0 [sflag:s0], s1  }
0x1f7: {  	s1 =	ssub.s32 @!p0 $0x0, s1;
	[sflag:s0] =	ssyncset.done @!p0 $0x0  }
0x1f8: {  	[sflag:s0] =	ssyncadd.s32 @!p0 s1  }
0x1f9: {  	[bflag:$0x3] =	sbarrier.arrive $0xFFFF  }
0x1fa: {  	_ =	shalt  }

// kernel: kernel.9.cloned.1.call-start
scs
__scs_entry_jumppad:
0x0: {  	(pc) =	sbr.rel $0x88, $3  }
0x1: {  	(tag) =	ssettag $0x0;
	lr =	simm.s32 $0x1  }
0x2: {  	[smem:$0x3F8B] =	sst lr;
	_ =	strace $0xD0000000  }
0x3: {  	_ = 	snop  }
0x4: {  	_ = 	snop  }
0x5: {  	_ = 	snop  }
0x6: {  	_ = 	snop  }
0x7: {  	_ = 	snop  }
__scs_overlays_trampoline_lowered:
0x8: {  	[smem:$0x3F9A] =	sst s0  }
0x9: {  	[smem:$0x3F9B] =	sst s1  }
0xa: {  	[smem:$0x3F9C] =	sst s2  }
0xb: {  	[smem:$0x3F9D] =	sst s3  }
0xc: {  	[smem:$0x3F9E] =	sst s4  }
0xd: {  	[smem:$0x3F9F] =	sst s5  }
0xe: {  	[smem:$0x3FA0] =	sst s6  }
0xf: {  	[smem:$0x3FA1] =	sst s7  }
0x10: {  	[smem:$0x3FA2] =	sst s8  }
0x11: {  	[smem:$0x3FA3] =	sst s9;
	s0 =	simm.s32 @!p0 $0x0  }
0x12: {  	s1 =	sld [smem:$0x3F89];
	s0 =	simm.s32 @p0 $0x1  }
0x13: {  	[smem:$0x3FA4] =	sst s0;
	s0 =	simm.s32 @!p1 $0x0  }
0x14: {  	s2 =	sld [smem:$0x3F88];
	s0 =	simm.s32 @p1 $0x1  }
0x15: {  	[smem:$0x3FA5] =	sst s0;
	s0 =	simm.s32 @!p2 $0x0  }
0x16: {  	s3 =	sld [smem:$0x3FDB];
	s0 =	simm.s32 @p2 $0x1  }
0x17: {  	s4 =	simm.s32 $0x1BF5;
	[smem:$0x3FA7] =	sst s0  }
0x18: {  	s0 =	sld [smem:$0x3F8A];
	_ =	swait.ge [sflag:s4], $0x0  }
0x19: {  	s7 =	sld [smem:$0x3F8B]  }
0x1a: {  	s8 =	sadd.s32 $0xFFFFE003, lr  }
0x1b: {  	s9 =	sadd.s32 $0xFFFFFEF7, lr;
	s5 =	simm.s32 $0xFFFFFFFF;
	p2 =	slt.u32 s8, $0xFFFFF086  }
0x1c: {  	p1 =	slt.u32 s9, $0xF7A;
	s5 =	simm.s32 @!p2 $0x0  }
0x1d: {  	s5 =	simm.s32 @p1 $0x1;
	p0 =	seq.s32 s7, s2  }
0x1e: {  	s7 =	smul.u32 @!p0 $0xF7A, s2;
	p2 =	seq.s32 @!p0 s5, $0x0  }
0x1f: {  	s9 =	smul.u32 $0xF7A, s1;
	s8 =	simm.s32 @!p0 $0x1BF5;
	p2 =	por !p2, p0  }
0x20: {  	[sflag:s8] =	ssyncset.s32 @!p0 $0xFFFFF086;
	s6 =	sadd.s32 @!p0 s3, s7;
	s7 =	simm.s32 @!p0 $0x108  }
0x21: {  	s3 =	sadd.s32 s3, s9;
	s6 =	sadd.s32 @!p0 $0x88, s6;
	s7 =	simm.s32 @p2 $0x1082  }
0x22: {  	[simem:s7], [sflag:s8] =	dma.local @!p0 [hbm:s6], $0xF7A  }
0x23: {  	s9 =	sor.u32 $0xD0000000, s2;
	s6 =	simm.s32 $0x108;
	_ =	swait.ge @!p0 [sflag:s8], $0x0  }
0x24: {  	s3 =	sadd.s32 $0x88, s3;
	s6 =	simm.s32 @!p1 $0x1082;
	[sflag:s4] =	ssyncset.s32 $0xFFFFF086  }
0x25: {  	[simem:s6], [sflag:s4] =	dma.local [hbm:s3], $0xF7A  }
0x26: {  	[smem:$0x3F8B] =	sst s1;
	(tag) =	ssettag s2;
	_ =	strace s9  }
0x27: {  	s1 =	sld [smem:$0x3F9B]  }
0x28: {  	s2 =	sld [smem:$0x3F9C]  }
0x29: {  	s4 =	sld [smem:$0x3F9E]  }
0x2a: {  	p0 =	seq.s32 s5, $0x0;
	s5 =	sld [smem:$0x3F9F]  }
0x2b: {  	s6 =	sld [smem:$0x3FA0]  }
0x2c: {  	s7 =	sld [smem:$0x3FA1]  }
0x2d: {  	s3 =	simm.s32 $0x108;
	s8 =	sld [smem:$0x3FA2]  }
0x2e: {  	s3 =	simm.s32 @!p0 $0x1082;
	s9 =	sld [smem:$0x3FA3]  }
0x2f: {  	lr =	sadd.s32 s0, s3;
	s0 =	sld [smem:$0x3F9A]  }
0x30: {  	s3 =	sld [smem:$0x3F9D]  }
0x31: {  	[smem:$0x3FA6] =	sst s10  }
0x32: {  	s10 =	sld [smem:$0x3FA4];
	_ =	sdelay $0x3  }
0x33: {  	p0 =	seq.s32 s10, $0x1;
	s10 =	sld [smem:$0x3FA6];
	_ =	sdelay $0x3  }
0x34: {  	[smem:$0x3FA6] =	sst s10  }
0x35: {  	s10 =	sld [smem:$0x3FA5];
	_ =	sdelay $0x3  }
0x36: {  	p1 =	seq.s32 s10, $0x1;
	s10 =	sld [smem:$0x3FA6];
	_ =	sdelay $0x3  }
0x37: {  	[smem:$0x3FA6] =	sst s10  }
0x38: {  	s10 =	sld [smem:$0x3FA7]  }
0x39: {  	_ = 	snop;
	(pc) =	sbr.ind lr, $3  }
0x3a: {  	_ = 	snop  }
0x3b: {  	_ = 	snop  }
0x3c: {  	p2 =	seq.s32 s10, $0x1;
	s10 =	sld [smem:$0x3FA6]  }
0x3d: {  	_ =	shalt  }
0x3e: {  	_ =	shalt  }
0x3f: {  	_ =	shalt  }
0x40: {  	_ =	shalt  }
0x41: {  	_ =	shalt  }
0x42: {  	_ =	shalt  }
0x43: {  	_ =	shalt  }
0x44: {  	_ =	shalt  }
0x45: {  	_ =	shalt  }
0x46: {  	_ =	shalt  }
0x47: {  	_ =	shalt  }
0x48: {  	_ =	shalt  }
0x49: {  	_ =	shalt  }
0x4a: {  	_ =	shalt  }
0x4b: {  	_ =	shalt  }
0x4c: {  	_ =	shalt  }
0x4d: {  	_ =	shalt  }
0x4e: {  	_ =	shalt  }
0x4f: {  	_ =	shalt  }
0x50: {  	_ =	shalt  }
0x51: {  	_ =	shalt  }
0x52: {  	_ =	shalt  }
0x53: {  	_ =	shalt  }
0x54: {  	_ =	shalt  }
0x55: {  	_ =	shalt  }
0x56: {  	_ =	shalt  }
0x57: {  	_ =	shalt  }
0x58: {  	_ =	shalt  }
0x59: {  	_ =	shalt  }
0x5a: {  	_ =	shalt  }
0x5b: {  	_ =	shalt  }
0x5c: {  	_ =	shalt  }
0x5d: {  	_ =	shalt  }
0x5e: {  	_ =	shalt  }
0x5f: {  	_ =	shalt  }
0x60: {  	_ =	shalt  }
0x61: {  	_ =	shalt  }
0x62: {  	_ =	shalt  }
0x63: {  	_ =	shalt  }
0x64: {  	_ =	shalt  }
0x65: {  	_ =	shalt  }
0x66: {  	_ =	shalt  }
0x67: {  	_ =	shalt  }
0x68: {  	_ =	shalt  }
0x69: {  	_ =	shalt  }
0x6a: {  	_ =	shalt  }
0x6b: {  	_ =	shalt  }
0x6c: {  	_ =	shalt  }
0x6d: {  	_ =	shalt  }
0x6e: {  	_ =	shalt  }
0x6f: {  	_ =	shalt  }
0x70: {  	_ =	shalt  }
0x71: {  	_ =	shalt  }
0x72: {  	_ =	shalt  }
0x73: {  	_ =	shalt  }
0x74: {  	_ =	shalt  }
0x75: {  	_ =	shalt  }
0x76: {  	_ =	shalt  }
0x77: {  	_ =	shalt  }
0x78: {  	_ =	shalt  }
0x79: {  	_ =	shalt  }
0x7a: {  	_ =	shalt  }
0x7b: {  	_ =	shalt  }
0x7c: {  	_ =	shalt  }
0x7d: {  	_ =	shalt  }
0x7e: {  	_ =	shalt  }
0x7f: {  	_ =	shalt  }
0x80: {  	_ =	shalt  }
0x81: {  	_ =	shalt  }
0x82: {  	_ =	shalt  }
0x83: {  	_ =	shalt  }
0x84: {  	_ =	shalt  }
0x85: {  	_ =	shalt  }
0x86: {  	_ =	shalt  }
0x87: {  	_ =	shalt  }
.Lfunc_end0:
.L_simem_size_0:
called_computation_lowered:
.L_overlay_start_0:
0x88: {  	s2 =	sld [smem:$0x3FD9]  }
0x89: {  	s3 =	sld [smem:$0x3FFE];
	_ =	sdelay $0x1  }
0x8a: {  	s1 =	srdreg.scid  }
0x8b: {  	s0 =	sand.u32 $0x1, s1  }
0x8c: {  	s14 =	sshll.u32 s0, $0xA;
	s2 =	sadd.s32 s3, s2  }
0x8d: {  	s2 =	sadd.s32 s2, s14  }
0x8e: {  	[smem:$0x3FB2] =	sst s2  }
0x8f: {  	_ = 	snop  }
0x90: {  	s2 =	sld [smem:$0x3FD0];
	_ =	sdelay $0x2  }
0x91: {  	s15 =	simm.s32 $0xA;
	s4 =	simm.s32 $0x10  }
0x92: {  	[smem:s4], [sflag:s15] =	dma.local [hbm:s2], $0x1  }
0x93: {  	_ =	swait.eq [sflag:s15], $0x1  }
0x94: {  	[sflag:s15] =	ssyncset.done $0x0  }
0x95: {  	[sflag:s15] =	ssyncadd.s32 $0xFFFFFFFF  }
0x96: {  	s16 =	sld [smem:$0x11];
	(tm) =	ssettm $0x1  }
0x97: {  	s17 =	sld [smem:$0x3FFB];
	_ =	sdelay $0x3  }
0x98: {  	_ =	strace s17  }
0x99: {  	s3 =	sld [smem:$0x3FFC];
	_ =	sdelay $0x3  }
0x9a: {  	_ =	strace s3  }
0x9b: {  	s3 =	sld [smem:$0x3FFD];
	_ =	sdelay $0x3  }
0x9c: {  	_ =	strace s3  }
0x9d: {  	_ =	strace $0x8FFFFFFF  }
0x9e: {  	s18 =	sld [smem:$0x3FDB];
	_ =	sdelay $0x1  }
0x9f: {  	s19 =	simm.s32 $_scs_section_size  }
0xa0: {  	s5 =	simm.s32 $_size__tile_overlayer_lowered;
	s6 =	simm.s32 $_tile_overlayer_lowered  }
0xa1: {  	s22 =	simm.s32 $0x1BFF;
	s21 =	sshll.u32 s6, $0x1;
	s3 =	sadd.s32 s19, s18  }
0xa2: {  	s7 =	simm.s32 $0x0;
	s20 =	sshll.u32 s5, $0x1;
	s5 =	sadd.s32 s21, s3  }
0xa3: {  	[timem:s7], [sflag:s22] =	dma.local [hbm:s5], s20  }
0xa4: {  	_ =	swait.ge [sflag:s22], s20  }
0xa5: {  	s4 =	ssub.s32 $0x0, s20;
	[sflag:s22] =	ssyncset.done $0x0  }
0xa6: {  	[sflag:s22] =	ssyncadd.s32 s4;
	_ =	sdelay $0x1  }
0xa7: {  	s23 =	simm.s32 $0x1B8B  }
0xa8: {  	_ =	swait.ge [sflag:s23], $0x1  }
0xa9: {  	[sflag:s23] =	ssyncset.done $0x0  }
0xaa: {  	s25 =	simm.s32 $0x1B8E;
	s24 =	sld [smem:$0x3FFE];
	[sflag:s23] =	ssyncadd.s32 $0xFFFFFFFF  }
0xab: {  	s26 =	simm.s32 $execute0_lowered;
	[smem:$0x3FD2] =	sst s25  }
0xac: {  	s5 =	sshll.u32 s26, $0x1;
	_ =	strace $0x80000046;
	[dreg:$0x1] =	wrdreg $0xFFFFFFFF  }
0xad: {  	s28 =	simm.s32 $_size_execute0_lowered;
	s3 =	sadd.s32 s3, s5;
	[dreg:$0x0] =	wrdreg $0x0  }
0xae: {  	s5 =	sshll.u32 s28, $0x1;
	[dreg:$0x2] =	wrdreg s3  }
0xaf: {  	[dreg:$0x3] =	wrdreg s5  }
0xb0: {  	[dreg:$0x4] =	wrdreg $0xC0  }
0xb1: {  	_ =	task [dreg:s7], $0x5FFFF  }
0xb2: {  	[dreg:$0x1] =	wrdreg $0xFFFFFFFF  }
0xb3: {  	[dreg:$0x0] =	wrdreg $0x60  }
0xb4: {  	[dreg:$0x2] =	wrdreg s24  }
0xb5: {  	[dreg:$0x3] =	wrdreg s16  }
0xb6: {  	[dreg:$0x4] =	wrdreg $0x28000  }
0xb7: {  	[dreg:$0x5] =	wrdreg $0xEB800  }
0xb8: {  	[dreg:$0x6] =	wrdreg $0xED000  }
0xb9: {  	[dreg:$0x7] =	wrdreg $0x9  }
0xba: {  	_ =	task.clear_ibuf [dreg:s7], $0x8FFFF;
	_ =	strace $0x90000046  }
0xbb: {  	s29 =	simm.s32 $0x9;
	_ =	strace $0x80000048  }
0xbc: {  	_ =	swait.ge [sflag:s29], $0x1  }
0xbd: {  	[sflag:s29] =	ssyncadd.s32 $0xFFFFFFFF  }
0xbe: {  	_ =	strace $0x90000048  }
0xbf: {  	_ =	sfence  }
0xc0: {  	s30 =	sld [smem:$0x0];
	_ =	sdelay $0x2  }
0xc1: {  	s31 =	sshll.u32 s1, $0xD;
	s1 =	sshrl.u32 s1, $0x2  }
0xc2: {  	s3 =	sand.u32 $0x4000, s31;
	s1 =	sadd.s32 s1, s30  }
0xc3: {  	s0 =	sor.u32 s3, s0;
	s1 =	sshll.u32 s1, $0x11  }
0xc4: {  	s0 =	sor.u32 s1, s0  }
0xc5: {  	s0 =	sadd.s32 $0x8F2B, s0  }
0xc6: {  	[sflag:s0] =	ssyncadd.remote.s32 $0x1  }
0xc7: {  	_ =	sfence.sel $0xFFFF  }
0xc8: {  	[dreg:$0x0] =	wrdreg $0xFFFFFFFF;
	(pc) =	sbr.abs _section_cstart, $3  }
0xc9: {  	[dreg:$0x1] =	wrdreg $0xFFFFFFFF  }
0xca: {  	_ =	task.clear_ibuf [dreg:s7], $0x2FFFF;
	_ =	strace $0x9FFFFFFF  }
0xcb: {  	(tm) =	ssettm $0x7FFFFFFF  }
tec
execute0_lowered:
.L_overlay_start_1:
0x0: {  	(tag) =	ssettag $0x1  }
0x1: {  	s0 =	rddreg [dreg:$0x0]  }
0x2: {  	s3 =	rddreg [dreg:$0x1]  }
0x3: {  	s1 =	rddreg [dreg:$0x2]  }
0x4: {  	s2 =	rddreg [dreg:$0x3]  }
0x5: {  	s24 =	rddreg [dreg:$0x4];
	s25 =	stileid.u32  }
0x6: {  	s5 =	simm.s32 $0x0;
	s4 =	srdreg.scid;
	s11 =	smul.u32 $0xC380, s25  }
0x7: {  	[smem:$0x7FF] =	sst s5;
	s6 =	sadd.s32 $0xBE000, s0;
	s14 =	smul.u32 $0x180, s25  }
0x8: {  	s4 =	sand.u32 $0x1, s4;
	s8 =	sshll.u32 s25, $0x1;
	s26 =	smul.u32 $0x31000, s25  }
0x9: {  	s7 =	sadd.s32 $0x6000, s0;
	s12 =	sadd.s32 $0x38000, s0;
	s10 =	smul.u32 $0xC3800, s4  }
0xa: {  	s20 =	sshll.u32 s25, $0x10;
	_ =	strace $0x80000047;
	s15 =	smul.u32 $0x1800, s4  }
0xb: {  	s9 =	sor.u32 s4, s8;
	s17 =	ssub.s32 $0x2, s4;
	s18 =	smul.u32 $0x18800, s4  }
0xc: {  	s28 =	smul.u32 $0xC800, s4;
	s8 =	sshll.u32 s9, $0x9;
	s21 =	sshll.u32 s9, $0x8  }
0xd: {  	s23 =	sshrl.u32 s17, $0x1;
	s24 =	sadd.s32 s14, s24;
	s13 =	sadd.s32 s8, s0  }
0xe: {  	s16 =	sadd.s32 s21, s0;
	s10 =	sadd.s32 s11, s10;
	s8 =	sadd.s32 $0x122000, s0  }
0xf: {  	s22 =	sadd.s32 s14, s15;
	s17 =	ssub.s32 s17, s23;
	s21 =	sshll.u32 s4, $0xF  }
0x10: {  	s23 =	sadd.s32 s18, s26;
	s26 =	sshll.u32 s9, $0xC;
	[dreg:$0xb] =	wrdreg s24  }
0x11: {  	s10 =	sshrl.u32 s10, $0x3;
	s20 =	sor.u32 s21, s20;
	s21 =	smul.u32 $0x19000, s25  }
0x12: {  	s18 =	sadd.s32 s12, s26;
	s25 =	sshll.u32 s25, $0x6;
	s24 =	sadd.s32 $0x58100, s13  }
0x13: {  	s31 =	sadd.s32 $0x58180, s13;
	s19 =	sadd.s32 s10, s0;
	s10 =	sshrl.u32 s22, $0x3  }
0x14: {  	[dreg:$0x7] =	wrdreg s18;
	s15 =	sor.u32 $0x1C03, s25;
	s25 =	sadd.s32 $0x120000, s16  }
0x15: {  	[dreg:$0x14] =	wrdreg s24;
	s22 =	sadd.s32 s10, s0;
	s3 =	sadd.s32 s3, s10  }
0x16: {  	s10 =	sor.u32 $0x800, s20;
	s21 =	sadd.s32 s28, s21;
	[dreg:$0xc] =	wrdreg s25  }
0x17: {  	s28 =	sadd.s32 $0x38080, s0;
	s0 =	sadd.s32 $0x123A00, s0;
	[dreg:$0x6] =	wrdreg s3  }
0x18: {  	s25 =	sadd.s32 $0x58080, s13;
	s4 =	sshrl.u32 s10, $0x3;
	[dreg:$0x8] =	wrdreg s0  }
0x19: {  	s20 =	sshrl.u32 s20, $0x3;
	[dreg:$0x15] =	wrdreg s25;
	s10 =	sadd.s32 s4, s12  }
0x1a: {  	s4 =	sadd.s32 s26, s28;
	s12 =	sadd.s32 s20, s28;
	s28 =	sadd.s32 s11, s1  }
0x1b: {  	s18 =	smul.u32 $0xC800, s9;
	s20 =	sadd.s32 s14, s2;
	[dreg:$0x9] =	wrdreg s28  }
0x1c: {  	s26 =	smul.u32 $0x18800, s9;
	s9 =	sadd.s32 $0x123E00, s22;
	[dreg:$0xa] =	wrdreg s20  }
0x1d: {  	s29 =	sadd.s32 $0x800, s23;
	s28 =	sadd.s32 $0x120080, s16;
	[dreg:$0xe] =	wrdreg s9  }
0x1e: {  	s16 =	sadd.s32 $0x155200, s19;
	s20 =	sadd.s32 $0x58000, s13;
	s0 =	sadd.s32 $0xF00, s4  }
0x1f: {  	s9 =	sadd.s32 $0x800, s21;
	s11 =	sshrl.u32 s26, $0x3;
	[dreg:$0xd] =	wrdreg s28  }
0x20: {  	s26 =	sshrl.u32 s18, $0x3;
	[dreg:$0x10] =	wrdreg s16;
	s18 =	sadd.s32 $0x186000, s19  }
0x21: {  	[dreg:$0x13] =	wrdreg s20;
	s28 =	sshrl.u32 s21, $0x3;
	s16 =	simm.s32 $0x3  }
0x22: {  	s20 =	simm.s32 $0x400;
	s21 =	simm.s32 $0x2;
	s14 =	sadd.s32 s6, s11  }
0x23: {  	s22 =	sadd.s32 s7, s26;
	s11 =	sadd.s32 $0x124400, s19;
	[dreg:$0x11] =	wrdreg s18  }
0x24: {  	s19 =	smax.u32 s17, $0x1;
	s26 =	sshrl.u32 s23, $0x3;
	[dreg:$0xf] =	wrdreg s11  }
0x25: {  	s17 =	simm.s32 $0x800;
	s23 =	simm.s32 $0x0;
	[dreg:$0x12] =	wrdreg s19  }
0x26: {  	s3 =	sadd.s32 s26, s6;
	s11 =	sadd.s32 s28, s7;
	s30 =	smov.u32 s14  }
0x27: {  	s13 =	sadd.s32 $0x3080, s14;
	s14 =	sadd.s32 $0x1880, s22;
	s19 =	simm.s32 $0x1  }
.LBB2_1:
0x28: {  	s4 =	rddreg [dreg:$0x9]  }
0x29: {  	s24 =	sshrl.u32 s4, $0x3  }
0x2a: {  	[spmem:s24], [sflag:s15] =	dma.local [hbm:s8], $0x1870  }
0x2b: {  	_ =	swait.ge [sflag:s16], $0x1870  }
0x2c: {  	[sflag:s16] =	ssyncset.done $0x0;
	s18 =	rddreg [dreg:$0xa]  }
0x2d: {  	[sflag:s16] =	ssyncadd.s32 $0xFFFFE790;
	s26 =	sshrl.u32 s18, $0x3  }
0x2e: {  	[spmem:s26], [sflag:s15] =	dma.local [hbm:s8], $0x30  }
0x2f: {  	_ =	swait.ge [sflag:s16], $0x30  }
0x30: {  	[sflag:s16] =	ssyncset.done $0x0;
	s25 =	rddreg [dreg:$0xb]  }
0x31: {  	[sflag:s16] =	ssyncadd.s32 $0xFFFFFFD0;
	s25 =	sshrl.u32 s25, $0x3  }
0x32: {  	[spmem:s25], [sflag:s15] =	dma.local [hbm:s8], $0x30  }
0x33: {  	_ =	swait.ge [sflag:s16], $0x30  }
0x34: {  	[sflag:s16] =	ssyncset.done $0x0  }
0x35: {  	s18 =	rddreg [dreg:$0x8];
	[sflag:s16] =	ssyncadd.s32 $0xFFFFFFD0  }
0x36: {  	[tilespmem:s17], [sflag:$0x3] =	stream.linear.gather [hbm4b:s18+s5], $0x2000, $0x38;
	[tilespmem:$0xEE80] =	vst v63  }
0x37: {  	_ =	swait.ge [sflag:s16], $0x2000  }
0x38: {  	[sflag:s16] =	ssyncset.done $0x0  }
0x39: {  	[sflag:s16] =	ssyncadd.s32 $0xFFFFE000  }
0x3a: {  	[bflag:$0x0] =	sbarrier.arrive $0xFFFF  }
0x3b: {  	[tilespmem:s5], [sflag:$0x1] =	stream.linear.gather [hbm4b:s30+s5], $0x400, $0x38;
	[tilespmem:$0xEE80] =	vst v63  }
0x3c: {  	_ =	swait.ge [sflag:s19], $0x400  }
0x3d: {  	[sflag:s19] =	ssyncset.done $0x0  }
0x3e: {  	s18 =	sadd.s32 $0x80, s3;
	[sflag:s19] =	ssyncadd.s32 $0xFFFFFC00  }
0x3f: {  	[tilespmem:s20], [sflag:$0x2] =	stream.linear.gather [hbm4b:s18+s5], $0x400, $0x38;
	[tilespmem:$0xEE80] =	vst v63  }
0x40: {  	_ = 	snop  }
0x41: {  	[spmem:s1] =	stream.indirect.scatter.add.f32 [tilespmem:s17], [sflag:$0x3], $0x8, s5, s20, $0xb8;
	[tilespmem:$0xEE80] =	vst v63  }
0x42: {  	_ =	swait.ge [sflag:s16], $0x2000  }
0x43: {  	[sflag:s16] =	ssyncset.done $0x0  }
0x44: {  	[sflag:s16] =	ssyncadd.s32 $0xFFFFE000  }
0x45: {  	_ =	swait.ge [sflag:s21], $0x400  }
0x46: {  	s18 =	sshrl.u32 s29, $0x3;
	[sflag:s21] =	ssyncset.done $0x0  }
0x47: {  	s4 =	sadd.s32 s6, s18;
	[sflag:s21] =	ssyncadd.s32 $0xFFFFFC00  }
0x48: {  	[tilespmem:s5], [sflag:$0x1] =	stream.linear.gather [hbm4b:s4+s5], $0x400, $0x38;
	[tilespmem:$0xEE80] =	vst v63  }
0x49: {  	_ = 	snop  }
0x4a: {  	[spmem:s1] =	stream.indirect.scatter.add.f32 [tilespmem:s17], [sflag:$0x3], $0x8, s20, s20, $0xb8;
	[tilespmem:$0xEE80] =	vst v63  }
0x4b: {  	_ =	swait.ge [sflag:s16], $0x2000  }
0x4c: {  	s28 =	simm.s32 $0x180;
	s4 =	smov.u32 s29;
	[sflag:s16] =	ssyncset.done $0x0  }
.LBB2_2:
0x4d: {  	p0 =	sne.s32 s28, $0x2F80;
	[sflag:s16] =	ssyncadd.s32 $0xFFFFE000;
	s4 =	sadd.s32 $0x800, s4  }
0x4e: {  	s18 =	smov.u32 s28;
	s28 =	sadd.s32 $0x100, s28  }
0x4f: {  	_ =	swait.ge [sflag:s19], $0x400  }
0x50: {  	[sflag:s19] =	ssyncset.done $0x0  }
0x51: {  	s18 =	sadd.s32 s18, s3;
	[sflag:s19] =	ssyncadd.s32 $0xFFFFFC00  }
0x52: {  	[tilespmem:s20], [sflag:$0x2] =	stream.linear.gather [hbm4b:s18+s5], $0x400, $0x38;
	[tilespmem:$0xEE80] =	vst v63  }
0x53: {  	_ = 	snop  }
0x54: {  	[spmem:s1] =	stream.indirect.scatter.add.f32 [tilespmem:s17], [sflag:$0x3], $0x8, s5, s20, $0xb8;
	[tilespmem:$0xEE80] =	vst v63  }
0x55: {  	_ =	swait.ge [sflag:s16], $0x2000  }
0x56: {  	[sflag:s16] =	ssyncset.done $0x0  }
0x57: {  	[sflag:s16] =	ssyncadd.s32 $0xFFFFE000  }
0x58: {  	_ =	swait.ge [sflag:s21], $0x400  }
0x59: {  	s18 =	sshrl.u32 s4, $0x3;
	[sflag:s21] =	ssyncset.done $0x0  }
0x5a: {  	s18 =	sadd.s32 s6, s18;
	[sflag:s21] =	ssyncadd.s32 $0xFFFFFC00  }
0x5b: {  	[tilespmem:s5], [sflag:$0x1] =	stream.linear.gather [hbm4b:s18+s5], $0x400, $0x38;
	[tilespmem:$0xEE80] =	vst v63  }
.Ltmp0:
0x5c: {  	_ = 	snop;
	(pc) =	sbr.rel @p0 .LBB2_2-.Ltmp0, $4  }
0x5d: {  	_ = 	snop  }
0x5e: {  	[spmem:s1] =	stream.indirect.scatter.add.f32 [tilespmem:s17], [sflag:$0x3], $0x8, s20, s20, $0xb8;
	[tilespmem:$0xEE80] =	vst v63  }
0x5f: {  	_ =	swait.ge [sflag:s16], $0x2000  }
0x60: {  	[sflag:s16] =	ssyncset.done $0x0  }
0x61: {  	[sflag:s16] =	ssyncadd.s32 $0xFFFFE000  }
0x62: {  	_ =	swait.ge [sflag:s19], $0x400  }
0x63: {  	[sflag:s19] =	ssyncset.done $0x0  }
0x64: {  	[sflag:s19] =	ssyncadd.s32 $0xFFFFFC00  }
0x65: {  	[tilespmem:s20], [sflag:$0x2] =	stream.linear.gather [hbm4b:s13+s5], $0x400, $0x38;
	[tilespmem:$0xEE80] =	vst v63  }
0x66: {  	_ = 	snop  }
0x67: {  	[spmem:s1] =	stream.indirect.scatter.add.f32 [tilespmem:s17], [sflag:$0x3], $0x8, s5, s20, $0xb8;
	[tilespmem:$0xEE80] =	vst v63  }
0x68: {  	_ =	swait.ge [sflag:s16], $0x2000  }
0x69: {  	[sflag:s16] =	ssyncset.done $0x0  }
0x6a: {  	[sflag:s16] =	ssyncadd.s32 $0xFFFFE000  }
0x6b: {  	_ =	swait.ge [sflag:s21], $0x400  }
0x6c: {  	[sflag:s21] =	ssyncset.done $0x0  }
0x6d: {  	[sflag:s21] =	ssyncadd.s32 $0xFFFFFC00  }
0x6e: {  	[spmem:s1] =	stream.indirect.scatter.add.f32 [tilespmem:s17], [sflag:$0x3], $0x8, s20, s20, $0xb8;
	[tilespmem:$0xEE80] =	vst v63  }
0x6f: {  	_ =	swait.ge [sflag:s16], $0x2000  }
0x70: {  	[sflag:s16] =	ssyncset.done $0x0  }
0x71: {  	s4 =	rddreg [dreg:$0x13];
	[sflag:s16] =	ssyncadd.s32 $0xFFFFE000  }
0x72: {  	[tilespmem:s5], [sflag:$0x1] =	stream.linear.gather [hbm4b:s4+s5], $0x400, $0x38;
	[tilespmem:$0xEE80] =	vst v63  }
0x73: {  	_ =	swait.ge [sflag:s19], $0x400  }
0x74: {  	[sflag:s19] =	ssyncset.done $0x0  }
0x75: {  	s28 =	rddreg [dreg:$0x15];
	[sflag:s19] =	ssyncadd.s32 $0xFFFFFC00  }
0x76: {  	[tilespmem:s20], [sflag:$0x2] =	stream.linear.gather [hbm4b:s28+s5], $0x400, $0x38;
	[tilespmem:$0xEE80] =	vst v63  }
0x77: {  	_ = 	snop  }
0x78: {  	[spmem:s2] =	stream.indirect.scatter.add.f32 [tilespmem:s17], [sflag:$0x3], $0x8, s5, s20, $0xb8;
	[tilespmem:$0xEE80] =	vst v63  }
0x79: {  	_ =	swait.ge [sflag:s16], $0x2000  }
0x7a: {  	[sflag:s16] =	ssyncset.done $0x0  }
0x7b: {  	[sflag:s16] =	ssyncadd.s32 $0xFFFFE000  }
0x7c: {  	_ =	swait.ge [sflag:s21], $0x400  }
0x7d: {  	[sflag:s21] =	ssyncset.done $0x0  }
0x7e: {  	s18 =	rddreg [dreg:$0x14];
	[sflag:s21] =	ssyncadd.s32 $0xFFFFFC00  }
0x7f: {  	[tilespmem:s5], [sflag:$0x1] =	stream.linear.gather [hbm4b:s18+s5], $0x400, $0x38;
	[tilespmem:$0xEE80] =	vst v63  }
0x80: {  	_ = 	snop  }
0x81: {  	[spmem:s2] =	stream.indirect.scatter.add.f32 [tilespmem:s17], [sflag:$0x3], $0x8, s20, s20, $0xb8;
	[tilespmem:$0xEE80] =	vst v63  }
0x82: {  	_ =	swait.ge [sflag:s16], $0x2000  }
0x83: {  	[sflag:s16] =	ssyncset.done $0x0  }
0x84: {  	[sflag:s16] =	ssyncadd.s32 $0xFFFFE000  }
0x85: {  	_ =	swait.ge [sflag:s19], $0x400  }
0x86: {  	[sflag:s19] =	ssyncset.done $0x0  }
0x87: {  	[sflag:s19] =	ssyncadd.s32 $0xFFFFFC00  }
0x88: {  	[tilespmem:s20], [sflag:$0x2] =	stream.linear.gather [hbm4b:s31+s5], $0x400, $0x38;
	[tilespmem:$0xEE80] =	vst v63  }
0x89: {  	_ = 	snop  }
0x8a: {  	[spmem:s2] =	stream.indirect.scatter.add.f32 [tilespmem:s17], [sflag:$0x3], $0x8, s5, s20, $0xb8;
	[tilespmem:$0xEE80] =	vst v63  }
0x8b: {  	_ =	swait.ge [sflag:s16], $0x2000  }
0x8c: {  	[sflag:s16] =	ssyncset.done $0x0  }
0x8d: {  	[sflag:s16] =	ssyncadd.s32 $0xFFFFE000  }
0x8e: {  	_ =	swait.ge [sflag:s21], $0x400  }
0x8f: {  	[sflag:s21] =	ssyncset.done $0x0  }
0x90: {  	[sflag:s21] =	ssyncadd.s32 $0xFFFFFC00  }
0x91: {  	[spmem:s2] =	stream.indirect.scatter.add.f32 [tilespmem:s17], [sflag:$0x3], $0x8, s20, s20, $0xb8;
	[tilespmem:$0xEE80] =	vst v63  }
0x92: {  	_ =	swait.ge [sflag:s16], $0x2000  }
0x93: {  	[sflag:s16] =	ssyncset.done $0x0  }
0x94: {  	[sflag:s16] =	ssyncadd.s32 $0xFFFFE000  }
0x95: {  	[bflag:$0x0] =	sbarrier.arrive $0xFFFF  }
0x96: {  	s28 =	rddreg [dreg:$0xf]  }
0x97: {  	[hbm:s28], [sflag:s15] =	dma.local [spmem:s24], $0x1870  }
0x98: {  	_ =	swait.ge [sflag:s16], $0x1870  }
0x99: {  	[sflag:s16] =	ssyncset.done $0x0  }
0x9a: {  	[sflag:s16] =	ssyncadd.s32 $0xFFFFE790  }
0x9b: {  	[spmem:s24], [sflag:s15] =	dma.local [hbm:s8], $0x1870  }
0x9c: {  	_ =	swait.ge [sflag:s16], $0x1870  }
0x9d: {  	[sflag:s16] =	ssyncset.done $0x0  }
0x9e: {  	s18 =	rddreg [dreg:$0x6];
	[sflag:s16] =	ssyncadd.s32 $0xFFFFE790  }
0x9f: {  	[hbm:s18], [sflag:s15] =	dma.local [spmem:s26], $0x30  }
0xa0: {  	_ =	swait.ge [sflag:s16], $0x30  }
0xa1: {  	[sflag:s16] =	ssyncset.done $0x0  }
0xa2: {  	[sflag:s16] =	ssyncadd.s32 $0xFFFFFFD0  }
0xa3: {  	[bflag:$0x0] =	sbarrier.arrive $0xFFFF  }
0xa4: {  	[tilespmem:s5], [sflag:$0x1] =	stream.linear.gather [hbm4b:s22+s5], $0x400, $0x38;
	[tilespmem:$0xEE80] =	vst v63  }
0xa5: {  	_ =	swait.ge [sflag:s19], $0x400  }
0xa6: {  	[sflag:s19] =	ssyncset.done $0x0  }
0xa7: {  	s26 =	sadd.s32 $0x80, s11;
	[sflag:s19] =	ssyncadd.s32 $0xFFFFFC00  }
0xa8: {  	[tilespmem:s20], [sflag:$0x2] =	stream.linear.gather [hbm4b:s26+s5], $0x400, $0x38;
	[tilespmem:$0xEE80] =	vst v63  }
0xa9: {  	_ = 	snop  }
0xaa: {  	[spmem:s1] =	stream.indirect.scatter.add.f32 [tilespmem:s17], [sflag:$0x3], $0x8, s5, s20, $0xb8;
	[tilespmem:$0xEE80] =	vst v63  }
0xab: {  	_ =	swait.ge [sflag:s16], $0x2000  }
0xac: {  	[sflag:s16] =	ssyncset.done $0x0  }
0xad: {  	[sflag:s16] =	ssyncadd.s32 $0xFFFFE000  }
0xae: {  	_ =	swait.ge [sflag:s21], $0x400  }
0xaf: {  	s28 =	sshrl.u32 s9, $0x3;
	[sflag:s21] =	ssyncset.done $0x0  }
0xb0: {  	s4 =	sadd.s32 s7, s28;
	[sflag:s21] =	ssyncadd.s32 $0xFFFFFC00  }
0xb1: {  	[tilespmem:s5], [sflag:$0x1] =	stream.linear.gather [hbm4b:s4+s5], $0x400, $0x38;
	[tilespmem:$0xEE80] =	vst v63  }
0xb2: {  	_ = 	snop  }
0xb3: {  	[spmem:s1] =	stream.indirect.scatter.add.f32 [tilespmem:s17], [sflag:$0x3], $0x8, s20, s20, $0xb8;
	[tilespmem:$0xEE80] =	vst v63  }
0xb4: {  	_ =	swait.ge [sflag:s16], $0x2000  }
0xb5: {  	s26 =	simm.s32 $0x180;
	s4 =	smov.u32 s9;
	[sflag:s16] =	ssyncset.done $0x0  }
.LBB2_4:
0xb6: {  	p0 =	sne.s32 s26, $0x1780;
	[sflag:s16] =	ssyncadd.s32 $0xFFFFE000;
	s4 =	sadd.s32 $0x800, s4  }
0xb7: {  	s18 =	smov.u32 s26;
	s26 =	sadd.s32 $0x100, s26  }
0xb8: {  	_ =	swait.ge [sflag:s19], $0x400  }
0xb9: {  	[sflag:s19] =	ssyncset.done $0x0  }
0xba: {  	s18 =	sadd.s32 s18, s11;
	[sflag:s19] =	ssyncadd.s32 $0xFFFFFC00  }
0xbb: {  	[tilespmem:s20], [sflag:$0x2] =	stream.linear.gather [hbm4b:s18+s5], $0x400, $0x38;
	[tilespmem:$0xEE80] =	vst v63  }
0xbc: {  	_ = 	snop  }
0xbd: {  	[spmem:s1] =	stream.indirect.scatter.add.f32 [tilespmem:s17], [sflag:$0x3], $0x8, s5, s20, $0xb8;
	[tilespmem:$0xEE80] =	vst v63  }
0xbe: {  	_ =	swait.ge [sflag:s16], $0x2000  }
0xbf: {  	[sflag:s16] =	ssyncset.done $0x0  }
0xc0: {  	[sflag:s16] =	ssyncadd.s32 $0xFFFFE000  }
0xc1: {  	_ =	swait.ge [sflag:s21], $0x400  }
0xc2: {  	s18 =	sshrl.u32 s4, $0x3;
	[sflag:s21] =	ssyncset.done $0x0  }
0xc3: {  	s18 =	sadd.s32 s7, s18;
	[sflag:s21] =	ssyncadd.s32 $0xFFFFFC00  }
0xc4: {  	[tilespmem:s5], [sflag:$0x1] =	stream.linear.gather [hbm4b:s18+s5], $0x400, $0x38;
	[tilespmem:$0xEE80] =	vst v63  }
.Ltmp1:
0xc5: {  	_ = 	snop;
	(pc) =	sbr.rel @p0 .LBB2_4-.Ltmp1, $4  }
0xc6: {  	_ = 	snop  }
0xc7: {  	[spmem:s1] =	stream.indirect.scatter.add.f32 [tilespmem:s17], [sflag:$0x3], $0x8, s20, s20, $0xb8;
	[tilespmem:$0xEE80] =	vst v63  }
0xc8: {  	_ =	swait.ge [sflag:s16], $0x2000  }
0xc9: {  	[sflag:s16] =	ssyncset.done $0x0  }
0xca: {  	[sflag:s16] =	ssyncadd.s32 $0xFFFFE000  }
0xcb: {  	_ =	swait.ge [sflag:s19], $0x400  }
0xcc: {  	[sflag:s19] =	ssyncset.done $0x0  }
0xcd: {  	s4 =	simm.s32 $0x0;
	[sflag:s19] =	ssyncadd.s32 $0xFFFFFC00  }
0xce: {  	[tilespmem:s20], [sflag:$0x2] =	stream.linear.gather [hbm4b:s14+s4], $0x400, $0x38;
	[tilespmem:$0xEE80] =	vst v63  }
0xcf: {  	_ = 	snop  }
0xd0: {  	[spmem:s1] =	stream.indirect.scatter.add.f32 [tilespmem:s17], [sflag:$0x3], $0x8, s4, s20, $0xb8;
	[tilespmem:$0xEE80] =	vst v63  }
0xd1: {  	_ =	swait.ge [sflag:s16], $0x2000  }
0xd2: {  	[sflag:s16] =	ssyncset.done $0x0  }
0xd3: {  	[sflag:s16] =	ssyncadd.s32 $0xFFFFE000  }
0xd4: {  	_ =	swait.ge [sflag:s21], $0x400  }
0xd5: {  	[sflag:s21] =	ssyncset.done $0x0  }
0xd6: {  	[sflag:s21] =	ssyncadd.s32 $0xFFFFFC00  }
0xd7: {  	[spmem:s1] =	stream.indirect.scatter.add.f32 [tilespmem:s17], [sflag:$0x3], $0x8, s20, s20, $0xb8;
	[tilespmem:$0xEE80] =	vst v63  }
0xd8: {  	_ =	swait.ge [sflag:s16], $0x2000  }
0xd9: {  	[sflag:s16] =	ssyncset.done $0x0  }
0xda: {  	s18 =	rddreg [dreg:$0xc];
	[sflag:s16] =	ssyncadd.s32 $0xFFFFE000  }
0xdb: {  	[tilespmem:s4], [sflag:$0x1] =	stream.linear.gather [hbm4b:s18+s4], $0x400, $0x38;
	[tilespmem:$0xEE80] =	vst v63  }
0xdc: {  	_ =	swait.ge [sflag:s19], $0x400  }
0xdd: {  	[sflag:s19] =	ssyncset.done $0x0  }
0xde: {  	s26 =	rddreg [dreg:$0xd];
	[sflag:s19] =	ssyncadd.s32 $0xFFFFFC00  }
0xdf: {  	[tilespmem:s20], [sflag:$0x2] =	stream.linear.gather [hbm4b:s26+s4], $0x400, $0x38;
	[tilespmem:$0xEE80] =	vst v63  }
0xe0: {  	s28 =	rddreg [dreg:$0x4]  }
0xe1: {  	[spmem:s28] =	stream.indirect.scatter.add.f32 [tilespmem:s17], [sflag:$0x3], $0x8, s4, s20, $0xb8;
	[tilespmem:$0xEE80] =	vst v63  }
0xe2: {  	_ =	swait.ge [sflag:s16], $0x2000  }
0xe3: {  	[sflag:s16] =	ssyncset.done $0x0  }
0xe4: {  	[sflag:s16] =	ssyncadd.s32 $0xFFFFE000  }
0xe5: {  	_ =	swait.ge [sflag:s21], $0x400  }
0xe6: {  	[sflag:s21] =	ssyncset.done $0x0  }
0xe7: {  	[sflag:s21] =	ssyncadd.s32 $0xFFFFFC00  }
0xe8: {  	[spmem:s28] =	stream.indirect.scatter.add.f32 [tilespmem:s17], [sflag:$0x3], $0x8, s20, s20, $0xb8;
	[tilespmem:$0xEE80] =	vst v63  }
0xe9: {  	_ =	swait.ge [sflag:s16], $0x2000  }
0xea: {  	[sflag:s16] =	ssyncset.done $0x0  }
0xeb: {  	[sflag:s16] =	ssyncadd.s32 $0xFFFFE000  }
0xec: {  	[bflag:$0x0] =	sbarrier.arrive $0xFFFF  }
0xed: {  	s26 =	rddreg [dreg:$0x10]  }
0xee: {  	[hbm:s26], [sflag:s15] =	dma.local [spmem:s24], $0x1870  }
0xef: {  	_ =	swait.ge [sflag:s16], $0x1870  }
0xf0: {  	[sflag:s16] =	ssyncset.done $0x0  }
0xf1: {  	[sflag:s16] =	ssyncadd.s32 $0xFFFFE790  }
0xf2: {  	[spmem:s24], [sflag:s15] =	dma.local [hbm:s8], $0x1870  }
0xf3: {  	_ =	swait.ge [sflag:s16], $0x1870  }
0xf4: {  	[sflag:s16] =	ssyncset.done $0x0  }
0xf5: {  	s28 =	rddreg [dreg:$0xe];
	[sflag:s16] =	ssyncadd.s32 $0xFFFFE790  }
0xf6: {  	[hbm:s28], [sflag:s15] =	dma.local [spmem:s25], $0x30  }
0xf7: {  	_ =	swait.ge [sflag:s16], $0x30  }
0xf8: {  	[sflag:s16] =	ssyncset.done $0x0  }
0xf9: {  	[sflag:s16] =	ssyncadd.s32 $0xFFFFFFD0  }
0xfa: {  	[bflag:$0x0] =	sbarrier.arrive $0xFFFF  }
0xfb: {  	s25 =	rddreg [dreg:$0x7]  }
0xfc: {  	[tilespmem:s4], [sflag:$0x1] =	stream.linear.gather [hbm4b:s25+s4], $0x400, $0x38;
	[tilespmem:$0xEE80] =	vst v63  }
0xfd: {  	_ =	swait.ge [sflag:s19], $0x400  }
0xfe: {  	[sflag:s19] =	ssyncset.done $0x0  }
0xff: {  	s26 =	sadd.s32 $0x0, s12;
	[sflag:s19] =	ssyncadd.s32 $0xFFFFFC00  }
0x100: {  	[tilespmem:s20], [sflag:$0x2] =	stream.linear.gather [hbm4b:s26+s5], $0x400, $0x38;
	[tilespmem:$0xEE80] =	vst v63  }
0x101: {  	_ = 	snop  }
0x102: {  	[spmem:s1] =	stream.indirect.scatter.add.f32 [tilespmem:s17], [sflag:$0x3], $0x8, s5, s20, $0xb8;
	[tilespmem:$0xEE80] =	vst v63  }
0x103: {  	_ =	swait.ge [sflag:s16], $0x2000  }
0x104: {  	[sflag:s16] =	ssyncset.done $0x0  }
0x105: {  	[sflag:s16] =	ssyncadd.s32 $0xFFFFE000  }
0x106: {  	_ =	swait.ge [sflag:s21], $0x400  }
0x107: {  	[sflag:s21] =	ssyncset.done $0x0  }
0x108: {  	s28 =	sadd.s32 $0x0, s10;
	[sflag:s21] =	ssyncadd.s32 $0xFFFFFC00  }
0x109: {  	[tilespmem:s5], [sflag:$0x1] =	stream.linear.gather [hbm4b:s28+s5], $0x400, $0x38;
	[tilespmem:$0xEE80] =	vst v63  }
0x10a: {  	_ = 	snop  }
0x10b: {  	[spmem:s1] =	stream.indirect.scatter.add.f32 [tilespmem:s17], [sflag:$0x3], $0x8, s20, s20, $0xb8;
	[tilespmem:$0xEE80] =	vst v63  }
0x10c: {  	_ =	swait.ge [sflag:s16], $0x2000  }
0x10d: {  	s4 =	simm.s32 $0x100;
	[sflag:s16] =	ssyncset.done $0x0  }
.LBB2_6:
0x10e: {  	p0 =	sne.s32 s4, $0xE00  }
0x10f: {  	[sflag:s16] =	ssyncadd.s32 $0xFFFFE000;
	s18 =	smov.u32 s4;
	s4 =	sadd.s32 $0x100, s4  }
0x110: {  	_ = 	snop  }
0x111: {  	_ =	swait.ge [sflag:s19], $0x400  }
0x112: {  	[sflag:s19] =	ssyncset.done $0x0  }
0x113: {  	s25 =	sadd.s32 s18, s12;
	[sflag:s19] =	ssyncadd.s32 $0xFFFFFC00  }
0x114: {  	[tilespmem:s20], [sflag:$0x2] =	stream.linear.gather [hbm4b:s25+s5], $0x400, $0x38;
	[tilespmem:$0xEE80] =	vst v63  }
0x115: {  	_ = 	snop  }
0x116: {  	[spmem:s1] =	stream.indirect.scatter.add.f32 [tilespmem:s17], [sflag:$0x3], $0x8, s5, s20, $0xb8;
	[tilespmem:$0xEE80] =	vst v63  }
0x117: {  	_ =	swait.ge [sflag:s16], $0x2000  }
0x118: {  	[sflag:s16] =	ssyncset.done $0x0  }
0x119: {  	[sflag:s16] =	ssyncadd.s32 $0xFFFFE000  }
0x11a: {  	_ =	swait.ge [sflag:s21], $0x400  }
0x11b: {  	[sflag:s21] =	ssyncset.done $0x0  }
0x11c: {  	s18 =	sadd.s32 s18, s10;
	[sflag:s21] =	ssyncadd.s32 $0xFFFFFC00  }
0x11d: {  	[tilespmem:s5], [sflag:$0x1] =	stream.linear.gather [hbm4b:s18+s5], $0x400, $0x38;
	[tilespmem:$0xEE80] =	vst v63  }
.Ltmp2:
0x11e: {  	_ = 	snop;
	(pc) =	sbr.rel @p0 .LBB2_6-.Ltmp2, $4  }
0x11f: {  	_ = 	snop  }
0x120: {  	[spmem:s1] =	stream.indirect.scatter.add.f32 [tilespmem:s17], [sflag:$0x3], $0x8, s20, s20, $0xb8;
	[tilespmem:$0xEE80] =	vst v63  }
0x121: {  	_ =	swait.ge [sflag:s16], $0x2000  }
0x122: {  	[sflag:s16] =	ssyncset.done $0x0  }
0x123: {  	[sflag:s16] =	ssyncadd.s32 $0xFFFFE000  }
0x124: {  	_ =	swait.ge [sflag:s19], $0x400  }
0x125: {  	[sflag:s19] =	ssyncset.done $0x0  }
0x126: {  	[sflag:s19] =	ssyncadd.s32 $0xFFFFFC00  }
0x127: {  	[tilespmem:s20], [sflag:$0x2] =	stream.linear.gather [hbm4b:s0+s5], $0x400, $0x38;
	[tilespmem:$0xEE80] =	vst v63  }
0x128: {  	_ = 	snop  }
0x129: {  	[spmem:s1] =	stream.indirect.scatter.add.f32 [tilespmem:s17], [sflag:$0x3], $0x8, s5, s20, $0xb8;
	[tilespmem:$0xEE80] =	vst v63  }
0x12a: {  	_ =	swait.ge [sflag:s16], $0x2000  }
0x12b: {  	[sflag:s16] =	ssyncset.done $0x0  }
0x12c: {  	[sflag:s16] =	ssyncadd.s32 $0xFFFFE000  }
0x12d: {  	_ =	swait.ge [sflag:s21], $0x400  }
0x12e: {  	[sflag:s21] =	ssyncset.done $0x0  }
0x12f: {  	[sflag:s21] =	ssyncadd.s32 $0xFFFFFC00  }
0x130: {  	[spmem:s1] =	stream.indirect.scatter.add.f32 [tilespmem:s17], [sflag:$0x3], $0x8, s20, s20, $0xb8;
	[tilespmem:$0xEE80] =	vst v63  }
0x131: {  	_ =	swait.ge [sflag:s16], $0x2000  }
0x132: {  	[sflag:s16] =	ssyncset.done $0x0  }
0x133: {  	[sflag:s16] =	ssyncadd.s32 $0xFFFFE000  }
0x134: {  	[bflag:$0x0] =	sbarrier.arrive $0xFFFF  }
0x135: {  	s4 =	rddreg [dreg:$0x11]  }
0x136: {  	[hbm:s4], [sflag:s15] =	dma.local [spmem:s24], $0x1870  }
0x137: {  	_ =	swait.ge [sflag:s16], $0x1870  }
0x138: {  	s23 =	sadd.s32 $0x1, s23;
	s28 =	rddreg [dreg:$0x12]  }
0x139: {  	p0 =	sne.s32 s23, s28  }
.Ltmp3:
0x13a: {  	_ = 	snop;
	(pc) =	sbr.rel @p0 .LBB2_1-.Ltmp3, $3  }
0x13b: {  	[sflag:s16] =	ssyncset.done $0x0  }
0x13c: {  	[sflag:s16] =	ssyncadd.s32 $0xFFFFE790  }
0x13d: {  	[bflag:$0x0] =	sbarrier.arrive $0xFFFF;
	_ =	sdelay $0x1  }
0x13e: {  	_ =	sfence.sel $0x180000  }
0x13f: {  	[bflag:$0x0] =	sbarrier.arrive $0xFFFF  }
0x140: {  	_ =	strace $0x90000047  }
0x141: {  	s0 =	stileid.u32;
	[bflag:$0x2] =	sbarrier.arrive $0xFFFF  }
0x142: {  	p0 =	sne.s32 s0, $0x0;
	s0 =	rddreg [dreg:$0x5]  }
0x143: {  	s0 =	sadd.s32 @!p0 $0x100000, s0  }
0x144: {  	[sflag:s0] =	ssyncadd.tile.s32 @!p0 $0x1;
	_ =	shalt  }
.Lfunc_end2:
_tile_overlayer_lowered:
.L_overlay_start_2:
0x145: {  	(tag) =	ssettag $0x2  }
0x146: {  	s0 =	rddreg [dreg:$0x0];
	s2 =	stileid.u32  }
0x147: {  	s1 =	rddreg [dreg:$0x1];
	p0 =	sne.s32 s2, $0x0  }
0x148: {  	s3 =	rddreg [dreg:$0x2];
	[bflag:$0x3] =	sbarrier.arrive $0xFFFF;
	s2 =	simm.s32 @!p0 $0x1C03  }
0x149: {  	[timem:s3], [sflag:s2] =	dma.local @!p0 [hbm:s0], s1  }
0x14a: {  	s0 =	simm.s32 @!p0 $0x3  }
0x14b: {  	_ =	swait.ge @!p0 [sflag:s0], s1  }
0x14c: {  	s1 =	ssub.s32 @!p0 $0x0, s1;
	[sflag:s0] =	ssyncset.done @!p0 $0x0  }
0x14d: {  	[sflag:s0] =	ssyncadd.s32 @!p0 s1  }
0x14e: {  	[bflag:$0x3] =	sbarrier.arrive $0xFFFF  }
0x14f: {  	_ =	shalt  }

</sc_bundles>
